<compile_context>
chip_gen: v7x
topology: tpu7x:2x2x1
jax: 0.10.2.dev20260603
libtpu: 0.0.44.dev20260713+nightly
codegen_flags: <defaults>
</compile_context>

<pallas_src>
import jax
import jax.numpy as jnp
from jax import lax
from jax.experimental import pallas as pl
from jax.experimental.pallas import tpu as pltpu
from jax.experimental.pallas import tpu_sc as plsc

N = 50000
NP = 51200
RB = 2000
NG = N // RB
NC = 2
NS = 16
LB = 128
NW = NC * NS
NB = 196
EPW = NB * LB
EP = NW * EPW
E = 800000
TPR = NP // NS
TFC = TPR // LB



def _mm1_body(x_ref, w_ref, b_ref, s_ref, y_ref):
    r = jnp.dot(x_ref[...], w_ref[...], preferred_element_type=jnp.float32) + b_ref[...]
    s_ref[...] = r[:, :32]
    y_ref[...] = r[:, 32:]


def _mid_body(s_ref, agg_ref, deg_ref, w_ref, b_ref, s2_ref, y_ref, rd_ref):
    a = agg_ref[...]
    d = deg_ref[...]
    rd = 1.0 / jnp.maximum(d[0] + d[1], 1.0)
    h = s_ref[...] + (a[0] + a[1]) * rd
    r = jnp.dot(h, w_ref[...], preferred_element_type=jnp.float32) + b_ref[...]
    s2_ref[...] = r[:, :16]
    y_ref[...] = r[:, 16:]
    rd_ref[...] = jnp.broadcast_to(rd, (RB, 16))


def _out_body(s_ref, agg_ref, rd_ref, o_ref):
    a = agg_ref[...]
    o_ref[...] = s_ref[...] + (a[0] + a[1]) * rd_ref[...]


def _mm1(x, w, b):
    return pl.pallas_call(
        _mm1_body,
        grid=(NG,),
        in_specs=[
            pl.BlockSpec((RB, 64), lambda i: (i, 0)),
            pl.BlockSpec((64, 64), lambda i: (0, 0)),
            pl.BlockSpec((1, 64), lambda i: (0, 0)),
        ],
        out_specs=[
            pl.BlockSpec((RB, 32), lambda i: (i, 0)),
            pl.BlockSpec((RB, 32), lambda i: (i, 0)),
        ],
        out_shape=[
            jax.ShapeDtypeStruct((N, 32), jnp.float32),
            jax.ShapeDtypeStruct((N, 32), jnp.float32),
        ],
    )(x, w, b)


def _mid(s1, aggp, degp, w, b):
    return pl.pallas_call(
        _mid_body,
        grid=(NG,),
        in_specs=[
            pl.BlockSpec((RB, 32), lambda i: (i, 0)),
            pl.BlockSpec((NC, RB, 32), lambda i: (0, i, 0)),
            pl.BlockSpec((NC, RB, 1), lambda i: (0, i, 0)),
            pl.BlockSpec((32, 32), lambda i: (0, 0)),
            pl.BlockSpec((1, 32), lambda i: (0, 0)),
        ],
        out_specs=[
            pl.BlockSpec((RB, 16), lambda i: (i, 0)),
            pl.BlockSpec((RB, 16), lambda i: (i, 0)),
            pl.BlockSpec((RB, 16), lambda i: (i, 0)),
        ],
        out_shape=[
            jax.ShapeDtypeStruct((N, 16), jnp.float32),
            jax.ShapeDtypeStruct((N, 16), jnp.float32),
            jax.ShapeDtypeStruct((N, 16), jnp.float32),
        ],
    )(s1, aggp, degp, w, b)


def _out(s2, aggp, rd16):
    return pl.pallas_call(
        _out_body,
        grid=(NG,),
        in_specs=[
            pl.BlockSpec((RB, 16), lambda i: (i, 0)),
            pl.BlockSpec((NC, RB, 16), lambda i: (0, i, 0)),
            pl.BlockSpec((RB, 16), lambda i: (i, 0)),
        ],
        out_specs=pl.BlockSpec((RB, 16), lambda i: (i, 0)),
        out_shape=jax.ShapeDtypeStruct((N, 16), jnp.float32),
    )(s2, aggp, rd16)



def _make_sc(F, with_deg, K):
    NCH = NB // K
    mesh = plsc.VectorSubcoreMesh(core_axis_name="c", subcore_axis_name="s")
    out_type = [jax.ShapeDtypeStruct((NC, NP, F), jnp.float32)]
    scratch = [
        pltpu.VMEM((K, LB), jnp.int32),
        pltpu.VMEM((K, LB), jnp.int32),
        pltpu.VMEM((K, LB, F), jnp.float32),
        [pltpu.SemaphoreType.DMA] * K,
        pltpu.SemaphoreType.DMA,
        pltpu.VMEM_SHARED((NP, F), jnp.float32),
    ]
    if with_deg:
        out_type.append(jax.ShapeDtypeStruct((NC, NP), jnp.float32))
        scratch += [
            pltpu.VMEM((LB,), jnp.float32),
            pltpu.VMEM((LB,), jnp.float32),
            pltpu.VMEM_SHARED((NP,), jnp.float32),
        ]

    def body(y_hbm, src_hbm, dst_hbm, zrow_hbm, ones_hbm, z1_hbm, *rest):
        if with_deg:
            (agg_out, deg_out, src_v, dst_v, rows_v, gsem, ssem, agg_sh,
             ones_v, zd_v, deg_sh) = rest
        else:
            agg_out, src_v, dst_v, rows_v, gsem, ssem, agg_sh = rest
        c = lax.axis_index("c")
        s = lax.axis_index("s")
        w = c * NS + s
        base = s * TPR

        pltpu.sync_copy(zrow_hbm, rows_v.at[0])
        if with_deg:
            pltpu.sync_copy(ones_hbm, ones_v)
            pltpu.sync_copy(z1_hbm, zd_v)

        def zchunk(i, _):
            pltpu.sync_copy(rows_v.at[0], agg_sh.at[pl.ds(base + i * LB, LB)])
            if with_deg:
                pltpu.sync_copy(zd_v, deg_sh.at[pl.ds(base + i * LB, LB)])
            return 0
        lax.fori_loop(0, TFC, zchunk, 0)
        plsc.subcore_barrier()

        def chunk(ci, _):
            s0 = w * NB + ci * K
            pltpu.sync_copy(src_hbm.at[pl.ds(s0, K)], src_v)
            pltpu.sync_copy(dst_hbm.at[pl.ds(s0, K)], dst_v)
            gds = [pltpu.async_copy(y_hbm.at[src_v.at[b]], rows_v.at[b], gsem[b])
                   for b in range(K)]
            sds = []
            for b in range(K):
                gds[b].wait()
                sds.append(pltpu.async_copy(
                    rows_v.at[b], agg_sh.at[dst_v.at[b]], ssem, add=True))
                if with_deg:
                    pltpu.sync_copy(ones_v, deg_sh.at[dst_v.at[b]], add=True)
            for dsc in sds:
                dsc.wait()
            return 0
        lax.fori_loop(0, NCH, chunk, 0)
        plsc.subcore_barrier()

        def wchunk(i, _):
            off = base + i * LB
            pltpu.sync_copy(agg_sh.at[pl.ds(off, LB)], rows_v.at[0])
            pltpu.sync_copy(rows_v.at[0], agg_out.at[c, pl.ds(off, LB)])
            if with_deg:
                pltpu.sync_copy(deg_sh.at[pl.ds(off, LB)], zd_v)
                pltpu.sync_copy(zd_v, deg_out.at[c, pl.ds(off, LB)])
            return 0
        lax.fori_loop(0, TFC, wchunk, 0)

    return pl.kernel(
        body, out_type=out_type, mesh=mesh, scratch_types=scratch,
        compiler_params=pltpu.CompilerParams(use_tc_tiling_on_sc=False),
    )


_sc32 = _make_sc(32, True, 4)
_sc16 = _make_sc(16, False, 7)



def kernel(x, edge_index, W_self1, W_neigh1, b1, W_self2, W_neigh2, b2):
    src = edge_index[0].astype(jnp.int32)
    dst = edge_index[1].astype(jnp.int32)
    src_p = jnp.concatenate([src, jnp.zeros((EP - E,), jnp.int32)]).reshape(NW * NB, LB)
    dst_p = jnp.concatenate([dst, jnp.full((EP - E,), N, jnp.int32)]).reshape(NW * NB, LB)

    z32 = jnp.zeros((LB, 32), jnp.float32)
    z16 = jnp.zeros((LB, 16), jnp.float32)
    ones1 = jnp.ones((LB,), jnp.float32)
    z1 = jnp.zeros((LB,), jnp.float32)

    w1 = jnp.concatenate([W_self1, W_neigh1], axis=1)
    b1c = jnp.concatenate([b1, jnp.zeros((32,), jnp.float32)]).reshape(1, 64)
    w2 = jnp.concatenate([W_self2, W_neigh2], axis=1)
    b2c = jnp.concatenate([b2, jnp.zeros((16,), jnp.float32)]).reshape(1, 32)

    s1, y1 = _mm1(x, w1, b1c)
    agg1, deg = _sc32(y1, src_p, dst_p, z32, ones1, z1)
    degp = deg.reshape(NC, NP, 1)
    s2, y2, rd16 = _mid(s1, agg1, degp, w2, b2c)
    agg2 = _sc16(y2, src_p, dst_p, z16, ones1, z1)[0]
    return _out(s2, agg2, rd16)

# --- scband reference (transcript-rebuilt; emitter-appended) ---
"""Pipeline reference for scband-sage-26912265076914 (READ-ONLY COPY).

The authoritative reference and input builder live on the scoring server;
editing this copy changes nothing except your own understanding.
"""

import jax, jax.numpy as jnp
import numpy as np

N_NODES = 50000
N_EDGES = 800000


def setup_inputs(seed: int = 0) -> dict:
    key = jax.random.key(seed)
    k_x, k_e, k1, k2, k3, k4 = jax.random.split(key, 6)
    x = jax.random.normal(k_x, (N_NODES, 64), dtype=jnp.float32)
    edge_index = jax.random.randint(k_e, (2, N_EDGES), 0, N_NODES, dtype=jnp.int64)
    # DGL SAGEConv('mean') params: fc_self, fc_neigh, bias
    def glorot(k, shape):
        lim = float(np.sqrt(6.0 / (shape[0] + shape[1])))
        return jax.random.uniform(k, shape, dtype=jnp.float32, minval=-lim, maxval=lim)
    W_self1 = glorot(k1, (64, 32))
    W_neigh1 = glorot(k2, (64, 32))
    b1 = jnp.zeros((32,), dtype=jnp.float32)
    W_self2 = glorot(k3, (32, 16))
    W_neigh2 = glorot(k4, (32, 16))
    b2 = jnp.zeros((16,), dtype=jnp.float32)
    return {
        "x": x,
        "edge_index": edge_index,
        "W_self1": W_self1,
        "W_neigh1": W_neigh1,
        "b1": b1,
        "W_self2": W_self2,
        "W_neigh2": W_neigh2,
        "b2": b2,
    }


def _sage_conv_mean(h, src, dst, n_nodes, W_self, W_neigh, b):
    # message = h[src]; aggregate mean over in-edges grouped by dst
    msg = jnp.take(h, src, axis=0)
    agg = jax.ops.segment_sum(msg, dst, num_segments=n_nodes)
    deg = jax.ops.segment_sum(jnp.ones((src.shape[0],), dtype=h.dtype), dst, num_segments=n_nodes)
    h_neigh = agg / jnp.maximum(deg, 1.0)[:, None]
    return h @ W_self + h_neigh @ W_neigh + b


def reference(x, edge_index, W_self1, W_neigh1, b1, W_self2, W_neigh2, b2):
    src = edge_index[0]
    dst = edge_index[1]
    n = x.shape[0]
    h = _sage_conv_mean(x, src, dst, n, W_self1, W_neigh1, b1)
    h = _sage_conv_mean(h, src, dst, n, W_self2, W_neigh2, b2)
    return h

if __name__ == "__main__":
    import jax
    _d = setup_inputs()
    print(jax.jit(kernel)(*tuple(_d.values())))

</pallas_src>

<mosaic_0001>
#map = affine_map<(d0, d1) -> (0, 0)>
#map1 = affine_map<(d0, d1) -> (0)>
#map2 = affine_map<(d0, d1) -> (0, 0, 0)>
module attributes {stable_mosaic.version = 14 : i64} {
  func.func @body(%arg0: i32, %arg1: i32, %arg2: memref<50000x16xf32, #tpu.memory_space<hbm>>, %arg3: memref<6272x128xi32, #tpu.memory_space<hbm>>, %arg4: memref<6272x128xi32, #tpu.memory_space<hbm>>, %arg5: memref<128x16xf32, #tpu.memory_space<hbm>>, %arg6: memref<128xf32, #tpu.memory_space<hbm>>, %arg7: memref<128xf32, #tpu.memory_space<hbm>>, %arg8: memref<2x51200x16xf32, #tpu.memory_space<hbm>>, %arg9: memref<7x128xi32, #tpu.memory_space<vmem>>, %arg10: memref<7x128xi32, #tpu.memory_space<vmem>>, %arg11: memref<7x128x16xf32, #tpu.memory_space<vmem>>, %arg12: memref<!tpu.dma_semaphore, #tpu.memory_space<semaphore_mem>>, %arg13: memref<!tpu.dma_semaphore, #tpu.memory_space<semaphore_mem>>, %arg14: memref<!tpu.dma_semaphore, #tpu.memory_space<semaphore_mem>>, %arg15: memref<!tpu.dma_semaphore, #tpu.memory_space<semaphore_mem>>, %arg16: memref<!tpu.dma_semaphore, #tpu.memory_space<semaphore_mem>>, %arg17: memref<!tpu.dma_semaphore, #tpu.memory_space<semaphore_mem>>, %arg18: memref<!tpu.dma_semaphore, #tpu.memory_space<semaphore_mem>>, %arg19: memref<!tpu.dma_semaphore, #tpu.memory_space<semaphore_mem>>, %arg20: memref<51200x16xf32, #tpu.memory_space<vmem_shared>>) attributes {dimension_semantics = [#tpu.dimension_semantics<core_parallel>, #tpu.dimension_semantics<subcore_parallel>], iteration_bounds = array<i64: 2, 16>, scalar_prefetch = 0 : i64, scratch_operands = 12 : i64, tpu.core_type = #tpu.core_type<sc_vector_subcore>, window_params = [{transform_indices = #map}, {transform_indices = #map}, {transform_indices = #map}, {transform_indices = #map}, {transform_indices = #map1}, {transform_indices = #map1}, {transform_indices = #map2}]} {
    %mul3A = arith.constant 16 : i32
    %mul3A_0 = arith.muli %arg0, %mul3A : i32
    %add3A = arith.addi %mul3A_0, %arg1 : i32
    %mul3A_1 = arith.constant 3200 : i32
    %mul3A_2 = arith.muli %arg1, %mul3A_1 : i32
    %run_scoped3A = arith.constant 0 : i32
    "tpu.region"() ({
      %run_scoped3A_24 = tpu.sem_alloc : memref<!tpu.dma_semaphore, #tpu.memory_space<semaphore_mem>>
      %dma_start3A = arith.constant 0 : i32
      %dma_start3A_25 = arith.constant 0 : i32
      %dma_start3A_26 = tpu.memref_slice %arg11[%run_scoped3A, %dma_start3A, %dma_start3A_25] : memref<7x128x16xf32, #tpu.memory_space<vmem>> -> memref<1x128x16xf32, #tpu.memory_space<vmem>>
      %dma_start3A_27 = tpu.memref_squeeze %dma_start3A_26 : memref<1x128x16xf32, #tpu.memory_space<vmem>> -> memref<128x16xf32, #tpu.memory_space<vmem>>
      %dma_start3A_28 = arith.constant 0 : i32
      %dma_start3A_29 = arith.constant 0 : i32
      %dma_start3A_30 = tpu.memref_slice %arg11[%run_scoped3A, %dma_start3A_28, %dma_start3A_29] : memref<7x128x16xf32, #tpu.memory_space<vmem>> -> memref<1x128x16xf32, #tpu.memory_space<vmem>>
      %dma_start3A_31 = tpu.memref_squeeze %dma_start3A_30 : memref<1x128x16xf32, #tpu.memory_space<vmem>> -> memref<128x16xf32, #tpu.memory_space<vmem>>
      tpu.enqueue_dma source(%arg5 : memref<128x16xf32, #tpu.memory_space<hbm>>) target(%dma_start3A_31 : memref<128x16xf32, #tpu.memory_space<vmem>>) target_semaphore(%run_scoped3A_24 : memref<!tpu.dma_semaphore, #tpu.memory_space<semaphore_mem>>)
      %dma_wait3A = arith.constant 0 : i32
      %dma_wait3A_32 = arith.constant 0 : i32
      %dma_wait3A_33 = tpu.memref_slice %arg11[%run_scoped3A, %dma_wait3A, %dma_wait3A_32] : memref<7x128x16xf32, #tpu.memory_space<vmem>> -> memref<1x128x16xf32, #tpu.memory_space<vmem>>
      %dma_wait3A_34 = tpu.memref_squeeze %dma_wait3A_33 : memref<1x128x16xf32, #tpu.memory_space<vmem>> -> memref<128x16xf32, #tpu.memory_space<vmem>>
      %dma_wait3A_35 = arith.constant 0 : i32
      %dma_wait3A_36 = arith.constant 0 : i32
      %dma_wait3A_37 = tpu.memref_slice %arg11[%run_scoped3A, %dma_wait3A_35, %dma_wait3A_36] : memref<7x128x16xf32, #tpu.memory_space<vmem>> -> memref<1x128x16xf32, #tpu.memory_space<vmem>>
      %dma_wait3A_38 = tpu.memref_squeeze %dma_wait3A_37 : memref<1x128x16xf32, #tpu.memory_space<vmem>> -> memref<128x16xf32, #tpu.memory_space<vmem>>
      tpu.wait_dma2 semaphore(%run_scoped3A_24 : memref<!tpu.dma_semaphore, #tpu.memory_space<semaphore_mem>>) src(%arg5 : memref<128x16xf32, #tpu.memory_space<hbm>>) dst(%dma_wait3A_38 : memref<128x16xf32, #tpu.memory_space<vmem>>)
      tpu.yield
    }) : () -> ()
    %scan3A = arith.constant 0 : i32
    %scan3A_3 = arith.constant 0 : i32
    %scan3A_4 = arith.constant 25 : i32
    %scan3A_5 = arith.addi %scan3A_3, %scan3A_4 : i32
    %scan3A_6 = arith.constant 1 : i32
    %scan3A_7 = scf.for %scan3A_24 = %scan3A_3 to %scan3A_5 step %scan3A_6 iter_args(%scan3A_25 = %scan3A) -> (i32)  : i32 {
      %mul3A_26 = arith.constant 128 : i32
      %mul3A_27 = arith.muli %scan3A_24, %mul3A_26 : i32
      %add3A_28 = arith.addi %mul3A_2, %mul3A_27 : i32
      %run_scoped3A_29 = arith.constant 0 : i32
      "tpu.region"() ({
        %run_scoped3A_31 = tpu.sem_alloc : memref<!tpu.dma_semaphore, #tpu.memory_space<semaphore_mem>>
        %dma_start3A = arith.constant 0 : i32
        %dma_start3A_32 = arith.constant 0 : i32
        %dma_start3A_33 = tpu.memref_slice %arg11[%run_scoped3A_29, %dma_start3A, %dma_start3A_32] : memref<7x128x16xf32, #tpu.memory_space<vmem>> -> memref<1x128x16xf32, #tpu.memory_space<vmem>>
        %dma_start3A_34 = tpu.memref_squeeze %dma_start3A_33 : memref<1x128x16xf32, #tpu.memory_space<vmem>> -> memref<128x16xf32, #tpu.memory_space<vmem>>
        %dma_start3A_35 = arith.constant 0 : i32
        %dma_start3A_36 = tpu.memref_slice %arg20[%add3A_28, %dma_start3A_35] : memref<51200x16xf32, #tpu.memory_space<vmem_shared>> -> memref<128x16xf32, #tpu.memory_space<vmem_shared>>
        %dma_start3A_37 = arith.constant 0 : i32
        %dma_start3A_38 = tpu.memref_slice %arg20[%add3A_28, %dma_start3A_37] : memref<51200x16xf32, #tpu.memory_space<vmem_shared>> -> memref<128x16xf32, #tpu.memory_space<vmem_shared>>
        %dma_start3A_39 = arith.constant 0 : i32
        %dma_start3A_40 = arith.constant 0 : i32
        %dma_start3A_41 = tpu.memref_slice %arg11[%run_scoped3A_29, %dma_start3A_39, %dma_start3A_40] : memref<7x128x16xf32, #tpu.memory_space<vmem>> -> memref<1x128x16xf32, #tpu.memory_space<vmem>>
        %dma_start3A_42 = tpu.memref_squeeze %dma_start3A_41 : memref<1x128x16xf32, #tpu.memory_space<vmem>> -> memref<128x16xf32, #tpu.memory_space<vmem>>
        tpu.enqueue_dma source(%dma_start3A_42 : memref<128x16xf32, #tpu.memory_space<vmem>>) target(%dma_start3A_38 : memref<128x16xf32, #tpu.memory_space<vmem_shared>>) target_semaphore(%run_scoped3A_31 : memref<!tpu.dma_semaphore, #tpu.memory_space<semaphore_mem>>)
        %dma_wait3A = arith.constant 0 : i32
        %dma_wait3A_43 = arith.constant 0 : i32
        %dma_wait3A_44 = tpu.memref_slice %arg11[%run_scoped3A_29, %dma_wait3A, %dma_wait3A_43] : memref<7x128x16xf32, #tpu.memory_space<vmem>> -> memref<1x128x16xf32, #tpu.memory_space<vmem>>
        %dma_wait3A_45 = tpu.memref_squeeze %dma_wait3A_44 : memref<1x128x16xf32, #tpu.memory_space<vmem>> -> memref<128x16xf32, #tpu.memory_space<vmem>>
        %dma_wait3A_46 = arith.constant 0 : i32
        %dma_wait3A_47 = tpu.memref_slice %arg20[%add3A_28, %dma_wait3A_46] : memref<51200x16xf32, #tpu.memory_space<vmem_shared>> -> memref<128x16xf32, #tpu.memory_space<vmem_shared>>
        %dma_wait3A_48 = arith.constant 0 : i32
        %dma_wait3A_49 = tpu.memref_slice %arg20[%add3A_28, %dma_wait3A_48] : memref<51200x16xf32, #tpu.memory_space<vmem_shared>> -> memref<128x16xf32, #tpu.memory_space<vmem_shared>>
        %dma_wait3A_50 = arith.constant 0 : i32
        %dma_wait3A_51 = arith.constant 0 : i32
        %dma_wait3A_52 = tpu.memref_slice %arg11[%run_scoped3A_29, %dma_wait3A_50, %dma_wait3A_51] : memref<7x128x16xf32, #tpu.memory_space<vmem>> -> memref<1x128x16xf32, #tpu.memory_space<vmem>>
        %dma_wait3A_53 = tpu.memref_squeeze %dma_wait3A_52 : memref<1x128x16xf32, #tpu.memory_space<vmem>> -> memref<128x16xf32, #tpu.memory_space<vmem>>
        tpu.wait_dma2 semaphore(%run_scoped3A_31 : memref<!tpu.dma_semaphore, #tpu.memory_space<semaphore_mem>>) src(%dma_wait3A_53 : memref<128x16xf32, #tpu.memory_space<vmem>>) dst(%dma_wait3A_49 : memref<128x16xf32, #tpu.memory_space<vmem_shared>>)
        tpu.yield
      }) : () -> ()
      %scan3A_30 = arith.constant 0 : i32
      scf.yield %scan3A_30 : i32
    }
    %scan3A_8 = arith.constant 25 : i32
    %barrier3A = arith.constant 0 : index
    tpu.barrier barrier_id(%barrier3A)
    %scan3A_9 = arith.constant 0 : i32
    %scan3A_10 = arith.constant 0 : i32
    %scan3A_11 = arith.constant 28 : i32
    %scan3A_12 = arith.addi %scan3A_10, %scan3A_11 : i32
    %scan3A_13 = arith.constant 1 : i32
    %scan3A_14 = scf.for %scan3A_24 = %scan3A_10 to %scan3A_12 step %scan3A_13 iter_args(%scan3A_25 = %scan3A_9) -> (i32)  : i32 {
      %mul3A_26 = arith.constant 196 : i32
      %mul3A_27 = arith.muli %add3A, %mul3A_26 : i32
      %mul3A_28 = arith.constant 7 : i32
      %mul3A_29 = arith.muli %scan3A_24, %mul3A_28 : i32
      %add3A_30 = arith.addi %mul3A_27, %mul3A_29 : i32
      "tpu.region"() ({
        %run_scoped3A_366 = tpu.sem_alloc : memref<!tpu.dma_semaphore, #tpu.memory_space<semaphore_mem>>
        %dma_start3A_367 = arith.constant 0 : i32
        %dma_start3A_368 = tpu.memref_slice %arg3[%add3A_30, %dma_start3A_367] : memref<6272x128xi32, #tpu.memory_space<hbm>> -> memref<7x128xi32, #tpu.memory_space<hbm>>
        %dma_start3A_369 = arith.constant 0 : i32
        %dma_start3A_370 = tpu.memref_slice %arg3[%add3A_30, %dma_start3A_369] : memref<6272x128xi32, #tpu.memory_space<hbm>> -> memref<7x128xi32, #tpu.memory_space<hbm>>
        tpu.enqueue_dma source(%dma_start3A_370 : memref<7x128xi32, #tpu.memory_space<hbm>>) target(%arg9 : memref<7x128xi32, #tpu.memory_space<vmem>>) target_semaphore(%run_scoped3A_366 : memref<!tpu.dma_semaphore, #tpu.memory_space<semaphore_mem>>)
        %dma_wait3A_371 = arith.constant 0 : i32
        %dma_wait3A_372 = tpu.memref_slice %arg3[%add3A_30, %dma_wait3A_371] : memref<6272x128xi32, #tpu.memory_space<hbm>> -> memref<7x128xi32, #tpu.memory_space<hbm>>
        %dma_wait3A_373 = arith.constant 0 : i32
        %dma_wait3A_374 = tpu.memref_slice %arg3[%add3A_30, %dma_wait3A_373] : memref<6272x128xi32, #tpu.memory_space<hbm>> -> memref<7x128xi32, #tpu.memory_space<hbm>>
        tpu.wait_dma2 semaphore(%run_scoped3A_366 : memref<!tpu.dma_semaphore, #tpu.memory_space<semaphore_mem>>) src(%dma_wait3A_374 : memref<7x128xi32, #tpu.memory_space<hbm>>) dst(%arg9 : memref<7x128xi32, #tpu.memory_space<vmem>>)
        tpu.yield
      }) : () -> ()
      "tpu.region"() ({
        %run_scoped3A_366 = tpu.sem_alloc : memref<!tpu.dma_semaphore, #tpu.memory_space<semaphore_mem>>
        %dma_start3A_367 = arith.constant 0 : i32
        %dma_start3A_368 = tpu.memref_slice %arg4[%add3A_30, %dma_start3A_367] : memref<6272x128xi32, #tpu.memory_space<hbm>> -> memref<7x128xi32, #tpu.memory_space<hbm>>
        %dma_start3A_369 = arith.constant 0 : i32
        %dma_start3A_370 = tpu.memref_slice %arg4[%add3A_30, %dma_start3A_369] : memref<6272x128xi32, #tpu.memory_space<hbm>> -> memref<7x128xi32, #tpu.memory_space<hbm>>
        tpu.enqueue_dma source(%dma_start3A_370 : memref<7x128xi32, #tpu.memory_space<hbm>>) target(%arg10 : memref<7x128xi32, #tpu.memory_space<vmem>>) target_semaphore(%run_scoped3A_366 : memref<!tpu.dma_semaphore, #tpu.memory_space<semaphore_mem>>)
        %dma_wait3A_371 = arith.constant 0 : i32
        %dma_wait3A_372 = tpu.memref_slice %arg4[%add3A_30, %dma_wait3A_371] : memref<6272x128xi32, #tpu.memory_space<hbm>> -> memref<7x128xi32, #tpu.memory_space<hbm>>
        %dma_wait3A_373 = arith.constant 0 : i32
        %dma_wait3A_374 = tpu.memref_slice %arg4[%add3A_30, %dma_wait3A_373] : memref<6272x128xi32, #tpu.memory_space<hbm>> -> memref<7x128xi32, #tpu.memory_space<hbm>>
        tpu.wait_dma2 semaphore(%run_scoped3A_366 : memref<!tpu.dma_semaphore, #tpu.memory_space<semaphore_mem>>) src(%dma_wait3A_374 : memref<7x128xi32, #tpu.memory_space<hbm>>) dst(%arg10 : memref<7x128xi32, #tpu.memory_space<vmem>>)
        tpu.yield
      }) : () -> ()
      %dma_start3A = arith.constant 0 : i32
      %dma_start3A_31 = arith.constant 0 : i32
      %dma_start3A_32 = arith.constant 0 : i32
      %dma_start3A_33 = arith.constant 0 : i32
      %dma_start3A_34 = tpu.memref_slice %arg11[%dma_start3A_31, %dma_start3A_32, %dma_start3A_33] : memref<7x128x16xf32, #tpu.memory_space<vmem>> -> memref<1x128x16xf32, #tpu.memory_space<vmem>>
      %dma_start3A_35 = tpu.memref_squeeze %dma_start3A_34 : memref<1x128x16xf32, #tpu.memory_space<vmem>> -> memref<128x16xf32, #tpu.memory_space<vmem>>
      %dma_start3A_36 = arith.constant 0 : i32
      %dma_start3A_37 = tpu.memref_slice %arg9[%dma_start3A, %dma_start3A_36] : memref<7x128xi32, #tpu.memory_space<vmem>> -> memref<1x128xi32, #tpu.memory_space<vmem>>
      %dma_start3A_38 = tpu.memref_squeeze %dma_start3A_37 : memref<1x128xi32, #tpu.memory_space<vmem>> -> memref<128xi32, #tpu.memory_space<vmem>>
      %dma_start3A_39 = arith.constant 0 : i32
      %dma_start3A_40 = arith.constant 0 : i32
      %dma_start3A_41 = tpu.memref_slice %arg2[%dma_start3A_39, %dma_start3A_40] : memref<50000x16xf32, #tpu.memory_space<hbm>> -> memref<50000x16xf32, #tpu.memory_space<hbm>>
      tpu.enqueue_indirect_dma source(%dma_start3A_41 : memref<50000x16xf32, #tpu.memory_space<hbm>>) target(%dma_start3A_35 : memref<128x16xf32, #tpu.memory_space<vmem>>) offsets(%dma_start3A_38 : memref<128xi32, #tpu.memory_space<vmem>>) semaphore(%arg12 : memref<!tpu.dma_semaphore, #tpu.memory_space<semaphore_mem>>)
      %dma_start3A_42 = arith.constant 1 : i32
      %dma_start3A_43 = arith.constant 1 : i32
      %dma_start3A_44 = arith.constant 0 : i32
      %dma_start3A_45 = arith.constant 0 : i32
      %dma_start3A_46 = tpu.memref_slice %arg11[%dma_start3A_43, %dma_start3A_44, %dma_start3A_45] : memref<7x128x16xf32, #tpu.memory_space<vmem>> -> memref<1x128x16xf32, #tpu.memory_space<vmem>>
      %dma_start3A_47 = tpu.memref_squeeze %dma_start3A_46 : memref<1x128x16xf32, #tpu.memory_space<vmem>> -> memref<128x16xf32, #tpu.memory_space<vmem>>
      %dma_start3A_48 = arith.constant 0 : i32
      %dma_start3A_49 = tpu.memref_slice %arg9[%dma_start3A_42, %dma_start3A_48] : memref<7x128xi32, #tpu.memory_space<vmem>> -> memref<1x128xi32, #tpu.memory_space<vmem>>
      %dma_start3A_50 = tpu.memref_squeeze %dma_start3A_49 : memref<1x128xi32, #tpu.memory_space<vmem>> -> memref<128xi32, #tpu.memory_space<vmem>>
      %dma_start3A_51 = arith.constant 0 : i32
      %dma_start3A_52 = arith.constant 0 : i32
      %dma_start3A_53 = tpu.memref_slice %arg2[%dma_start3A_51, %dma_start3A_52] : memref<50000x16xf32, #tpu.memory_space<hbm>> -> memref<50000x16xf32, #tpu.memory_space<hbm>>
      tpu.enqueue_indirect_dma source(%dma_start3A_53 : memref<50000x16xf32, #tpu.memory_space<hbm>>) target(%dma_start3A_47 : memref<128x16xf32, #tpu.memory_space<vmem>>) offsets(%dma_start3A_50 : memref<128xi32, #tpu.memory_space<vmem>>) semaphore(%arg13 : memref<!tpu.dma_semaphore, #tpu.memory_space<semaphore_mem>>)
      %dma_start3A_54 = arith.constant 2 : i32
      %dma_start3A_55 = arith.constant 2 : i32
      %dma_start3A_56 = arith.constant 0 : i32
      %dma_start3A_57 = arith.constant 0 : i32
      %dma_start3A_58 = tpu.memref_slice %arg11[%dma_start3A_55, %dma_start3A_56, %dma_start3A_57] : memref<7x128x16xf32, #tpu.memory_space<vmem>> -> memref<1x128x16xf32, #tpu.memory_space<vmem>>
      %dma_start3A_59 = tpu.memref_squeeze %dma_start3A_58 : memref<1x128x16xf32, #tpu.memory_space<vmem>> -> memref<128x16xf32, #tpu.memory_space<vmem>>
      %dma_start3A_60 = arith.constant 0 : i32
      %dma_start3A_61 = tpu.memref_slice %arg9[%dma_start3A_54, %dma_start3A_60] : memref<7x128xi32, #tpu.memory_space<vmem>> -> memref<1x128xi32, #tpu.memory_space<vmem>>
      %dma_start3A_62 = tpu.memref_squeeze %dma_start3A_61 : memref<1x128xi32, #tpu.memory_space<vmem>> -> memref<128xi32, #tpu.memory_space<vmem>>
      %dma_start3A_63 = arith.constant 0 : i32
      %dma_start3A_64 = arith.constant 0 : i32
      %dma_start3A_65 = tpu.memref_slice %arg2[%dma_start3A_63, %dma_start3A_64] : memref<50000x16xf32, #tpu.memory_space<hbm>> -> memref<50000x16xf32, #tpu.memory_space<hbm>>
      tpu.enqueue_indirect_dma source(%dma_start3A_65 : memref<50000x16xf32, #tpu.memory_space<hbm>>) target(%dma_start3A_59 : memref<128x16xf32, #tpu.memory_space<vmem>>) offsets(%dma_start3A_62 : memref<128xi32, #tpu.memory_space<vmem>>) semaphore(%arg14 : memref<!tpu.dma_semaphore, #tpu.memory_space<semaphore_mem>>)
      %dma_start3A_66 = arith.constant 3 : i32
      %dma_start3A_67 = arith.constant 3 : i32
      %dma_start3A_68 = arith.constant 0 : i32
      %dma_start3A_69 = arith.constant 0 : i32
      %dma_start3A_70 = tpu.memref_slice %arg11[%dma_start3A_67, %dma_start3A_68, %dma_start3A_69] : memref<7x128x16xf32, #tpu.memory_space<vmem>> -> memref<1x128x16xf32, #tpu.memory_space<vmem>>
      %dma_start3A_71 = tpu.memref_squeeze %dma_start3A_70 : memref<1x128x16xf32, #tpu.memory_space<vmem>> -> memref<128x16xf32, #tpu.memory_space<vmem>>
      %dma_start3A_72 = arith.constant 0 : i32
      %dma_start3A_73 = tpu.memref_slice %arg9[%dma_start3A_66, %dma_start3A_72] : memref<7x128xi32, #tpu.memory_space<vmem>> -> memref<1x128xi32, #tpu.memory_space<vmem>>
      %dma_start3A_74 = tpu.memref_squeeze %dma_start3A_73 : memref<1x128xi32, #tpu.memory_space<vmem>> -> memref<128xi32, #tpu.memory_space<vmem>>
      %dma_start3A_75 = arith.constant 0 : i32
      %dma_start3A_76 = arith.constant 0 : i32
      %dma_start3A_77 = tpu.memref_slice %arg2[%dma_start3A_75, %dma_start3A_76] : memref<50000x16xf32, #tpu.memory_space<hbm>> -> memref<50000x16xf32, #tpu.memory_space<hbm>>
      tpu.enqueue_indirect_dma source(%dma_start3A_77 : memref<50000x16xf32, #tpu.memory_space<hbm>>) target(%dma_start3A_71 : memref<128x16xf32, #tpu.memory_space<vmem>>) offsets(%dma_start3A_74 : memref<128xi32, #tpu.memory_space<vmem>>) semaphore(%arg15 : memref<!tpu.dma_semaphore, #tpu.memory_space<semaphore_mem>>)
      %dma_start3A_78 = arith.constant 4 : i32
      %dma_start3A_79 = arith.constant 4 : i32
      %dma_start3A_80 = arith.constant 0 : i32
      %dma_start3A_81 = arith.constant 0 : i32
      %dma_start3A_82 = tpu.memref_slice %arg11[%dma_start3A_79, %dma_start3A_80, %dma_start3A_81] : memref<7x128x16xf32, #tpu.memory_space<vmem>> -> memref<1x128x16xf32, #tpu.memory_space<vmem>>
      %dma_start3A_83 = tpu.memref_squeeze %dma_start3A_82 : memref<1x128x16xf32, #tpu.memory_space<vmem>> -> memref<128x16xf32, #tpu.memory_space<vmem>>
      %dma_start3A_84 = arith.constant 0 : i32
      %dma_start3A_85 = tpu.memref_slice %arg9[%dma_start3A_78, %dma_start3A_84] : memref<7x128xi32, #tpu.memory_space<vmem>> -> memref<1x128xi32, #tpu.memory_space<vmem>>
      %dma_start3A_86 = tpu.memref_squeeze %dma_start3A_85 : memref<1x128xi32, #tpu.memory_space<vmem>> -> memref<128xi32, #tpu.memory_space<vmem>>
      %dma_start3A_87 = arith.constant 0 : i32
      %dma_start3A_88 = arith.constant 0 : i32
      %dma_start3A_89 = tpu.memref_slice %arg2[%dma_start3A_87, %dma_start3A_88] : memref<50000x16xf32, #tpu.memory_space<hbm>> -> memref<50000x16xf32, #tpu.memory_space<hbm>>
      tpu.enqueue_indirect_dma source(%dma_start3A_89 : memref<50000x16xf32, #tpu.memory_space<hbm>>) target(%dma_start3A_83 : memref<128x16xf32, #tpu.memory_space<vmem>>) offsets(%dma_start3A_86 : memref<128xi32, #tpu.memory_space<vmem>>) semaphore(%arg16 : memref<!tpu.dma_semaphore, #tpu.memory_space<semaphore_mem>>)
      %dma_start3A_90 = arith.constant 5 : i32
      %dma_start3A_91 = arith.constant 5 : i32
      %dma_start3A_92 = arith.constant 0 : i32
      %dma_start3A_93 = arith.constant 0 : i32
      %dma_start3A_94 = tpu.memref_slice %arg11[%dma_start3A_91, %dma_start3A_92, %dma_start3A_93] : memref<7x128x16xf32, #tpu.memory_space<vmem>> -> memref<1x128x16xf32, #tpu.memory_space<vmem>>
      %dma_start3A_95 = tpu.memref_squeeze %dma_start3A_94 : memref<1x128x16xf32, #tpu.memory_space<vmem>> -> memref<128x16xf32, #tpu.memory_space<vmem>>
      %dma_start3A_96 = arith.constant 0 : i32
      %dma_start3A_97 = tpu.memref_slice %arg9[%dma_start3A_90, %dma_start3A_96] : memref<7x128xi32, #tpu.memory_space<vmem>> -> memref<1x128xi32, #tpu.memory_space<vmem>>
      %dma_start3A_98 = tpu.memref_squeeze %dma_start3A_97 : memref<1x128xi32, #tpu.memory_space<vmem>> -> memref<128xi32, #tpu.memory_space<vmem>>
      %dma_start3A_99 = arith.constant 0 : i32
      %dma_start3A_100 = arith.constant 0 : i32
      %dma_start3A_101 = tpu.memref_slice %arg2[%dma_start3A_99, %dma_start3A_100] : memref<50000x16xf32, #tpu.memory_space<hbm>> -> memref<50000x16xf32, #tpu.memory_space<hbm>>
      tpu.enqueue_indirect_dma source(%dma_start3A_101 : memref<50000x16xf32, #tpu.memory_space<hbm>>) target(%dma_start3A_95 : memref<128x16xf32, #tpu.memory_space<vmem>>) offsets(%dma_start3A_98 : memref<128xi32, #tpu.memory_space<vmem>>) semaphore(%arg17 : memref<!tpu.dma_semaphore, #tpu.memory_space<semaphore_mem>>)
      %dma_start3A_102 = arith.constant 6 : i32
      %dma_start3A_103 = arith.constant 6 : i32
      %dma_start3A_104 = arith.constant 0 : i32
      %dma_start3A_105 = arith.constant 0 : i32
      %dma_start3A_106 = tpu.memref_slice %arg11[%dma_start3A_103, %dma_start3A_104, %dma_start3A_105] : memref<7x128x16xf32, #tpu.memory_space<vmem>> -> memref<1x128x16xf32, #tpu.memory_space<vmem>>
      %dma_start3A_107 = tpu.memref_squeeze %dma_start3A_106 : memref<1x128x16xf32, #tpu.memory_space<vmem>> -> memref<128x16xf32, #tpu.memory_space<vmem>>
      %dma_start3A_108 = arith.constant 0 : i32
      %dma_start3A_109 = tpu.memref_slice %arg9[%dma_start3A_102, %dma_start3A_108] : memref<7x128xi32, #tpu.memory_space<vmem>> -> memref<1x128xi32, #tpu.memory_space<vmem>>
      %dma_start3A_110 = tpu.memref_squeeze %dma_start3A_109 : memref<1x128xi32, #tpu.memory_space<vmem>> -> memref<128xi32, #tpu.memory_space<vmem>>
      %dma_start3A_111 = arith.constant 0 : i32
      %dma_start3A_112 = arith.constant 0 : i32
      %dma_start3A_113 = tpu.memref_slice %arg2[%dma_start3A_111, %dma_start3A_112] : memref<50000x16xf32, #tpu.memory_space<hbm>> -> memref<50000x16xf32, #tpu.memory_space<hbm>>
      tpu.enqueue_indirect_dma source(%dma_start3A_113 : memref<50000x16xf32, #tpu.memory_space<hbm>>) target(%dma_start3A_107 : memref<128x16xf32, #tpu.memory_space<vmem>>) offsets(%dma_start3A_110 : memref<128xi32, #tpu.memory_space<vmem>>) semaphore(%arg18 : memref<!tpu.dma_semaphore, #tpu.memory_space<semaphore_mem>>)
      %dma_wait3A = arith.constant 0 : i32
      %dma_wait3A_114 = arith.constant 0 : i32
      %dma_wait3A_115 = arith.constant 0 : i32
      %dma_wait3A_116 = arith.constant 0 : i32
      %dma_wait3A_117 = tpu.memref_slice %arg11[%dma_wait3A_114, %dma_wait3A_115, %dma_wait3A_116] : memref<7x128x16xf32, #tpu.memory_space<vmem>> -> memref<1x128x16xf32, #tpu.memory_space<vmem>>
      %dma_wait3A_118 = tpu.memref_squeeze %dma_wait3A_117 : memref<1x128x16xf32, #tpu.memory_space<vmem>> -> memref<128x16xf32, #tpu.memory_space<vmem>>
      %dma_wait3A_119 = arith.constant 0 : i32
      %dma_wait3A_120 = tpu.memref_slice %arg9[%dma_wait3A, %dma_wait3A_119] : memref<7x128xi32, #tpu.memory_space<vmem>> -> memref<1x128xi32, #tpu.memory_space<vmem>>
      %dma_wait3A_121 = tpu.memref_squeeze %dma_wait3A_120 : memref<1x128xi32, #tpu.memory_space<vmem>> -> memref<128xi32, #tpu.memory_space<vmem>>
      %dma_wait3A_122 = arith.constant 0 : i32
      %dma_wait3A_123 = arith.constant 0 : i32
      %dma_wait3A_124 = tpu.memref_slice %arg2[%dma_wait3A_122, %dma_wait3A_123] : memref<50000x16xf32, #tpu.memory_space<hbm>> -> memref<50000x16xf32, #tpu.memory_space<hbm>>
      tpu.wait_indirect_dma semaphore(%arg12 : memref<!tpu.dma_semaphore, #tpu.memory_space<semaphore_mem>>) src(%dma_wait3A_124 : memref<50000x16xf32, #tpu.memory_space<hbm>>) dst(%dma_wait3A_118 : memref<128x16xf32, #tpu.memory_space<vmem>>)
      %dma_start3A_125 = arith.constant 0 : i32
      %dma_start3A_126 = arith.constant 0 : i32
      %dma_start3A_127 = arith.constant 0 : i32
      %dma_start3A_128 = arith.constant 0 : i32
      %dma_start3A_129 = tpu.memref_slice %arg11[%dma_start3A_125, %dma_start3A_127, %dma_start3A_128] : memref<7x128x16xf32, #tpu.memory_space<vmem>> -> memref<1x128x16xf32, #tpu.memory_space<vmem>>
      %dma_start3A_130 = tpu.memref_squeeze %dma_start3A_129 : memref<1x128x16xf32, #tpu.memory_space<vmem>> -> memref<128x16xf32, #tpu.memory_space<vmem>>
      %dma_start3A_131 = arith.constant 0 : i32
      %dma_start3A_132 = tpu.memref_slice %arg10[%dma_start3A_126, %dma_start3A_131] : memref<7x128xi32, #tpu.memory_space<vmem>> -> memref<1x128xi32, #tpu.memory_space<vmem>>
      %dma_start3A_133 = tpu.memref_squeeze %dma_start3A_132 : memref<1x128xi32, #tpu.memory_space<vmem>> -> memref<128xi32, #tpu.memory_space<vmem>>
      %dma_start3A_134 = arith.constant 0 : i32
      %dma_start3A_135 = arith.constant 0 : i32
      %dma_start3A_136 = tpu.memref_slice %arg20[%dma_start3A_134, %dma_start3A_135] : memref<51200x16xf32, #tpu.memory_space<vmem_shared>> -> memref<51200x16xf32, #tpu.memory_space<vmem_shared>>
      tpu.enqueue_indirect_dma source(%dma_start3A_130 : memref<128x16xf32, #tpu.memory_space<vmem>>) target(%dma_start3A_136 : memref<51200x16xf32, #tpu.memory_space<vmem_shared>>) offsets(%dma_start3A_133 : memref<128xi32, #tpu.memory_space<vmem>>) semaphore(%arg19 : memref<!tpu.dma_semaphore, #tpu.memory_space<semaphore_mem>>) {add = true}
      %dma_wait3A_137 = arith.constant 1 : i32
      %dma_wait3A_138 = arith.constant 1 : i32
      %dma_wait3A_139 = arith.constant 0 : i32
      %dma_wait3A_140 = arith.constant 0 : i32
      %dma_wait3A_141 = tpu.memref_slice %arg11[%dma_wait3A_138, %dma_wait3A_139, %dma_wait3A_140] : memref<7x128x16xf32, #tpu.memory_space<vmem>> -> memref<1x128x16xf32, #tpu.memory_space<vmem>>
      %dma_wait3A_142 = tpu.memref_squeeze %dma_wait3A_141 : memref<1x128x16xf32, #tpu.memory_space<vmem>> -> memref<128x16xf32, #tpu.memory_space<vmem>>
      %dma_wait3A_143 = arith.constant 0 : i32
      %dma_wait3A_144 = tpu.memref_slice %arg9[%dma_wait3A_137, %dma_wait3A_143] : memref<7x128xi32, #tpu.memory_space<vmem>> -> memref<1x128xi32, #tpu.memory_space<vmem>>
      %dma_wait3A_145 = tpu.memref_squeeze %dma_wait3A_144 : memref<1x128xi32, #tpu.memory_space<vmem>> -> memref<128xi32, #tpu.memory_space<vmem>>
      %dma_wait3A_146 = arith.constant 0 : i32
      %dma_wait3A_147 = arith.constant 0 : i32
      %dma_wait3A_148 = tpu.memref_slice %arg2[%dma_wait3A_146, %dma_wait3A_147] : memref<50000x16xf32, #tpu.memory_space<hbm>> -> memref<50000x16xf32, #tpu.memory_space<hbm>>
      tpu.wait_indirect_dma semaphore(%arg13 : memref<!tpu.dma_semaphore, #tpu.memory_space<semaphore_mem>>) src(%dma_wait3A_148 : memref<50000x16xf32, #tpu.memory_space<hbm>>) dst(%dma_wait3A_142 : memref<128x16xf32, #tpu.memory_space<vmem>>)
      %dma_start3A_149 = arith.constant 1 : i32
      %dma_start3A_150 = arith.constant 1 : i32
      %dma_start3A_151 = arith.constant 0 : i32
      %dma_start3A_152 = arith.constant 0 : i32
      %dma_start3A_153 = tpu.memref_slice %arg11[%dma_start3A_149, %dma_start3A_151, %dma_start3A_152] : memref<7x128x16xf32, #tpu.memory_space<vmem>> -> memref<1x128x16xf32, #tpu.memory_space<vmem>>
      %dma_start3A_154 = tpu.memref_squeeze %dma_start3A_153 : memref<1x128x16xf32, #tpu.memory_space<vmem>> -> memref<128x16xf32, #tpu.memory_space<vmem>>
      %dma_start3A_155 = arith.constant 0 : i32
      %dma_start3A_156 = tpu.memref_slice %arg10[%dma_start3A_150, %dma_start3A_155] : memref<7x128xi32, #tpu.memory_space<vmem>> -> memref<1x128xi32, #tpu.memory_space<vmem>>
      %dma_start3A_157 = tpu.memref_squeeze %dma_start3A_156 : memref<1x128xi32, #tpu.memory_space<vmem>> -> memref<128xi32, #tpu.memory_space<vmem>>
      %dma_start3A_158 = arith.constant 0 : i32
      %dma_start3A_159 = arith.constant 0 : i32
      %dma_start3A_160 = tpu.memref_slice %arg20[%dma_start3A_158, %dma_start3A_159] : memref<51200x16xf32, #tpu.memory_space<vmem_shared>> -> memref<51200x16xf32, #tpu.memory_space<vmem_shared>>
      tpu.enqueue_indirect_dma source(%dma_start3A_154 : memref<128x16xf32, #tpu.memory_space<vmem>>) target(%dma_start3A_160 : memref<51200x16xf32, #tpu.memory_space<vmem_shared>>) offsets(%dma_start3A_157 : memref<128xi32, #tpu.memory_space<vmem>>) semaphore(%arg19 : memref<!tpu.dma_semaphore, #tpu.memory_space<semaphore_mem>>) {add = true}
      %dma_wait3A_161 = arith.constant 2 : i32
      %dma_wait3A_162 = arith.constant 2 : i32
      %dma_wait3A_163 = arith.constant 0 : i32
      %dma_wait3A_164 = arith.constant 0 : i32
      %dma_wait3A_165 = tpu.memref_slice %arg11[%dma_wait3A_162, %dma_wait3A_163, %dma_wait3A_164] : memref<7x128x16xf32, #tpu.memory_space<vmem>> -> memref<1x128x16xf32, #tpu.memory_space<vmem>>
      %dma_wait3A_166 = tpu.memref_squeeze %dma_wait3A_165 : memref<1x128x16xf32, #tpu.memory_space<vmem>> -> memref<128x16xf32, #tpu.memory_space<vmem>>
      %dma_wait3A_167 = arith.constant 0 : i32
      %dma_wait3A_168 = tpu.memref_slice %arg9[%dma_wait3A_161, %dma_wait3A_167] : memref<7x128xi32, #tpu.memory_space<vmem>> -> memref<1x128xi32, #tpu.memory_space<vmem>>
      %dma_wait3A_169 = tpu.memref_squeeze %dma_wait3A_168 : memref<1x128xi32, #tpu.memory_space<vmem>> -> memref<128xi32, #tpu.memory_space<vmem>>
      %dma_wait3A_170 = arith.constant 0 : i32
      %dma_wait3A_171 = arith.constant 0 : i32
      %dma_wait3A_172 = tpu.memref_slice %arg2[%dma_wait3A_170, %dma_wait3A_171] : memref<50000x16xf32, #tpu.memory_space<hbm>> -> memref<50000x16xf32, #tpu.memory_space<hbm>>
      tpu.wait_indirect_dma semaphore(%arg14 : memref<!tpu.dma_semaphore, #tpu.memory_space<semaphore_mem>>) src(%dma_wait3A_172 : memref<50000x16xf32, #tpu.memory_space<hbm>>) dst(%dma_wait3A_166 : memref<128x16xf32, #tpu.memory_space<vmem>>)
      %dma_start3A_173 = arith.constant 2 : i32
      %dma_start3A_174 = arith.constant 2 : i32
      %dma_start3A_175 = arith.constant 0 : i32
      %dma_start3A_176 = arith.constant 0 : i32
      %dma_start3A_177 = tpu.memref_slice %arg11[%dma_start3A_173, %dma_start3A_175, %dma_start3A_176] : memref<7x128x16xf32, #tpu.memory_space<vmem>> -> memref<1x128x16xf32, #tpu.memory_space<vmem>>
      %dma_start3A_178 = tpu.memref_squeeze %dma_start3A_177 : memref<1x128x16xf32, #tpu.memory_space<vmem>> -> memref<128x16xf32, #tpu.memory_space<vmem>>
      %dma_start3A_179 = arith.constant 0 : i32
      %dma_start3A_180 = tpu.memref_slice %arg10[%dma_start3A_174, %dma_start3A_179] : memref<7x128xi32, #tpu.memory_space<vmem>> -> memref<1x128xi32, #tpu.memory_space<vmem>>
      %dma_start3A_181 = tpu.memref_squeeze %dma_start3A_180 : memref<1x128xi32, #tpu.memory_space<vmem>> -> memref<128xi32, #tpu.memory_space<vmem>>
      %dma_start3A_182 = arith.constant 0 : i32
      %dma_start3A_183 = arith.constant 0 : i32
      %dma_start3A_184 = tpu.memref_slice %arg20[%dma_start3A_182, %dma_start3A_183] : memref<51200x16xf32, #tpu.memory_space<vmem_shared>> -> memref<51200x16xf32, #tpu.memory_space<vmem_shared>>
      tpu.enqueue_indirect_dma source(%dma_start3A_178 : memref<128x16xf32, #tpu.memory_space<vmem>>) target(%dma_start3A_184 : memref<51200x16xf32, #tpu.memory_space<vmem_shared>>) offsets(%dma_start3A_181 : memref<128xi32, #tpu.memory_space<vmem>>) semaphore(%arg19 : memref<!tpu.dma_semaphore, #tpu.memory_space<semaphore_mem>>) {add = true}
      %dma_wait3A_185 = arith.constant 3 : i32
      %dma_wait3A_186 = arith.constant 3 : i32
      %dma_wait3A_187 = arith.constant 0 : i32
      %dma_wait3A_188 = arith.constant 0 : i32
      %dma_wait3A_189 = tpu.memref_slice %arg11[%dma_wait3A_186, %dma_wait3A_187, %dma_wait3A_188] : memref<7x128x16xf32, #tpu.memory_space<vmem>> -> memref<1x128x16xf32, #tpu.memory_space<vmem>>
      %dma_wait3A_190 = tpu.memref_squeeze %dma_wait3A_189 : memref<1x128x16xf32, #tpu.memory_space<vmem>> -> memref<128x16xf32, #tpu.memory_space<vmem>>
      %dma_wait3A_191 = arith.constant 0 : i32
      %dma_wait3A_192 = tpu.memref_slice %arg9[%dma_wait3A_185, %dma_wait3A_191] : memref<7x128xi32, #tpu.memory_space<vmem>> -> memref<1x128xi32, #tpu.memory_space<vmem>>
      %dma_wait3A_193 = tpu.memref_squeeze %dma_wait3A_192 : memref<1x128xi32, #tpu.memory_space<vmem>> -> memref<128xi32, #tpu.memory_space<vmem>>
      %dma_wait3A_194 = arith.constant 0 : i32
      %dma_wait3A_195 = arith.constant 0 : i32
      %dma_wait3A_196 = tpu.memref_slice %arg2[%dma_wait3A_194, %dma_wait3A_195] : memref<50000x16xf32, #tpu.memory_space<hbm>> -> memref<50000x16xf32, #tpu.memory_space<hbm>>
      tpu.wait_indirect_dma semaphore(%arg15 : memref<!tpu.dma_semaphore, #tpu.memory_space<semaphore_mem>>) src(%dma_wait3A_196 : memref<50000x16xf32, #tpu.memory_space<hbm>>) dst(%dma_wait3A_190 : memref<128x16xf32, #tpu.memory_space<vmem>>)
      %dma_start3A_197 = arith.constant 3 : i32
      %dma_start3A_198 = arith.constant 3 : i32
      %dma_start3A_199 = arith.constant 0 : i32
      %dma_start3A_200 = arith.constant 0 : i32
      %dma_start3A_201 = tpu.memref_slice %arg11[%dma_start3A_197, %dma_start3A_199, %dma_start3A_200] : memref<7x128x16xf32, #tpu.memory_space<vmem>> -> memref<1x128x16xf32, #tpu.memory_space<vmem>>
      %dma_start3A_202 = tpu.memref_squeeze %dma_start3A_201 : memref<1x128x16xf32, #tpu.memory_space<vmem>> -> memref<128x16xf32, #tpu.memory_space<vmem>>
      %dma_start3A_203 = arith.constant 0 : i32
      %dma_start3A_204 = tpu.memref_slice %arg10[%dma_start3A_198, %dma_start3A_203] : memref<7x128xi32, #tpu.memory_space<vmem>> -> memref<1x128xi32, #tpu.memory_space<vmem>>
      %dma_start3A_205 = tpu.memref_squeeze %dma_start3A_204 : memref<1x128xi32, #tpu.memory_space<vmem>> -> memref<128xi32, #tpu.memory_space<vmem>>
      %dma_start3A_206 = arith.constant 0 : i32
      %dma_start3A_207 = arith.constant 0 : i32
      %dma_start3A_208 = tpu.memref_slice %arg20[%dma_start3A_206, %dma_start3A_207] : memref<51200x16xf32, #tpu.memory_space<vmem_shared>> -> memref<51200x16xf32, #tpu.memory_space<vmem_shared>>
      tpu.enqueue_indirect_dma source(%dma_start3A_202 : memref<128x16xf32, #tpu.memory_space<vmem>>) target(%dma_start3A_208 : memref<51200x16xf32, #tpu.memory_space<vmem_shared>>) offsets(%dma_start3A_205 : memref<128xi32, #tpu.memory_space<vmem>>) semaphore(%arg19 : memref<!tpu.dma_semaphore, #tpu.memory_space<semaphore_mem>>) {add = true}
      %dma_wait3A_209 = arith.constant 4 : i32
      %dma_wait3A_210 = arith.constant 4 : i32
      %dma_wait3A_211 = arith.constant 0 : i32
      %dma_wait3A_212 = arith.constant 0 : i32
      %dma_wait3A_213 = tpu.memref_slice %arg11[%dma_wait3A_210, %dma_wait3A_211, %dma_wait3A_212] : memref<7x128x16xf32, #tpu.memory_space<vmem>> -> memref<1x128x16xf32, #tpu.memory_space<vmem>>
      %dma_wait3A_214 = tpu.memref_squeeze %dma_wait3A_213 : memref<1x128x16xf32, #tpu.memory_space<vmem>> -> memref<128x16xf32, #tpu.memory_space<vmem>>
      %dma_wait3A_215 = arith.constant 0 : i32
      %dma_wait3A_216 = tpu.memref_slice %arg9[%dma_wait3A_209, %dma_wait3A_215] : memref<7x128xi32, #tpu.memory_space<vmem>> -> memref<1x128xi32, #tpu.memory_space<vmem>>
      %dma_wait3A_217 = tpu.memref_squeeze %dma_wait3A_216 : memref<1x128xi32, #tpu.memory_space<vmem>> -> memref<128xi32, #tpu.memory_space<vmem>>
      %dma_wait3A_218 = arith.constant 0 : i32
      %dma_wait3A_219 = arith.constant 0 : i32
      %dma_wait3A_220 = tpu.memref_slice %arg2[%dma_wait3A_218, %dma_wait3A_219] : memref<50000x16xf32, #tpu.memory_space<hbm>> -> memref<50000x16xf32, #tpu.memory_space<hbm>>
      tpu.wait_indirect_dma semaphore(%arg16 : memref<!tpu.dma_semaphore, #tpu.memory_space<semaphore_mem>>) src(%dma_wait3A_220 : memref<50000x16xf32, #tpu.memory_space<hbm>>) dst(%dma_wait3A_214 : memref<128x16xf32, #tpu.memory_space<vmem>>)
      %dma_start3A_221 = arith.constant 4 : i32
      %dma_start3A_222 = arith.constant 4 : i32
      %dma_start3A_223 = arith.constant 0 : i32
      %dma_start3A_224 = arith.constant 0 : i32
      %dma_start3A_225 = tpu.memref_slice %arg11[%dma_start3A_221, %dma_start3A_223, %dma_start3A_224] : memref<7x128x16xf32, #tpu.memory_space<vmem>> -> memref<1x128x16xf32, #tpu.memory_space<vmem>>
      %dma_start3A_226 = tpu.memref_squeeze %dma_start3A_225 : memref<1x128x16xf32, #tpu.memory_space<vmem>> -> memref<128x16xf32, #tpu.memory_space<vmem>>
      %dma_start3A_227 = arith.constant 0 : i32
      %dma_start3A_228 = tpu.memref_slice %arg10[%dma_start3A_222, %dma_start3A_227] : memref<7x128xi32, #tpu.memory_space<vmem>> -> memref<1x128xi32, #tpu.memory_space<vmem>>
      %dma_start3A_229 = tpu.memref_squeeze %dma_start3A_228 : memref<1x128xi32, #tpu.memory_space<vmem>> -> memref<128xi32, #tpu.memory_space<vmem>>
      %dma_start3A_230 = arith.constant 0 : i32
      %dma_start3A_231 = arith.constant 0 : i32
      %dma_start3A_232 = tpu.memref_slice %arg20[%dma_start3A_230, %dma_start3A_231] : memref<51200x16xf32, #tpu.memory_space<vmem_shared>> -> memref<51200x16xf32, #tpu.memory_space<vmem_shared>>
      tpu.enqueue_indirect_dma source(%dma_start3A_226 : memref<128x16xf32, #tpu.memory_space<vmem>>) target(%dma_start3A_232 : memref<51200x16xf32, #tpu.memory_space<vmem_shared>>) offsets(%dma_start3A_229 : memref<128xi32, #tpu.memory_space<vmem>>) semaphore(%arg19 : memref<!tpu.dma_semaphore, #tpu.memory_space<semaphore_mem>>) {add = true}
      %dma_wait3A_233 = arith.constant 5 : i32
      %dma_wait3A_234 = arith.constant 5 : i32
      %dma_wait3A_235 = arith.constant 0 : i32
      %dma_wait3A_236 = arith.constant 0 : i32
      %dma_wait3A_237 = tpu.memref_slice %arg11[%dma_wait3A_234, %dma_wait3A_235, %dma_wait3A_236] : memref<7x128x16xf32, #tpu.memory_space<vmem>> -> memref<1x128x16xf32, #tpu.memory_space<vmem>>
      %dma_wait3A_238 = tpu.memref_squeeze %dma_wait3A_237 : memref<1x128x16xf32, #tpu.memory_space<vmem>> -> memref<128x16xf32, #tpu.memory_space<vmem>>
      %dma_wait3A_239 = arith.constant 0 : i32
      %dma_wait3A_240 = tpu.memref_slice %arg9[%dma_wait3A_233, %dma_wait3A_239] : memref<7x128xi32, #tpu.memory_space<vmem>> -> memref<1x128xi32, #tpu.memory_space<vmem>>
      %dma_wait3A_241 = tpu.memref_squeeze %dma_wait3A_240 : memref<1x128xi32, #tpu.memory_space<vmem>> -> memref<128xi32, #tpu.memory_space<vmem>>
      %dma_wait3A_242 = arith.constant 0 : i32
      %dma_wait3A_243 = arith.constant 0 : i32
      %dma_wait3A_244 = tpu.memref_slice %arg2[%dma_wait3A_242, %dma_wait3A_243] : memref<50000x16xf32, #tpu.memory_space<hbm>> -> memref<50000x16xf32, #tpu.memory_space<hbm>>
      tpu.wait_indirect_dma semaphore(%arg17 : memref<!tpu.dma_semaphore, #tpu.memory_space<semaphore_mem>>) src(%dma_wait3A_244 : memref<50000x16xf32, #tpu.memory_space<hbm>>) dst(%dma_wait3A_238 : memref<128x16xf32, #tpu.memory_space<vmem>>)
      %dma_start3A_245 = arith.constant 5 : i32
      %dma_start3A_246 = arith.constant 5 : i32
      %dma_start3A_247 = arith.constant 0 : i32
      %dma_start3A_248 = arith.constant 0 : i32
      %dma_start3A_249 = tpu.memref_slice %arg11[%dma_start3A_245, %dma_start3A_247, %dma_start3A_248] : memref<7x128x16xf32, #tpu.memory_space<vmem>> -> memref<1x128x16xf32, #tpu.memory_space<vmem>>
      %dma_start3A_250 = tpu.memref_squeeze %dma_start3A_249 : memref<1x128x16xf32, #tpu.memory_space<vmem>> -> memref<128x16xf32, #tpu.memory_space<vmem>>
      %dma_start3A_251 = arith.constant 0 : i32
      %dma_start3A_252 = tpu.memref_slice %arg10[%dma_start3A_246, %dma_start3A_251] : memref<7x128xi32, #tpu.memory_space<vmem>> -> memref<1x128xi32, #tpu.memory_space<vmem>>
      %dma_start3A_253 = tpu.memref_squeeze %dma_start3A_252 : memref<1x128xi32, #tpu.memory_space<vmem>> -> memref<128xi32, #tpu.memory_space<vmem>>
      %dma_start3A_254 = arith.constant 0 : i32
      %dma_start3A_255 = arith.constant 0 : i32
      %dma_start3A_256 = tpu.memref_slice %arg20[%dma_start3A_254, %dma_start3A_255] : memref<51200x16xf32, #tpu.memory_space<vmem_shared>> -> memref<51200x16xf32, #tpu.memory_space<vmem_shared>>
      tpu.enqueue_indirect_dma source(%dma_start3A_250 : memref<128x16xf32, #tpu.memory_space<vmem>>) target(%dma_start3A_256 : memref<51200x16xf32, #tpu.memory_space<vmem_shared>>) offsets(%dma_start3A_253 : memref<128xi32, #tpu.memory_space<vmem>>) semaphore(%arg19 : memref<!tpu.dma_semaphore, #tpu.memory_space<semaphore_mem>>) {add = true}
      %dma_wait3A_257 = arith.constant 6 : i32
      %dma_wait3A_258 = arith.constant 6 : i32
      %dma_wait3A_259 = arith.constant 0 : i32
      %dma_wait3A_260 = arith.constant 0 : i32
      %dma_wait3A_261 = tpu.memref_slice %arg11[%dma_wait3A_258, %dma_wait3A_259, %dma_wait3A_260] : memref<7x128x16xf32, #tpu.memory_space<vmem>> -> memref<1x128x16xf32, #tpu.memory_space<vmem>>
      %dma_wait3A_262 = tpu.memref_squeeze %dma_wait3A_261 : memref<1x128x16xf32, #tpu.memory_space<vmem>> -> memref<128x16xf32, #tpu.memory_space<vmem>>
      %dma_wait3A_263 = arith.constant 0 : i32
      %dma_wait3A_264 = tpu.memref_slice %arg9[%dma_wait3A_257, %dma_wait3A_263] : memref<7x128xi32, #tpu.memory_space<vmem>> -> memref<1x128xi32, #tpu.memory_space<vmem>>
      %dma_wait3A_265 = tpu.memref_squeeze %dma_wait3A_264 : memref<1x128xi32, #tpu.memory_space<vmem>> -> memref<128xi32, #tpu.memory_space<vmem>>
      %dma_wait3A_266 = arith.constant 0 : i32
      %dma_wait3A_267 = arith.constant 0 : i32
      %dma_wait3A_268 = tpu.memref_slice %arg2[%dma_wait3A_266, %dma_wait3A_267] : memref<50000x16xf32, #tpu.memory_space<hbm>> -> memref<50000x16xf32, #tpu.memory_space<hbm>>
      tpu.wait_indirect_dma semaphore(%arg18 : memref<!tpu.dma_semaphore, #tpu.memory_space<semaphore_mem>>) src(%dma_wait3A_268 : memref<50000x16xf32, #tpu.memory_space<hbm>>) dst(%dma_wait3A_262 : memref<128x16xf32, #tpu.memory_space<vmem>>)
      %dma_start3A_269 = arith.constant 6 : i32
      %dma_start3A_270 = arith.constant 6 : i32
      %dma_start3A_271 = arith.constant 0 : i32
      %dma_start3A_272 = arith.constant 0 : i32
      %dma_start3A_273 = tpu.memref_slice %arg11[%dma_start3A_269, %dma_start3A_271, %dma_start3A_272] : memref<7x128x16xf32, #tpu.memory_space<vmem>> -> memref<1x128x16xf32, #tpu.memory_space<vmem>>
      %dma_start3A_274 = tpu.memref_squeeze %dma_start3A_273 : memref<1x128x16xf32, #tpu.memory_space<vmem>> -> memref<128x16xf32, #tpu.memory_space<vmem>>
      %dma_start3A_275 = arith.constant 0 : i32
      %dma_start3A_276 = tpu.memref_slice %arg10[%dma_start3A_270, %dma_start3A_275] : memref<7x128xi32, #tpu.memory_space<vmem>> -> memref<1x128xi32, #tpu.memory_space<vmem>>
      %dma_start3A_277 = tpu.memref_squeeze %dma_start3A_276 : memref<1x128xi32, #tpu.memory_space<vmem>> -> memref<128xi32, #tpu.memory_space<vmem>>
      %dma_start3A_278 = arith.constant 0 : i32
      %dma_start3A_279 = arith.constant 0 : i32
      %dma_start3A_280 = tpu.memref_slice %arg20[%dma_start3A_278, %dma_start3A_279] : memref<51200x16xf32, #tpu.memory_space<vmem_shared>> -> memref<51200x16xf32, #tpu.memory_space<vmem_shared>>
      tpu.enqueue_indirect_dma source(%dma_start3A_274 : memref<128x16xf32, #tpu.memory_space<vmem>>) target(%dma_start3A_280 : memref<51200x16xf32, #tpu.memory_space<vmem_shared>>) offsets(%dma_start3A_277 : memref<128xi32, #tpu.memory_space<vmem>>) semaphore(%arg19 : memref<!tpu.dma_semaphore, #tpu.memory_space<semaphore_mem>>) {add = true}
      %dma_wait3A_281 = arith.constant 0 : i32
      %dma_wait3A_282 = arith.constant 0 : i32
      %dma_wait3A_283 = arith.constant 0 : i32
      %dma_wait3A_284 = arith.constant 0 : i32
      %dma_wait3A_285 = tpu.memref_slice %arg11[%dma_wait3A_281, %dma_wait3A_283, %dma_wait3A_284] : memref<7x128x16xf32, #tpu.memory_space<vmem>> -> memref<1x128x16xf32, #tpu.memory_space<vmem>>
      %dma_wait3A_286 = tpu.memref_squeeze %dma_wait3A_285 : memref<1x128x16xf32, #tpu.memory_space<vmem>> -> memref<128x16xf32, #tpu.memory_space<vmem>>
      %dma_wait3A_287 = arith.constant 0 : i32
      %dma_wait3A_288 = tpu.memref_slice %arg10[%dma_wait3A_282, %dma_wait3A_287] : memref<7x128xi32, #tpu.memory_space<vmem>> -> memref<1x128xi32, #tpu.memory_space<vmem>>
      %dma_wait3A_289 = tpu.memref_squeeze %dma_wait3A_288 : memref<1x128xi32, #tpu.memory_space<vmem>> -> memref<128xi32, #tpu.memory_space<vmem>>
      %dma_wait3A_290 = arith.constant 0 : i32
      %dma_wait3A_291 = arith.constant 0 : i32
      %dma_wait3A_292 = tpu.memref_slice %arg20[%dma_wait3A_290, %dma_wait3A_291] : memref<51200x16xf32, #tpu.memory_space<vmem_shared>> -> memref<51200x16xf32, #tpu.memory_space<vmem_shared>>
      tpu.wait_indirect_dma semaphore(%arg19 : memref<!tpu.dma_semaphore, #tpu.memory_space<semaphore_mem>>) src(%dma_wait3A_286 : memref<128x16xf32, #tpu.memory_space<vmem>>) dst(%dma_wait3A_292 : memref<51200x16xf32, #tpu.memory_space<vmem_shared>>)
      %dma_wait3A_293 = arith.constant 1 : i32
      %dma_wait3A_294 = arith.constant 1 : i32
      %dma_wait3A_295 = arith.constant 0 : i32
      %dma_wait3A_296 = arith.constant 0 : i32
      %dma_wait3A_297 = tpu.memref_slice %arg11[%dma_wait3A_293, %dma_wait3A_295, %dma_wait3A_296] : memref<7x128x16xf32, #tpu.memory_space<vmem>> -> memref<1x128x16xf32, #tpu.memory_space<vmem>>
      %dma_wait3A_298 = tpu.memref_squeeze %dma_wait3A_297 : memref<1x128x16xf32, #tpu.memory_space<vmem>> -> memref<128x16xf32, #tpu.memory_space<vmem>>
      %dma_wait3A_299 = arith.constant 0 : i32
      %dma_wait3A_300 = tpu.memref_slice %arg10[%dma_wait3A_294, %dma_wait3A_299] : memref<7x128xi32, #tpu.memory_space<vmem>> -> memref<1x128xi32, #tpu.memory_space<vmem>>
      %dma_wait3A_301 = tpu.memref_squeeze %dma_wait3A_300 : memref<1x128xi32, #tpu.memory_space<vmem>> -> memref<128xi32, #tpu.memory_space<vmem>>
      %dma_wait3A_302 = arith.constant 0 : i32
      %dma_wait3A_303 = arith.constant 0 : i32
      %dma_wait3A_304 = tpu.memref_slice %arg20[%dma_wait3A_302, %dma_wait3A_303] : memref<51200x16xf32, #tpu.memory_space<vmem_shared>> -> memref<51200x16xf32, #tpu.memory_space<vmem_shared>>
      tpu.wait_indirect_dma semaphore(%arg19 : memref<!tpu.dma_semaphore, #tpu.memory_space<semaphore_mem>>) src(%dma_wait3A_298 : memref<128x16xf32, #tpu.memory_space<vmem>>) dst(%dma_wait3A_304 : memref<51200x16xf32, #tpu.memory_space<vmem_shared>>)
      %dma_wait3A_305 = arith.constant 2 : i32
      %dma_wait3A_306 = arith.constant 2 : i32
      %dma_wait3A_307 = arith.constant 0 : i32
      %dma_wait3A_308 = arith.constant 0 : i32
      %dma_wait3A_309 = tpu.memref_slice %arg11[%dma_wait3A_305, %dma_wait3A_307, %dma_wait3A_308] : memref<7x128x16xf32, #tpu.memory_space<vmem>> -> memref<1x128x16xf32, #tpu.memory_space<vmem>>
      %dma_wait3A_310 = tpu.memref_squeeze %dma_wait3A_309 : memref<1x128x16xf32, #tpu.memory_space<vmem>> -> memref<128x16xf32, #tpu.memory_space<vmem>>
      %dma_wait3A_311 = arith.constant 0 : i32
      %dma_wait3A_312 = tpu.memref_slice %arg10[%dma_wait3A_306, %dma_wait3A_311] : memref<7x128xi32, #tpu.memory_space<vmem>> -> memref<1x128xi32, #tpu.memory_space<vmem>>
      %dma_wait3A_313 = tpu.memref_squeeze %dma_wait3A_312 : memref<1x128xi32, #tpu.memory_space<vmem>> -> memref<128xi32, #tpu.memory_space<vmem>>
      %dma_wait3A_314 = arith.constant 0 : i32
      %dma_wait3A_315 = arith.constant 0 : i32
      %dma_wait3A_316 = tpu.memref_slice %arg20[%dma_wait3A_314, %dma_wait3A_315] : memref<51200x16xf32, #tpu.memory_space<vmem_shared>> -> memref<51200x16xf32, #tpu.memory_space<vmem_shared>>
      tpu.wait_indirect_dma semaphore(%arg19 : memref<!tpu.dma_semaphore, #tpu.memory_space<semaphore_mem>>) src(%dma_wait3A_310 : memref<128x16xf32, #tpu.memory_space<vmem>>) dst(%dma_wait3A_316 : memref<51200x16xf32, #tpu.memory_space<vmem_shared>>)
      %dma_wait3A_317 = arith.constant 3 : i32
      %dma_wait3A_318 = arith.constant 3 : i32
      %dma_wait3A_319 = arith.constant 0 : i32
      %dma_wait3A_320 = arith.constant 0 : i32
      %dma_wait3A_321 = tpu.memref_slice %arg11[%dma_wait3A_317, %dma_wait3A_319, %dma_wait3A_320] : memref<7x128x16xf32, #tpu.memory_space<vmem>> -> memref<1x128x16xf32, #tpu.memory_space<vmem>>
      %dma_wait3A_322 = tpu.memref_squeeze %dma_wait3A_321 : memref<1x128x16xf32, #tpu.memory_space<vmem>> -> memref<128x16xf32, #tpu.memory_space<vmem>>
      %dma_wait3A_323 = arith.constant 0 : i32
      %dma_wait3A_324 = tpu.memref_slice %arg10[%dma_wait3A_318, %dma_wait3A_323] : memref<7x128xi32, #tpu.memory_space<vmem>> -> memref<1x128xi32, #tpu.memory_space<vmem>>
      %dma_wait3A_325 = tpu.memref_squeeze %dma_wait3A_324 : memref<1x128xi32, #tpu.memory_space<vmem>> -> memref<128xi32, #tpu.memory_space<vmem>>
      %dma_wait3A_326 = arith.constant 0 : i32
      %dma_wait3A_327 = arith.constant 0 : i32
      %dma_wait3A_328 = tpu.memref_slice %arg20[%dma_wait3A_326, %dma_wait3A_327] : memref<51200x16xf32, #tpu.memory_space<vmem_shared>> -> memref<51200x16xf32, #tpu.memory_space<vmem_shared>>
      tpu.wait_indirect_dma semaphore(%arg19 : memref<!tpu.dma_semaphore, #tpu.memory_space<semaphore_mem>>) src(%dma_wait3A_322 : memref<128x16xf32, #tpu.memory_space<vmem>>) dst(%dma_wait3A_328 : memref<51200x16xf32, #tpu.memory_space<vmem_shared>>)
      %dma_wait3A_329 = arith.constant 4 : i32
      %dma_wait3A_330 = arith.constant 4 : i32
      %dma_wait3A_331 = arith.constant 0 : i32
      %dma_wait3A_332 = arith.constant 0 : i32
      %dma_wait3A_333 = tpu.memref_slice %arg11[%dma_wait3A_329, %dma_wait3A_331, %dma_wait3A_332] : memref<7x128x16xf32, #tpu.memory_space<vmem>> -> memref<1x128x16xf32, #tpu.memory_space<vmem>>
      %dma_wait3A_334 = tpu.memref_squeeze %dma_wait3A_333 : memref<1x128x16xf32, #tpu.memory_space<vmem>> -> memref<128x16xf32, #tpu.memory_space<vmem>>
      %dma_wait3A_335 = arith.constant 0 : i32
      %dma_wait3A_336 = tpu.memref_slice %arg10[%dma_wait3A_330, %dma_wait3A_335] : memref<7x128xi32, #tpu.memory_space<vmem>> -> memref<1x128xi32, #tpu.memory_space<vmem>>
      %dma_wait3A_337 = tpu.memref_squeeze %dma_wait3A_336 : memref<1x128xi32, #tpu.memory_space<vmem>> -> memref<128xi32, #tpu.memory_space<vmem>>
      %dma_wait3A_338 = arith.constant 0 : i32
      %dma_wait3A_339 = arith.constant 0 : i32
      %dma_wait3A_340 = tpu.memref_slice %arg20[%dma_wait3A_338, %dma_wait3A_339] : memref<51200x16xf32, #tpu.memory_space<vmem_shared>> -> memref<51200x16xf32, #tpu.memory_space<vmem_shared>>
      tpu.wait_indirect_dma semaphore(%arg19 : memref<!tpu.dma_semaphore, #tpu.memory_space<semaphore_mem>>) src(%dma_wait3A_334 : memref<128x16xf32, #tpu.memory_space<vmem>>) dst(%dma_wait3A_340 : memref<51200x16xf32, #tpu.memory_space<vmem_shared>>)
      %dma_wait3A_341 = arith.constant 5 : i32
      %dma_wait3A_342 = arith.constant 5 : i32
      %dma_wait3A_343 = arith.constant 0 : i32
      %dma_wait3A_344 = arith.constant 0 : i32
      %dma_wait3A_345 = tpu.memref_slice %arg11[%dma_wait3A_341, %dma_wait3A_343, %dma_wait3A_344] : memref<7x128x16xf32, #tpu.memory_space<vmem>> -> memref<1x128x16xf32, #tpu.memory_space<vmem>>
      %dma_wait3A_346 = tpu.memref_squeeze %dma_wait3A_345 : memref<1x128x16xf32, #tpu.memory_space<vmem>> -> memref<128x16xf32, #tpu.memory_space<vmem>>
      %dma_wait3A_347 = arith.constant 0 : i32
      %dma_wait3A_348 = tpu.memref_slice %arg10[%dma_wait3A_342, %dma_wait3A_347] : memref<7x128xi32, #tpu.memory_space<vmem>> -> memref<1x128xi32, #tpu.memory_space<vmem>>
      %dma_wait3A_349 = tpu.memref_squeeze %dma_wait3A_348 : memref<1x128xi32, #tpu.memory_space<vmem>> -> memref<128xi32, #tpu.memory_space<vmem>>
      %dma_wait3A_350 = arith.constant 0 : i32
      %dma_wait3A_351 = arith.constant 0 : i32
      %dma_wait3A_352 = tpu.memref_slice %arg20[%dma_wait3A_350, %dma_wait3A_351] : memref<51200x16xf32, #tpu.memory_space<vmem_shared>> -> memref<51200x16xf32, #tpu.memory_space<vmem_shared>>
      tpu.wait_indirect_dma semaphore(%arg19 : memref<!tpu.dma_semaphore, #tpu.memory_space<semaphore_mem>>) src(%dma_wait3A_346 : memref<128x16xf32, #tpu.memory_space<vmem>>) dst(%dma_wait3A_352 : memref<51200x16xf32, #tpu.memory_space<vmem_shared>>)
      %dma_wait3A_353 = arith.constant 6 : i32
      %dma_wait3A_354 = arith.constant 6 : i32
      %dma_wait3A_355 = arith.constant 0 : i32
      %dma_wait3A_356 = arith.constant 0 : i32
      %dma_wait3A_357 = tpu.memref_slice %arg11[%dma_wait3A_353, %dma_wait3A_355, %dma_wait3A_356] : memref<7x128x16xf32, #tpu.memory_space<vmem>> -> memref<1x128x16xf32, #tpu.memory_space<vmem>>
      %dma_wait3A_358 = tpu.memref_squeeze %dma_wait3A_357 : memref<1x128x16xf32, #tpu.memory_space<vmem>> -> memref<128x16xf32, #tpu.memory_space<vmem>>
      %dma_wait3A_359 = arith.constant 0 : i32
      %dma_wait3A_360 = tpu.memref_slice %arg10[%dma_wait3A_354, %dma_wait3A_359] : memref<7x128xi32, #tpu.memory_space<vmem>> -> memref<1x128xi32, #tpu.memory_space<vmem>>
      %dma_wait3A_361 = tpu.memref_squeeze %dma_wait3A_360 : memref<1x128xi32, #tpu.memory_space<vmem>> -> memref<128xi32, #tpu.memory_space<vmem>>
      %dma_wait3A_362 = arith.constant 0 : i32
      %dma_wait3A_363 = arith.constant 0 : i32
      %dma_wait3A_364 = tpu.memref_slice %arg20[%dma_wait3A_362, %dma_wait3A_363] : memref<51200x16xf32, #tpu.memory_space<vmem_shared>> -> memref<51200x16xf32, #tpu.memory_space<vmem_shared>>
      tpu.wait_indirect_dma semaphore(%arg19 : memref<!tpu.dma_semaphore, #tpu.memory_space<semaphore_mem>>) src(%dma_wait3A_358 : memref<128x16xf32, #tpu.memory_space<vmem>>) dst(%dma_wait3A_364 : memref<51200x16xf32, #tpu.memory_space<vmem_shared>>)
      %scan3A_365 = arith.constant 0 : i32
      scf.yield %scan3A_365 : i32
    }
    %scan3A_15 = arith.constant 28 : i32
    %barrier3A_16 = arith.constant 0 : index
    tpu.barrier barrier_id(%barrier3A_16)
    %scan3A_17 = arith.constant 0 : i32
    %scan3A_18 = arith.constant 0 : i32
    %scan3A_19 = arith.constant 25 : i32
    %scan3A_20 = arith.addi %scan3A_18, %scan3A_19 : i32
    %scan3A_21 = arith.constant 1 : i32
    %scan3A_22 = scf.for %scan3A_24 = %scan3A_18 to %scan3A_20 step %scan3A_21 iter_args(%scan3A_25 = %scan3A_17) -> (i32)  : i32 {
      %mul3A_26 = arith.constant 128 : i32
      %mul3A_27 = arith.muli %scan3A_24, %mul3A_26 : i32
      %add3A_28 = arith.addi %mul3A_2, %mul3A_27 : i32
      %run_scoped3A_29 = arith.constant 0 : i32
      "tpu.region"() ({
        %run_scoped3A_32 = tpu.sem_alloc : memref<!tpu.dma_semaphore, #tpu.memory_space<semaphore_mem>>
        %dma_start3A = arith.constant 0 : i32
        %dma_start3A_33 = arith.constant 0 : i32
        %dma_start3A_34 = tpu.memref_slice %arg11[%run_scoped3A_29, %dma_start3A, %dma_start3A_33] : memref<7x128x16xf32, #tpu.memory_space<vmem>> -> memref<1x128x16xf32, #tpu.memory_space<vmem>>
        %dma_start3A_35 = tpu.memref_squeeze %dma_start3A_34 : memref<1x128x16xf32, #tpu.memory_space<vmem>> -> memref<128x16xf32, #tpu.memory_space<vmem>>
        %dma_start3A_36 = arith.constant 0 : i32
        %dma_start3A_37 = tpu.memref_slice %arg20[%add3A_28, %dma_start3A_36] : memref<51200x16xf32, #tpu.memory_space<vmem_shared>> -> memref<128x16xf32, #tpu.memory_space<vmem_shared>>
        %dma_start3A_38 = arith.constant 0 : i32
        %dma_start3A_39 = arith.constant 0 : i32
        %dma_start3A_40 = tpu.memref_slice %arg11[%run_scoped3A_29, %dma_start3A_38, %dma_start3A_39] : memref<7x128x16xf32, #tpu.memory_space<vmem>> -> memref<1x128x16xf32, #tpu.memory_space<vmem>>
        %dma_start3A_41 = tpu.memref_squeeze %dma_start3A_40 : memref<1x128x16xf32, #tpu.memory_space<vmem>> -> memref<128x16xf32, #tpu.memory_space<vmem>>
        %dma_start3A_42 = arith.constant 0 : i32
        %dma_start3A_43 = tpu.memref_slice %arg20[%add3A_28, %dma_start3A_42] : memref<51200x16xf32, #tpu.memory_space<vmem_shared>> -> memref<128x16xf32, #tpu.memory_space<vmem_shared>>
        tpu.enqueue_dma source(%dma_start3A_43 : memref<128x16xf32, #tpu.memory_space<vmem_shared>>) target(%dma_start3A_41 : memref<128x16xf32, #tpu.memory_space<vmem>>) target_semaphore(%run_scoped3A_32 : memref<!tpu.dma_semaphore, #tpu.memory_space<semaphore_mem>>)
        %dma_wait3A = arith.constant 0 : i32
        %dma_wait3A_44 = arith.constant 0 : i32
        %dma_wait3A_45 = tpu.memref_slice %arg11[%run_scoped3A_29, %dma_wait3A, %dma_wait3A_44] : memref<7x128x16xf32, #tpu.memory_space<vmem>> -> memref<1x128x16xf32, #tpu.memory_space<vmem>>
        %dma_wait3A_46 = tpu.memref_squeeze %dma_wait3A_45 : memref<1x128x16xf32, #tpu.memory_space<vmem>> -> memref<128x16xf32, #tpu.memory_space<vmem>>
        %dma_wait3A_47 = arith.constant 0 : i32
        %dma_wait3A_48 = tpu.memref_slice %arg20[%add3A_28, %dma_wait3A_47] : memref<51200x16xf32, #tpu.memory_space<vmem_shared>> -> memref<128x16xf32, #tpu.memory_space<vmem_shared>>
        %dma_wait3A_49 = arith.constant 0 : i32
        %dma_wait3A_50 = arith.constant 0 : i32
        %dma_wait3A_51 = tpu.memref_slice %arg11[%run_scoped3A_29, %dma_wait3A_49, %dma_wait3A_50] : memref<7x128x16xf32, #tpu.memory_space<vmem>> -> memref<1x128x16xf32, #tpu.memory_space<vmem>>
        %dma_wait3A_52 = tpu.memref_squeeze %dma_wait3A_51 : memref<1x128x16xf32, #tpu.memory_space<vmem>> -> memref<128x16xf32, #tpu.memory_space<vmem>>
        %dma_wait3A_53 = arith.constant 0 : i32
        %dma_wait3A_54 = tpu.memref_slice %arg20[%add3A_28, %dma_wait3A_53] : memref<51200x16xf32, #tpu.memory_space<vmem_shared>> -> memref<128x16xf32, #tpu.memory_space<vmem_shared>>
        tpu.wait_dma2 semaphore(%run_scoped3A_32 : memref<!tpu.dma_semaphore, #tpu.memory_space<semaphore_mem>>) src(%dma_wait3A_54 : memref<128x16xf32, #tpu.memory_space<vmem_shared>>) dst(%dma_wait3A_52 : memref<128x16xf32, #tpu.memory_space<vmem>>)
        tpu.yield
      }) : () -> ()
      %run_scoped3A_30 = arith.constant 0 : i32
      "tpu.region"() ({
        %run_scoped3A_32 = tpu.sem_alloc : memref<!tpu.dma_semaphore, #tpu.memory_space<semaphore_mem>>
        %dma_start3A = arith.constant 0 : i32
        %dma_start3A_33 = arith.constant 0 : i32
        %dma_start3A_34 = tpu.memref_slice %arg11[%run_scoped3A_30, %dma_start3A, %dma_start3A_33] : memref<7x128x16xf32, #tpu.memory_space<vmem>> -> memref<1x128x16xf32, #tpu.memory_space<vmem>>
        %dma_start3A_35 = tpu.memref_squeeze %dma_start3A_34 : memref<1x128x16xf32, #tpu.memory_space<vmem>> -> memref<128x16xf32, #tpu.memory_space<vmem>>
        %dma_start3A_36 = arith.constant 0 : i32
        %dma_start3A_37 = tpu.memref_slice %arg8[%arg0, %add3A_28, %dma_start3A_36] : memref<2x51200x16xf32, #tpu.memory_space<hbm>> -> memref<1x128x16xf32, #tpu.memory_space<hbm>>
        %dma_start3A_38 = tpu.memref_squeeze %dma_start3A_37 : memref<1x128x16xf32, #tpu.memory_space<hbm>> -> memref<128x16xf32, #tpu.memory_space<hbm>>
        %dma_start3A_39 = arith.constant 0 : i32
        %dma_start3A_40 = tpu.memref_slice %arg8[%arg0, %add3A_28, %dma_start3A_39] : memref<2x51200x16xf32, #tpu.memory_space<hbm>> -> memref<1x128x16xf32, #tpu.memory_space<hbm>>
        %dma_start3A_41 = tpu.memref_squeeze %dma_start3A_40 : memref<1x128x16xf32, #tpu.memory_space<hbm>> -> memref<128x16xf32, #tpu.memory_space<hbm>>
        %dma_start3A_42 = arith.constant 0 : i32
        %dma_start3A_43 = arith.constant 0 : i32
        %dma_start3A_44 = tpu.memref_slice %arg11[%run_scoped3A_30, %dma_start3A_42, %dma_start3A_43] : memref<7x128x16xf32, #tpu.memory_space<vmem>> -> memref<1x128x16xf32, #tpu.memory_space<vmem>>
        %dma_start3A_45 = tpu.memref_squeeze %dma_start3A_44 : memref<1x128x16xf32, #tpu.memory_space<vmem>> -> memref<128x16xf32, #tpu.memory_space<vmem>>
        tpu.enqueue_dma source(%dma_start3A_45 : memref<128x16xf32, #tpu.memory_space<vmem>>) target(%dma_start3A_41 : memref<128x16xf32, #tpu.memory_space<hbm>>) target_semaphore(%run_scoped3A_32 : memref<!tpu.dma_semaphore, #tpu.memory_space<semaphore_mem>>)
        %dma_wait3A = arith.constant 0 : i32
        %dma_wait3A_46 = arith.constant 0 : i32
        %dma_wait3A_47 = tpu.memref_slice %arg11[%run_scoped3A_30, %dma_wait3A, %dma_wait3A_46] : memref<7x128x16xf32, #tpu.memory_space<vmem>> -> memref<1x128x16xf32, #tpu.memory_space<vmem>>
        %dma_wait3A_48 = tpu.memref_squeeze %dma_wait3A_47 : memref<1x128x16xf32, #tpu.memory_space<vmem>> -> memref<128x16xf32, #tpu.memory_space<vmem>>
        %dma_wait3A_49 = arith.constant 0 : i32
        %dma_wait3A_50 = tpu.memref_slice %arg8[%arg0, %add3A_28, %dma_wait3A_49] : memref<2x51200x16xf32, #tpu.memory_space<hbm>> -> memref<1x128x16xf32, #tpu.memory_space<hbm>>
        %dma_wait3A_51 = tpu.memref_squeeze %dma_wait3A_50 : memref<1x128x16xf32, #tpu.memory_space<hbm>> -> memref<128x16xf32, #tpu.memory_space<hbm>>
        %dma_wait3A_52 = arith.constant 0 : i32
        %dma_wait3A_53 = tpu.memref_slice %arg8[%arg0, %add3A_28, %dma_wait3A_52] : memref<2x51200x16xf32, #tpu.memory_space<hbm>> -> memref<1x128x16xf32, #tpu.memory_space<hbm>>
        %dma_wait3A_54 = tpu.memref_squeeze %dma_wait3A_53 : memref<1x128x16xf32, #tpu.memory_space<hbm>> -> memref<128x16xf32, #tpu.memory_space<hbm>>
        %dma_wait3A_55 = arith.constant 0 : i32
        %dma_wait3A_56 = arith.constant 0 : i32
        %dma_wait3A_57 = tpu.memref_slice %arg11[%run_scoped3A_30, %dma_wait3A_55, %dma_wait3A_56] : memref<7x128x16xf32, #tpu.memory_space<vmem>> -> memref<1x128x16xf32, #tpu.memory_space<vmem>>
        %dma_wait3A_58 = tpu.memref_squeeze %dma_wait3A_57 : memref<1x128x16xf32, #tpu.memory_space<vmem>> -> memref<128x16xf32, #tpu.memory_space<vmem>>
        tpu.wait_dma2 semaphore(%run_scoped3A_32 : memref<!tpu.dma_semaphore, #tpu.memory_space<semaphore_mem>>) src(%dma_wait3A_58 : memref<128x16xf32, #tpu.memory_space<vmem>>) dst(%dma_wait3A_54 : memref<128x16xf32, #tpu.memory_space<hbm>>)
        tpu.yield
      }) : () -> ()
      %scan3A_31 = arith.constant 0 : i32
      scf.yield %scan3A_31 : i32
    }
    %scan3A_23 = arith.constant 25 : i32
    return
  }
}

#map = affine_map<(d0, d1) -> (0, 0)>
#map1 = affine_map<(d0, d1) -> (0)>
#map2 = affine_map<(d0, d1) -> (0, 0, 0)>
module attributes {stable_mosaic.version = 14 : i64} {
  func.func @body(%arg0: i32, %arg1: i32, %arg2: memref<50000x32xf32, #tpu.memory_space<hbm>>, %arg3: memref<6272x128xi32, #tpu.memory_space<hbm>>, %arg4: memref<6272x128xi32, #tpu.memory_space<hbm>>, %arg5: memref<128x32xf32, #tpu.memory_space<hbm>>, %arg6: memref<128xf32, #tpu.memory_space<hbm>>, %arg7: memref<128xf32, #tpu.memory_space<hbm>>, %arg8: memref<2x51200x32xf32, #tpu.memory_space<hbm>>, %arg9: memref<2x51200xf32, #tpu.memory_space<hbm>>, %arg10: memref<4x128xi32, #tpu.memory_space<vmem>>, %arg11: memref<4x128xi32, #tpu.memory_space<vmem>>, %arg12: memref<4x128x32xf32, #tpu.memory_space<vmem>>, %arg13: memref<!tpu.dma_semaphore, #tpu.memory_space<semaphore_mem>>, %arg14: memref<!tpu.dma_semaphore, #tpu.memory_space<semaphore_mem>>, %arg15: memref<!tpu.dma_semaphore, #tpu.memory_space<semaphore_mem>>, %arg16: memref<!tpu.dma_semaphore, #tpu.memory_space<semaphore_mem>>, %arg17: memref<!tpu.dma_semaphore, #tpu.memory_space<semaphore_mem>>, %arg18: memref<51200x32xf32, #tpu.memory_space<vmem_shared>>, %arg19: memref<128xf32, #tpu.memory_space<vmem>>, %arg20: memref<128xf32, #tpu.memory_space<vmem>>, %arg21: memref<51200xf32, #tpu.memory_space<vmem_shared>>) attributes {dimension_semantics = [#tpu.dimension_semantics<core_parallel>, #tpu.dimension_semantics<subcore_parallel>], iteration_bounds = array<i64: 2, 16>, scalar_prefetch = 0 : i64, scratch_operands = 12 : i64, tpu.core_type = #tpu.core_type<sc_vector_subcore>, window_params = [{transform_indices = #map}, {transform_indices = #map}, {transform_indices = #map}, {transform_indices = #map}, {transform_indices = #map1}, {transform_indices = #map1}, {transform_indices = #map2}, {transform_indices = #map}]} {
    %mul3A = arith.constant 16 : i32
    %mul3A_0 = arith.muli %arg0, %mul3A : i32
    %add3A = arith.addi %mul3A_0, %arg1 : i32
    %mul3A_1 = arith.constant 3200 : i32
    %mul3A_2 = arith.muli %arg1, %mul3A_1 : i32
    %run_scoped3A = arith.constant 0 : i32
    "tpu.region"() ({
      %run_scoped3A_24 = tpu.sem_alloc : memref<!tpu.dma_semaphore, #tpu.memory_space<semaphore_mem>>
      %dma_start3A = arith.constant 0 : i32
      %dma_start3A_25 = arith.constant 0 : i32
      %dma_start3A_26 = tpu.memref_slice %arg12[%run_scoped3A, %dma_start3A, %dma_start3A_25] : memref<4x128x32xf32, #tpu.memory_space<vmem>> -> memref<1x128x32xf32, #tpu.memory_space<vmem>>
      %dma_start3A_27 = tpu.memref_squeeze %dma_start3A_26 : memref<1x128x32xf32, #tpu.memory_space<vmem>> -> memref<128x32xf32, #tpu.memory_space<vmem>>
      %dma_start3A_28 = arith.constant 0 : i32
      %dma_start3A_29 = arith.constant 0 : i32
      %dma_start3A_30 = tpu.memref_slice %arg12[%run_scoped3A, %dma_start3A_28, %dma_start3A_29] : memref<4x128x32xf32, #tpu.memory_space<vmem>> -> memref<1x128x32xf32, #tpu.memory_space<vmem>>
      %dma_start3A_31 = tpu.memref_squeeze %dma_start3A_30 : memref<1x128x32xf32, #tpu.memory_space<vmem>> -> memref<128x32xf32, #tpu.memory_space<vmem>>
      tpu.enqueue_dma source(%arg5 : memref<128x32xf32, #tpu.memory_space<hbm>>) target(%dma_start3A_31 : memref<128x32xf32, #tpu.memory_space<vmem>>) target_semaphore(%run_scoped3A_24 : memref<!tpu.dma_semaphore, #tpu.memory_space<semaphore_mem>>)
      %dma_wait3A = arith.constant 0 : i32
      %dma_wait3A_32 = arith.constant 0 : i32
      %dma_wait3A_33 = tpu.memref_slice %arg12[%run_scoped3A, %dma_wait3A, %dma_wait3A_32] : memref<4x128x32xf32, #tpu.memory_space<vmem>> -> memref<1x128x32xf32, #tpu.memory_space<vmem>>
      %dma_wait3A_34 = tpu.memref_squeeze %dma_wait3A_33 : memref<1x128x32xf32, #tpu.memory_space<vmem>> -> memref<128x32xf32, #tpu.memory_space<vmem>>
      %dma_wait3A_35 = arith.constant 0 : i32
      %dma_wait3A_36 = arith.constant 0 : i32
      %dma_wait3A_37 = tpu.memref_slice %arg12[%run_scoped3A, %dma_wait3A_35, %dma_wait3A_36] : memref<4x128x32xf32, #tpu.memory_space<vmem>> -> memref<1x128x32xf32, #tpu.memory_space<vmem>>
      %dma_wait3A_38 = tpu.memref_squeeze %dma_wait3A_37 : memref<1x128x32xf32, #tpu.memory_space<vmem>> -> memref<128x32xf32, #tpu.memory_space<vmem>>
      tpu.wait_dma2 semaphore(%run_scoped3A_24 : memref<!tpu.dma_semaphore, #tpu.memory_space<semaphore_mem>>) src(%arg5 : memref<128x32xf32, #tpu.memory_space<hbm>>) dst(%dma_wait3A_38 : memref<128x32xf32, #tpu.memory_space<vmem>>)
      tpu.yield
    }) : () -> ()
    "tpu.region"() ({
      %run_scoped3A_24 = tpu.sem_alloc : memref<!tpu.dma_semaphore, #tpu.memory_space<semaphore_mem>>
      tpu.enqueue_dma source(%arg6 : memref<128xf32, #tpu.memory_space<hbm>>) target(%arg19 : memref<128xf32, #tpu.memory_space<vmem>>) target_semaphore(%run_scoped3A_24 : memref<!tpu.dma_semaphore, #tpu.memory_space<semaphore_mem>>)
      tpu.wait_dma2 semaphore(%run_scoped3A_24 : memref<!tpu.dma_semaphore, #tpu.memory_space<semaphore_mem>>) src(%arg6 : memref<128xf32, #tpu.memory_space<hbm>>) dst(%arg19 : memref<128xf32, #tpu.memory_space<vmem>>)
      tpu.yield
    }) : () -> ()
    "tpu.region"() ({
      %run_scoped3A_24 = tpu.sem_alloc : memref<!tpu.dma_semaphore, #tpu.memory_space<semaphore_mem>>
      tpu.enqueue_dma source(%arg7 : memref<128xf32, #tpu.memory_space<hbm>>) target(%arg20 : memref<128xf32, #tpu.memory_space<vmem>>) target_semaphore(%run_scoped3A_24 : memref<!tpu.dma_semaphore, #tpu.memory_space<semaphore_mem>>)
      tpu.wait_dma2 semaphore(%run_scoped3A_24 : memref<!tpu.dma_semaphore, #tpu.memory_space<semaphore_mem>>) src(%arg7 : memref<128xf32, #tpu.memory_space<hbm>>) dst(%arg20 : memref<128xf32, #tpu.memory_space<vmem>>)
      tpu.yield
    }) : () -> ()
    %scan3A = arith.constant 0 : i32
    %scan3A_3 = arith.constant 0 : i32
    %scan3A_4 = arith.constant 25 : i32
    %scan3A_5 = arith.addi %scan3A_3, %scan3A_4 : i32
    %scan3A_6 = arith.constant 1 : i32
    %scan3A_7 = scf.for %scan3A_24 = %scan3A_3 to %scan3A_5 step %scan3A_6 iter_args(%scan3A_25 = %scan3A) -> (i32)  : i32 {
      %mul3A_26 = arith.constant 128 : i32
      %mul3A_27 = arith.muli %scan3A_24, %mul3A_26 : i32
      %add3A_28 = arith.addi %mul3A_2, %mul3A_27 : i32
      %run_scoped3A_29 = arith.constant 0 : i32
      "tpu.region"() ({
        %run_scoped3A_34 = tpu.sem_alloc : memref<!tpu.dma_semaphore, #tpu.memory_space<semaphore_mem>>
        %dma_start3A = arith.constant 0 : i32
        %dma_start3A_35 = arith.constant 0 : i32
        %dma_start3A_36 = tpu.memref_slice %arg12[%run_scoped3A_29, %dma_start3A, %dma_start3A_35] : memref<4x128x32xf32, #tpu.memory_space<vmem>> -> memref<1x128x32xf32, #tpu.memory_space<vmem>>
        %dma_start3A_37 = tpu.memref_squeeze %dma_start3A_36 : memref<1x128x32xf32, #tpu.memory_space<vmem>> -> memref<128x32xf32, #tpu.memory_space<vmem>>
        %dma_start3A_38 = arith.constant 0 : i32
        %dma_start3A_39 = tpu.memref_slice %arg18[%add3A_28, %dma_start3A_38] : memref<51200x32xf32, #tpu.memory_space<vmem_shared>> -> memref<128x32xf32, #tpu.memory_space<vmem_shared>>
        %dma_start3A_40 = arith.constant 0 : i32
        %dma_start3A_41 = tpu.memref_slice %arg18[%add3A_28, %dma_start3A_40] : memref<51200x32xf32, #tpu.memory_space<vmem_shared>> -> memref<128x32xf32, #tpu.memory_space<vmem_shared>>
        %dma_start3A_42 = arith.constant 0 : i32
        %dma_start3A_43 = arith.constant 0 : i32
        %dma_start3A_44 = tpu.memref_slice %arg12[%run_scoped3A_29, %dma_start3A_42, %dma_start3A_43] : memref<4x128x32xf32, #tpu.memory_space<vmem>> -> memref<1x128x32xf32, #tpu.memory_space<vmem>>
        %dma_start3A_45 = tpu.memref_squeeze %dma_start3A_44 : memref<1x128x32xf32, #tpu.memory_space<vmem>> -> memref<128x32xf32, #tpu.memory_space<vmem>>
        tpu.enqueue_dma source(%dma_start3A_45 : memref<128x32xf32, #tpu.memory_space<vmem>>) target(%dma_start3A_41 : memref<128x32xf32, #tpu.memory_space<vmem_shared>>) target_semaphore(%run_scoped3A_34 : memref<!tpu.dma_semaphore, #tpu.memory_space<semaphore_mem>>)
        %dma_wait3A = arith.constant 0 : i32
        %dma_wait3A_46 = arith.constant 0 : i32
        %dma_wait3A_47 = tpu.memref_slice %arg12[%run_scoped3A_29, %dma_wait3A, %dma_wait3A_46] : memref<4x128x32xf32, #tpu.memory_space<vmem>> -> memref<1x128x32xf32, #tpu.memory_space<vmem>>
        %dma_wait3A_48 = tpu.memref_squeeze %dma_wait3A_47 : memref<1x128x32xf32, #tpu.memory_space<vmem>> -> memref<128x32xf32, #tpu.memory_space<vmem>>
        %dma_wait3A_49 = arith.constant 0 : i32
        %dma_wait3A_50 = tpu.memref_slice %arg18[%add3A_28, %dma_wait3A_49] : memref<51200x32xf32, #tpu.memory_space<vmem_shared>> -> memref<128x32xf32, #tpu.memory_space<vmem_shared>>
        %dma_wait3A_51 = arith.constant 0 : i32
        %dma_wait3A_52 = tpu.memref_slice %arg18[%add3A_28, %dma_wait3A_51] : memref<51200x32xf32, #tpu.memory_space<vmem_shared>> -> memref<128x32xf32, #tpu.memory_space<vmem_shared>>
        %dma_wait3A_53 = arith.constant 0 : i32
        %dma_wait3A_54 = arith.constant 0 : i32
        %dma_wait3A_55 = tpu.memref_slice %arg12[%run_scoped3A_29, %dma_wait3A_53, %dma_wait3A_54] : memref<4x128x32xf32, #tpu.memory_space<vmem>> -> memref<1x128x32xf32, #tpu.memory_space<vmem>>
        %dma_wait3A_56 = tpu.memref_squeeze %dma_wait3A_55 : memref<1x128x32xf32, #tpu.memory_space<vmem>> -> memref<128x32xf32, #tpu.memory_space<vmem>>
        tpu.wait_dma2 semaphore(%run_scoped3A_34 : memref<!tpu.dma_semaphore, #tpu.memory_space<semaphore_mem>>) src(%dma_wait3A_56 : memref<128x32xf32, #tpu.memory_space<vmem>>) dst(%dma_wait3A_52 : memref<128x32xf32, #tpu.memory_space<vmem_shared>>)
        tpu.yield
      }) : () -> ()
      %mul3A_30 = arith.constant 128 : i32
      %mul3A_31 = arith.muli %scan3A_24, %mul3A_30 : i32
      %add3A_32 = arith.addi %mul3A_2, %mul3A_31 : i32
      "tpu.region"() ({
        %run_scoped3A_34 = tpu.sem_alloc : memref<!tpu.dma_semaphore, #tpu.memory_space<semaphore_mem>>
        %dma_start3A = tpu.memref_slice %arg21[%add3A_32] : memref<51200xf32, #tpu.memory_space<vmem_shared>> -> memref<128xf32, #tpu.memory_space<vmem_shared>>
        %dma_start3A_35 = tpu.memref_slice %arg21[%add3A_32] : memref<51200xf32, #tpu.memory_space<vmem_shared>> -> memref<128xf32, #tpu.memory_space<vmem_shared>>
        tpu.enqueue_dma source(%arg20 : memref<128xf32, #tpu.memory_space<vmem>>) target(%dma_start3A_35 : memref<128xf32, #tpu.memory_space<vmem_shared>>) target_semaphore(%run_scoped3A_34 : memref<!tpu.dma_semaphore, #tpu.memory_space<semaphore_mem>>)
        %dma_wait3A = tpu.memref_slice %arg21[%add3A_32] : memref<51200xf32, #tpu.memory_space<vmem_shared>> -> memref<128xf32, #tpu.memory_space<vmem_shared>>
        %dma_wait3A_36 = tpu.memref_slice %arg21[%add3A_32] : memref<51200xf32, #tpu.memory_space<vmem_shared>> -> memref<128xf32, #tpu.memory_space<vmem_shared>>
        tpu.wait_dma2 semaphore(%run_scoped3A_34 : memref<!tpu.dma_semaphore, #tpu.memory_space<semaphore_mem>>) src(%arg20 : memref<128xf32, #tpu.memory_space<vmem>>) dst(%dma_wait3A_36 : memref<128xf32, #tpu.memory_space<vmem_shared>>)
        tpu.yield
      }) : () -> ()
      %scan3A_33 = arith.constant 0 : i32
      scf.yield %scan3A_33 : i32
    }
    %scan3A_8 = arith.constant 25 : i32
    %barrier3A = arith.constant 0 : index
    tpu.barrier barrier_id(%barrier3A)
    %scan3A_9 = arith.constant 0 : i32
    %scan3A_10 = arith.constant 0 : i32
    %scan3A_11 = arith.constant 49 : i32
    %scan3A_12 = arith.addi %scan3A_10, %scan3A_11 : i32
    %scan3A_13 = arith.constant 1 : i32
    %scan3A_14 = scf.for %scan3A_24 = %scan3A_10 to %scan3A_12 step %scan3A_13 iter_args(%scan3A_25 = %scan3A_9) -> (i32)  : i32 {
      %mul3A_26 = arith.constant 196 : i32
      %mul3A_27 = arith.muli %add3A, %mul3A_26 : i32
      %mul3A_28 = arith.constant 4 : i32
      %mul3A_29 = arith.muli %scan3A_24, %mul3A_28 : i32
      %add3A_30 = arith.addi %mul3A_27, %mul3A_29 : i32
      "tpu.region"() ({
        %run_scoped3A_226 = tpu.sem_alloc : memref<!tpu.dma_semaphore, #tpu.memory_space<semaphore_mem>>
        %dma_start3A_227 = arith.constant 0 : i32
        %dma_start3A_228 = tpu.memref_slice %arg3[%add3A_30, %dma_start3A_227] : memref<6272x128xi32, #tpu.memory_space<hbm>> -> memref<4x128xi32, #tpu.memory_space<hbm>>
        %dma_start3A_229 = arith.constant 0 : i32
        %dma_start3A_230 = tpu.memref_slice %arg3[%add3A_30, %dma_start3A_229] : memref<6272x128xi32, #tpu.memory_space<hbm>> -> memref<4x128xi32, #tpu.memory_space<hbm>>
        tpu.enqueue_dma source(%dma_start3A_230 : memref<4x128xi32, #tpu.memory_space<hbm>>) target(%arg10 : memref<4x128xi32, #tpu.memory_space<vmem>>) target_semaphore(%run_scoped3A_226 : memref<!tpu.dma_semaphore, #tpu.memory_space<semaphore_mem>>)
        %dma_wait3A_231 = arith.constant 0 : i32
        %dma_wait3A_232 = tpu.memref_slice %arg3[%add3A_30, %dma_wait3A_231] : memref<6272x128xi32, #tpu.memory_space<hbm>> -> memref<4x128xi32, #tpu.memory_space<hbm>>
        %dma_wait3A_233 = arith.constant 0 : i32
        %dma_wait3A_234 = tpu.memref_slice %arg3[%add3A_30, %dma_wait3A_233] : memref<6272x128xi32, #tpu.memory_space<hbm>> -> memref<4x128xi32, #tpu.memory_space<hbm>>
        tpu.wait_dma2 semaphore(%run_scoped3A_226 : memref<!tpu.dma_semaphore, #tpu.memory_space<semaphore_mem>>) src(%dma_wait3A_234 : memref<4x128xi32, #tpu.memory_space<hbm>>) dst(%arg10 : memref<4x128xi32, #tpu.memory_space<vmem>>)
        tpu.yield
      }) : () -> ()
      "tpu.region"() ({
        %run_scoped3A_226 = tpu.sem_alloc : memref<!tpu.dma_semaphore, #tpu.memory_space<semaphore_mem>>
        %dma_start3A_227 = arith.constant 0 : i32
        %dma_start3A_228 = tpu.memref_slice %arg4[%add3A_30, %dma_start3A_227] : memref<6272x128xi32, #tpu.memory_space<hbm>> -> memref<4x128xi32, #tpu.memory_space<hbm>>
        %dma_start3A_229 = arith.constant 0 : i32
        %dma_start3A_230 = tpu.memref_slice %arg4[%add3A_30, %dma_start3A_229] : memref<6272x128xi32, #tpu.memory_space<hbm>> -> memref<4x128xi32, #tpu.memory_space<hbm>>
        tpu.enqueue_dma source(%dma_start3A_230 : memref<4x128xi32, #tpu.memory_space<hbm>>) target(%arg11 : memref<4x128xi32, #tpu.memory_space<vmem>>) target_semaphore(%run_scoped3A_226 : memref<!tpu.dma_semaphore, #tpu.memory_space<semaphore_mem>>)
        %dma_wait3A_231 = arith.constant 0 : i32
        %dma_wait3A_232 = tpu.memref_slice %arg4[%add3A_30, %dma_wait3A_231] : memref<6272x128xi32, #tpu.memory_space<hbm>> -> memref<4x128xi32, #tpu.memory_space<hbm>>
        %dma_wait3A_233 = arith.constant 0 : i32
        %dma_wait3A_234 = tpu.memref_slice %arg4[%add3A_30, %dma_wait3A_233] : memref<6272x128xi32, #tpu.memory_space<hbm>> -> memref<4x128xi32, #tpu.memory_space<hbm>>
        tpu.wait_dma2 semaphore(%run_scoped3A_226 : memref<!tpu.dma_semaphore, #tpu.memory_space<semaphore_mem>>) src(%dma_wait3A_234 : memref<4x128xi32, #tpu.memory_space<hbm>>) dst(%arg11 : memref<4x128xi32, #tpu.memory_space<vmem>>)
        tpu.yield
      }) : () -> ()
      %dma_start3A = arith.constant 0 : i32
      %dma_start3A_31 = arith.constant 0 : i32
      %dma_start3A_32 = arith.constant 0 : i32
      %dma_start3A_33 = arith.constant 0 : i32
      %dma_start3A_34 = tpu.memref_slice %arg12[%dma_start3A_31, %dma_start3A_32, %dma_start3A_33] : memref<4x128x32xf32, #tpu.memory_space<vmem>> -> memref<1x128x32xf32, #tpu.memory_space<vmem>>
      %dma_start3A_35 = tpu.memref_squeeze %dma_start3A_34 : memref<1x128x32xf32, #tpu.memory_space<vmem>> -> memref<128x32xf32, #tpu.memory_space<vmem>>
      %dma_start3A_36 = arith.constant 0 : i32
      %dma_start3A_37 = tpu.memref_slice %arg10[%dma_start3A, %dma_start3A_36] : memref<4x128xi32, #tpu.memory_space<vmem>> -> memref<1x128xi32, #tpu.memory_space<vmem>>
      %dma_start3A_38 = tpu.memref_squeeze %dma_start3A_37 : memref<1x128xi32, #tpu.memory_space<vmem>> -> memref<128xi32, #tpu.memory_space<vmem>>
      %dma_start3A_39 = arith.constant 0 : i32
      %dma_start3A_40 = arith.constant 0 : i32
      %dma_start3A_41 = tpu.memref_slice %arg2[%dma_start3A_39, %dma_start3A_40] : memref<50000x32xf32, #tpu.memory_space<hbm>> -> memref<50000x32xf32, #tpu.memory_space<hbm>>
      tpu.enqueue_indirect_dma source(%dma_start3A_41 : memref<50000x32xf32, #tpu.memory_space<hbm>>) target(%dma_start3A_35 : memref<128x32xf32, #tpu.memory_space<vmem>>) offsets(%dma_start3A_38 : memref<128xi32, #tpu.memory_space<vmem>>) semaphore(%arg13 : memref<!tpu.dma_semaphore, #tpu.memory_space<semaphore_mem>>)
      %dma_start3A_42 = arith.constant 1 : i32
      %dma_start3A_43 = arith.constant 1 : i32
      %dma_start3A_44 = arith.constant 0 : i32
      %dma_start3A_45 = arith.constant 0 : i32
      %dma_start3A_46 = tpu.memref_slice %arg12[%dma_start3A_43, %dma_start3A_44, %dma_start3A_45] : memref<4x128x32xf32, #tpu.memory_space<vmem>> -> memref<1x128x32xf32, #tpu.memory_space<vmem>>
      %dma_start3A_47 = tpu.memref_squeeze %dma_start3A_46 : memref<1x128x32xf32, #tpu.memory_space<vmem>> -> memref<128x32xf32, #tpu.memory_space<vmem>>
      %dma_start3A_48 = arith.constant 0 : i32
      %dma_start3A_49 = tpu.memref_slice %arg10[%dma_start3A_42, %dma_start3A_48] : memref<4x128xi32, #tpu.memory_space<vmem>> -> memref<1x128xi32, #tpu.memory_space<vmem>>
      %dma_start3A_50 = tpu.memref_squeeze %dma_start3A_49 : memref<1x128xi32, #tpu.memory_space<vmem>> -> memref<128xi32, #tpu.memory_space<vmem>>
      %dma_start3A_51 = arith.constant 0 : i32
      %dma_start3A_52 = arith.constant 0 : i32
      %dma_start3A_53 = tpu.memref_slice %arg2[%dma_start3A_51, %dma_start3A_52] : memref<50000x32xf32, #tpu.memory_space<hbm>> -> memref<50000x32xf32, #tpu.memory_space<hbm>>
      tpu.enqueue_indirect_dma source(%dma_start3A_53 : memref<50000x32xf32, #tpu.memory_space<hbm>>) target(%dma_start3A_47 : memref<128x32xf32, #tpu.memory_space<vmem>>) offsets(%dma_start3A_50 : memref<128xi32, #tpu.memory_space<vmem>>) semaphore(%arg14 : memref<!tpu.dma_semaphore, #tpu.memory_space<semaphore_mem>>)
      %dma_start3A_54 = arith.constant 2 : i32
      %dma_start3A_55 = arith.constant 2 : i32
      %dma_start3A_56 = arith.constant 0 : i32
      %dma_start3A_57 = arith.constant 0 : i32
      %dma_start3A_58 = tpu.memref_slice %arg12[%dma_start3A_55, %dma_start3A_56, %dma_start3A_57] : memref<4x128x32xf32, #tpu.memory_space<vmem>> -> memref<1x128x32xf32, #tpu.memory_space<vmem>>
      %dma_start3A_59 = tpu.memref_squeeze %dma_start3A_58 : memref<1x128x32xf32, #tpu.memory_space<vmem>> -> memref<128x32xf32, #tpu.memory_space<vmem>>
      %dma_start3A_60 = arith.constant 0 : i32
      %dma_start3A_61 = tpu.memref_slice %arg10[%dma_start3A_54, %dma_start3A_60] : memref<4x128xi32, #tpu.memory_space<vmem>> -> memref<1x128xi32, #tpu.memory_space<vmem>>
      %dma_start3A_62 = tpu.memref_squeeze %dma_start3A_61 : memref<1x128xi32, #tpu.memory_space<vmem>> -> memref<128xi32, #tpu.memory_space<vmem>>
      %dma_start3A_63 = arith.constant 0 : i32
      %dma_start3A_64 = arith.constant 0 : i32
      %dma_start3A_65 = tpu.memref_slice %arg2[%dma_start3A_63, %dma_start3A_64] : memref<50000x32xf32, #tpu.memory_space<hbm>> -> memref<50000x32xf32, #tpu.memory_space<hbm>>
      tpu.enqueue_indirect_dma source(%dma_start3A_65 : memref<50000x32xf32, #tpu.memory_space<hbm>>) target(%dma_start3A_59 : memref<128x32xf32, #tpu.memory_space<vmem>>) offsets(%dma_start3A_62 : memref<128xi32, #tpu.memory_space<vmem>>) semaphore(%arg15 : memref<!tpu.dma_semaphore, #tpu.memory_space<semaphore_mem>>)
      %dma_start3A_66 = arith.constant 3 : i32
      %dma_start3A_67 = arith.constant 3 : i32
      %dma_start3A_68 = arith.constant 0 : i32
      %dma_start3A_69 = arith.constant 0 : i32
      %dma_start3A_70 = tpu.memref_slice %arg12[%dma_start3A_67, %dma_start3A_68, %dma_start3A_69] : memref<4x128x32xf32, #tpu.memory_space<vmem>> -> memref<1x128x32xf32, #tpu.memory_space<vmem>>
      %dma_start3A_71 = tpu.memref_squeeze %dma_start3A_70 : memref<1x128x32xf32, #tpu.memory_space<vmem>> -> memref<128x32xf32, #tpu.memory_space<vmem>>
      %dma_start3A_72 = arith.constant 0 : i32
      %dma_start3A_73 = tpu.memref_slice %arg10[%dma_start3A_66, %dma_start3A_72] : memref<4x128xi32, #tpu.memory_space<vmem>> -> memref<1x128xi32, #tpu.memory_space<vmem>>
      %dma_start3A_74 = tpu.memref_squeeze %dma_start3A_73 : memref<1x128xi32, #tpu.memory_space<vmem>> -> memref<128xi32, #tpu.memory_space<vmem>>
      %dma_start3A_75 = arith.constant 0 : i32
      %dma_start3A_76 = arith.constant 0 : i32
      %dma_start3A_77 = tpu.memref_slice %arg2[%dma_start3A_75, %dma_start3A_76] : memref<50000x32xf32, #tpu.memory_space<hbm>> -> memref<50000x32xf32, #tpu.memory_space<hbm>>
      tpu.enqueue_indirect_dma source(%dma_start3A_77 : memref<50000x32xf32, #tpu.memory_space<hbm>>) target(%dma_start3A_71 : memref<128x32xf32, #tpu.memory_space<vmem>>) offsets(%dma_start3A_74 : memref<128xi32, #tpu.memory_space<vmem>>) semaphore(%arg16 : memref<!tpu.dma_semaphore, #tpu.memory_space<semaphore_mem>>)
      %dma_wait3A = arith.constant 0 : i32
      %dma_wait3A_78 = arith.constant 0 : i32
      %dma_wait3A_79 = arith.constant 0 : i32
      %dma_wait3A_80 = arith.constant 0 : i32
      %dma_wait3A_81 = tpu.memref_slice %arg12[%dma_wait3A_78, %dma_wait3A_79, %dma_wait3A_80] : memref<4x128x32xf32, #tpu.memory_space<vmem>> -> memref<1x128x32xf32, #tpu.memory_space<vmem>>
      %dma_wait3A_82 = tpu.memref_squeeze %dma_wait3A_81 : memref<1x128x32xf32, #tpu.memory_space<vmem>> -> memref<128x32xf32, #tpu.memory_space<vmem>>
      %dma_wait3A_83 = arith.constant 0 : i32
      %dma_wait3A_84 = tpu.memref_slice %arg10[%dma_wait3A, %dma_wait3A_83] : memref<4x128xi32, #tpu.memory_space<vmem>> -> memref<1x128xi32, #tpu.memory_space<vmem>>
      %dma_wait3A_85 = tpu.memref_squeeze %dma_wait3A_84 : memref<1x128xi32, #tpu.memory_space<vmem>> -> memref<128xi32, #tpu.memory_space<vmem>>
      %dma_wait3A_86 = arith.constant 0 : i32
      %dma_wait3A_87 = arith.constant 0 : i32
      %dma_wait3A_88 = tpu.memref_slice %arg2[%dma_wait3A_86, %dma_wait3A_87] : memref<50000x32xf32, #tpu.memory_space<hbm>> -> memref<50000x32xf32, #tpu.memory_space<hbm>>
      tpu.wait_indirect_dma semaphore(%arg13 : memref<!tpu.dma_semaphore, #tpu.memory_space<semaphore_mem>>) src(%dma_wait3A_88 : memref<50000x32xf32, #tpu.memory_space<hbm>>) dst(%dma_wait3A_82 : memref<128x32xf32, #tpu.memory_space<vmem>>)
      %dma_start3A_89 = arith.constant 0 : i32
      %dma_start3A_90 = arith.constant 0 : i32
      %dma_start3A_91 = arith.constant 0 : i32
      %dma_start3A_92 = arith.constant 0 : i32
      %dma_start3A_93 = tpu.memref_slice %arg12[%dma_start3A_89, %dma_start3A_91, %dma_start3A_92] : memref<4x128x32xf32, #tpu.memory_space<vmem>> -> memref<1x128x32xf32, #tpu.memory_space<vmem>>
      %dma_start3A_94 = tpu.memref_squeeze %dma_start3A_93 : memref<1x128x32xf32, #tpu.memory_space<vmem>> -> memref<128x32xf32, #tpu.memory_space<vmem>>
      %dma_start3A_95 = arith.constant 0 : i32
      %dma_start3A_96 = tpu.memref_slice %arg11[%dma_start3A_90, %dma_start3A_95] : memref<4x128xi32, #tpu.memory_space<vmem>> -> memref<1x128xi32, #tpu.memory_space<vmem>>
      %dma_start3A_97 = tpu.memref_squeeze %dma_start3A_96 : memref<1x128xi32, #tpu.memory_space<vmem>> -> memref<128xi32, #tpu.memory_space<vmem>>
      %dma_start3A_98 = arith.constant 0 : i32
      %dma_start3A_99 = arith.constant 0 : i32
      %dma_start3A_100 = tpu.memref_slice %arg18[%dma_start3A_98, %dma_start3A_99] : memref<51200x32xf32, #tpu.memory_space<vmem_shared>> -> memref<51200x32xf32, #tpu.memory_space<vmem_shared>>
      tpu.enqueue_indirect_dma source(%dma_start3A_94 : memref<128x32xf32, #tpu.memory_space<vmem>>) target(%dma_start3A_100 : memref<51200x32xf32, #tpu.memory_space<vmem_shared>>) offsets(%dma_start3A_97 : memref<128xi32, #tpu.memory_space<vmem>>) semaphore(%arg17 : memref<!tpu.dma_semaphore, #tpu.memory_space<semaphore_mem>>) {add = true}
      %run_scoped3A_101 = arith.constant 0 : i32
      "tpu.region"() ({
        %run_scoped3A_226 = tpu.sem_alloc : memref<!tpu.dma_semaphore, #tpu.memory_space<semaphore_mem>>
        %dma_start3A_227 = arith.constant 0 : i32
        %dma_start3A_228 = tpu.memref_slice %arg11[%run_scoped3A_101, %dma_start3A_227] : memref<4x128xi32, #tpu.memory_space<vmem>> -> memref<1x128xi32, #tpu.memory_space<vmem>>
        %dma_start3A_229 = tpu.memref_squeeze %dma_start3A_228 : memref<1x128xi32, #tpu.memory_space<vmem>> -> memref<128xi32, #tpu.memory_space<vmem>>
        %dma_start3A_230 = arith.constant 0 : i32
        %dma_start3A_231 = tpu.memref_slice %arg21[%dma_start3A_230] : memref<51200xf32, #tpu.memory_space<vmem_shared>> -> memref<51200xf32, #tpu.memory_space<vmem_shared>>
        tpu.enqueue_indirect_dma source(%arg19 : memref<128xf32, #tpu.memory_space<vmem>>) target(%dma_start3A_231 : memref<51200xf32, #tpu.memory_space<vmem_shared>>) offsets(%dma_start3A_229 : memref<128xi32, #tpu.memory_space<vmem>>) semaphore(%run_scoped3A_226 : memref<!tpu.dma_semaphore, #tpu.memory_space<semaphore_mem>>) {add = true}
        %dma_wait3A_232 = arith.constant 0 : i32
        %dma_wait3A_233 = tpu.memref_slice %arg11[%run_scoped3A_101, %dma_wait3A_232] : memref<4x128xi32, #tpu.memory_space<vmem>> -> memref<1x128xi32, #tpu.memory_space<vmem>>
        %dma_wait3A_234 = tpu.memref_squeeze %dma_wait3A_233 : memref<1x128xi32, #tpu.memory_space<vmem>> -> memref<128xi32, #tpu.memory_space<vmem>>
        %dma_wait3A_235 = arith.constant 0 : i32
        %dma_wait3A_236 = tpu.memref_slice %arg21[%dma_wait3A_235] : memref<51200xf32, #tpu.memory_space<vmem_shared>> -> memref<51200xf32, #tpu.memory_space<vmem_shared>>
        tpu.wait_indirect_dma semaphore(%run_scoped3A_226 : memref<!tpu.dma_semaphore, #tpu.memory_space<semaphore_mem>>) src(%arg19 : memref<128xf32, #tpu.memory_space<vmem>>) dst(%dma_wait3A_236 : memref<51200xf32, #tpu.memory_space<vmem_shared>>)
        tpu.yield
      }) : () -> ()
      %dma_wait3A_102 = arith.constant 1 : i32
      %dma_wait3A_103 = arith.constant 1 : i32
      %dma_wait3A_104 = arith.constant 0 : i32
      %dma_wait3A_105 = arith.constant 0 : i32
      %dma_wait3A_106 = tpu.memref_slice %arg12[%dma_wait3A_103, %dma_wait3A_104, %dma_wait3A_105] : memref<4x128x32xf32, #tpu.memory_space<vmem>> -> memref<1x128x32xf32, #tpu.memory_space<vmem>>
      %dma_wait3A_107 = tpu.memref_squeeze %dma_wait3A_106 : memref<1x128x32xf32, #tpu.memory_space<vmem>> -> memref<128x32xf32, #tpu.memory_space<vmem>>
      %dma_wait3A_108 = arith.constant 0 : i32
      %dma_wait3A_109 = tpu.memref_slice %arg10[%dma_wait3A_102, %dma_wait3A_108] : memref<4x128xi32, #tpu.memory_space<vmem>> -> memref<1x128xi32, #tpu.memory_space<vmem>>
      %dma_wait3A_110 = tpu.memref_squeeze %dma_wait3A_109 : memref<1x128xi32, #tpu.memory_space<vmem>> -> memref<128xi32, #tpu.memory_space<vmem>>
      %dma_wait3A_111 = arith.constant 0 : i32
      %dma_wait3A_112 = arith.constant 0 : i32
      %dma_wait3A_113 = tpu.memref_slice %arg2[%dma_wait3A_111, %dma_wait3A_112] : memref<50000x32xf32, #tpu.memory_space<hbm>> -> memref<50000x32xf32, #tpu.memory_space<hbm>>
      tpu.wait_indirect_dma semaphore(%arg14 : memref<!tpu.dma_semaphore, #tpu.memory_space<semaphore_mem>>) src(%dma_wait3A_113 : memref<50000x32xf32, #tpu.memory_space<hbm>>) dst(%dma_wait3A_107 : memref<128x32xf32, #tpu.memory_space<vmem>>)
      %dma_start3A_114 = arith.constant 1 : i32
      %dma_start3A_115 = arith.constant 1 : i32
      %dma_start3A_116 = arith.constant 0 : i32
      %dma_start3A_117 = arith.constant 0 : i32
      %dma_start3A_118 = tpu.memref_slice %arg12[%dma_start3A_114, %dma_start3A_116, %dma_start3A_117] : memref<4x128x32xf32, #tpu.memory_space<vmem>> -> memref<1x128x32xf32, #tpu.memory_space<vmem>>
      %dma_start3A_119 = tpu.memref_squeeze %dma_start3A_118 : memref<1x128x32xf32, #tpu.memory_space<vmem>> -> memref<128x32xf32, #tpu.memory_space<vmem>>
      %dma_start3A_120 = arith.constant 0 : i32
      %dma_start3A_121 = tpu.memref_slice %arg11[%dma_start3A_115, %dma_start3A_120] : memref<4x128xi32, #tpu.memory_space<vmem>> -> memref<1x128xi32, #tpu.memory_space<vmem>>
      %dma_start3A_122 = tpu.memref_squeeze %dma_start3A_121 : memref<1x128xi32, #tpu.memory_space<vmem>> -> memref<128xi32, #tpu.memory_space<vmem>>
      %dma_start3A_123 = arith.constant 0 : i32
      %dma_start3A_124 = arith.constant 0 : i32
      %dma_start3A_125 = tpu.memref_slice %arg18[%dma_start3A_123, %dma_start3A_124] : memref<51200x32xf32, #tpu.memory_space<vmem_shared>> -> memref<51200x32xf32, #tpu.memory_space<vmem_shared>>
      tpu.enqueue_indirect_dma source(%dma_start3A_119 : memref<128x32xf32, #tpu.memory_space<vmem>>) target(%dma_start3A_125 : memref<51200x32xf32, #tpu.memory_space<vmem_shared>>) offsets(%dma_start3A_122 : memref<128xi32, #tpu.memory_space<vmem>>) semaphore(%arg17 : memref<!tpu.dma_semaphore, #tpu.memory_space<semaphore_mem>>) {add = true}
      %run_scoped3A_126 = arith.constant 1 : i32
      "tpu.region"() ({
        %run_scoped3A_226 = tpu.sem_alloc : memref<!tpu.dma_semaphore, #tpu.memory_space<semaphore_mem>>
        %dma_start3A_227 = arith.constant 0 : i32
        %dma_start3A_228 = tpu.memref_slice %arg11[%run_scoped3A_126, %dma_start3A_227] : memref<4x128xi32, #tpu.memory_space<vmem>> -> memref<1x128xi32, #tpu.memory_space<vmem>>
        %dma_start3A_229 = tpu.memref_squeeze %dma_start3A_228 : memref<1x128xi32, #tpu.memory_space<vmem>> -> memref<128xi32, #tpu.memory_space<vmem>>
        %dma_start3A_230 = arith.constant 0 : i32
        %dma_start3A_231 = tpu.memref_slice %arg21[%dma_start3A_230] : memref<51200xf32, #tpu.memory_space<vmem_shared>> -> memref<51200xf32, #tpu.memory_space<vmem_shared>>
        tpu.enqueue_indirect_dma source(%arg19 : memref<128xf32, #tpu.memory_space<vmem>>) target(%dma_start3A_231 : memref<51200xf32, #tpu.memory_space<vmem_shared>>) offsets(%dma_start3A_229 : memref<128xi32, #tpu.memory_space<vmem>>) semaphore(%run_scoped3A_226 : memref<!tpu.dma_semaphore, #tpu.memory_space<semaphore_mem>>) {add = true}
        %dma_wait3A_232 = arith.constant 0 : i32
        %dma_wait3A_233 = tpu.memref_slice %arg11[%run_scoped3A_126, %dma_wait3A_232] : memref<4x128xi32, #tpu.memory_space<vmem>> -> memref<1x128xi32, #tpu.memory_space<vmem>>
        %dma_wait3A_234 = tpu.memref_squeeze %dma_wait3A_233 : memref<1x128xi32, #tpu.memory_space<vmem>> -> memref<128xi32, #tpu.memory_space<vmem>>
        %dma_wait3A_235 = arith.constant 0 : i32
        %dma_wait3A_236 = tpu.memref_slice %arg21[%dma_wait3A_235] : memref<51200xf32, #tpu.memory_space<vmem_shared>> -> memref<51200xf32, #tpu.memory_space<vmem_shared>>
        tpu.wait_indirect_dma semaphore(%run_scoped3A_226 : memref<!tpu.dma_semaphore, #tpu.memory_space<semaphore_mem>>) src(%arg19 : memref<128xf32, #tpu.memory_space<vmem>>) dst(%dma_wait3A_236 : memref<51200xf32, #tpu.memory_space<vmem_shared>>)
        tpu.yield
      }) : () -> ()
      %dma_wait3A_127 = arith.constant 2 : i32
      %dma_wait3A_128 = arith.constant 2 : i32
      %dma_wait3A_129 = arith.constant 0 : i32
      %dma_wait3A_130 = arith.constant 0 : i32
      %dma_wait3A_131 = tpu.memref_slice %arg12[%dma_wait3A_128, %dma_wait3A_129, %dma_wait3A_130] : memref<4x128x32xf32, #tpu.memory_space<vmem>> -> memref<1x128x32xf32, #tpu.memory_space<vmem>>
      %dma_wait3A_132 = tpu.memref_squeeze %dma_wait3A_131 : memref<1x128x32xf32, #tpu.memory_space<vmem>> -> memref<128x32xf32, #tpu.memory_space<vmem>>
      %dma_wait3A_133 = arith.constant 0 : i32
      %dma_wait3A_134 = tpu.memref_slice %arg10[%dma_wait3A_127, %dma_wait3A_133] : memref<4x128xi32, #tpu.memory_space<vmem>> -> memref<1x128xi32, #tpu.memory_space<vmem>>
      %dma_wait3A_135 = tpu.memref_squeeze %dma_wait3A_134 : memref<1x128xi32, #tpu.memory_space<vmem>> -> memref<128xi32, #tpu.memory_space<vmem>>
      %dma_wait3A_136 = arith.constant 0 : i32
      %dma_wait3A_137 = arith.constant 0 : i32
      %dma_wait3A_138 = tpu.memref_slice %arg2[%dma_wait3A_136, %dma_wait3A_137] : memref<50000x32xf32, #tpu.memory_space<hbm>> -> memref<50000x32xf32, #tpu.memory_space<hbm>>
      tpu.wait_indirect_dma semaphore(%arg15 : memref<!tpu.dma_semaphore, #tpu.memory_space<semaphore_mem>>) src(%dma_wait3A_138 : memref<50000x32xf32, #tpu.memory_space<hbm>>) dst(%dma_wait3A_132 : memref<128x32xf32, #tpu.memory_space<vmem>>)
      %dma_start3A_139 = arith.constant 2 : i32
      %dma_start3A_140 = arith.constant 2 : i32
      %dma_start3A_141 = arith.constant 0 : i32
      %dma_start3A_142 = arith.constant 0 : i32
      %dma_start3A_143 = tpu.memref_slice %arg12[%dma_start3A_139, %dma_start3A_141, %dma_start3A_142] : memref<4x128x32xf32, #tpu.memory_space<vmem>> -> memref<1x128x32xf32, #tpu.memory_space<vmem>>
      %dma_start3A_144 = tpu.memref_squeeze %dma_start3A_143 : memref<1x128x32xf32, #tpu.memory_space<vmem>> -> memref<128x32xf32, #tpu.memory_space<vmem>>
      %dma_start3A_145 = arith.constant 0 : i32
      %dma_start3A_146 = tpu.memref_slice %arg11[%dma_start3A_140, %dma_start3A_145] : memref<4x128xi32, #tpu.memory_space<vmem>> -> memref<1x128xi32, #tpu.memory_space<vmem>>
      %dma_start3A_147 = tpu.memref_squeeze %dma_start3A_146 : memref<1x128xi32, #tpu.memory_space<vmem>> -> memref<128xi32, #tpu.memory_space<vmem>>
      %dma_start3A_148 = arith.constant 0 : i32
      %dma_start3A_149 = arith.constant 0 : i32
      %dma_start3A_150 = tpu.memref_slice %arg18[%dma_start3A_148, %dma_start3A_149] : memref<51200x32xf32, #tpu.memory_space<vmem_shared>> -> memref<51200x32xf32, #tpu.memory_space<vmem_shared>>
      tpu.enqueue_indirect_dma source(%dma_start3A_144 : memref<128x32xf32, #tpu.memory_space<vmem>>) target(%dma_start3A_150 : memref<51200x32xf32, #tpu.memory_space<vmem_shared>>) offsets(%dma_start3A_147 : memref<128xi32, #tpu.memory_space<vmem>>) semaphore(%arg17 : memref<!tpu.dma_semaphore, #tpu.memory_space<semaphore_mem>>) {add = true}
      %run_scoped3A_151 = arith.constant 2 : i32
      "tpu.region"() ({
        %run_scoped3A_226 = tpu.sem_alloc : memref<!tpu.dma_semaphore, #tpu.memory_space<semaphore_mem>>
        %dma_start3A_227 = arith.constant 0 : i32
        %dma_start3A_228 = tpu.memref_slice %arg11[%run_scoped3A_151, %dma_start3A_227] : memref<4x128xi32, #tpu.memory_space<vmem>> -> memref<1x128xi32, #tpu.memory_space<vmem>>
        %dma_start3A_229 = tpu.memref_squeeze %dma_start3A_228 : memref<1x128xi32, #tpu.memory_space<vmem>> -> memref<128xi32, #tpu.memory_space<vmem>>
        %dma_start3A_230 = arith.constant 0 : i32
        %dma_start3A_231 = tpu.memref_slice %arg21[%dma_start3A_230] : memref<51200xf32, #tpu.memory_space<vmem_shared>> -> memref<51200xf32, #tpu.memory_space<vmem_shared>>
        tpu.enqueue_indirect_dma source(%arg19 : memref<128xf32, #tpu.memory_space<vmem>>) target(%dma_start3A_231 : memref<51200xf32, #tpu.memory_space<vmem_shared>>) offsets(%dma_start3A_229 : memref<128xi32, #tpu.memory_space<vmem>>) semaphore(%run_scoped3A_226 : memref<!tpu.dma_semaphore, #tpu.memory_space<semaphore_mem>>) {add = true}
        %dma_wait3A_232 = arith.constant 0 : i32
        %dma_wait3A_233 = tpu.memref_slice %arg11[%run_scoped3A_151, %dma_wait3A_232] : memref<4x128xi32, #tpu.memory_space<vmem>> -> memref<1x128xi32, #tpu.memory_space<vmem>>
        %dma_wait3A_234 = tpu.memref_squeeze %dma_wait3A_233 : memref<1x128xi32, #tpu.memory_space<vmem>> -> memref<128xi32, #tpu.memory_space<vmem>>
        %dma_wait3A_235 = arith.constant 0 : i32
        %dma_wait3A_236 = tpu.memref_slice %arg21[%dma_wait3A_235] : memref<51200xf32, #tpu.memory_space<vmem_shared>> -> memref<51200xf32, #tpu.memory_space<vmem_shared>>
        tpu.wait_indirect_dma semaphore(%run_scoped3A_226 : memref<!tpu.dma_semaphore, #tpu.memory_space<semaphore_mem>>) src(%arg19 : memref<128xf32, #tpu.memory_space<vmem>>) dst(%dma_wait3A_236 : memref<51200xf32, #tpu.memory_space<vmem_shared>>)
        tpu.yield
      }) : () -> ()
      %dma_wait3A_152 = arith.constant 3 : i32
      %dma_wait3A_153 = arith.constant 3 : i32
      %dma_wait3A_154 = arith.constant 0 : i32
      %dma_wait3A_155 = arith.constant 0 : i32
      %dma_wait3A_156 = tpu.memref_slice %arg12[%dma_wait3A_153, %dma_wait3A_154, %dma_wait3A_155] : memref<4x128x32xf32, #tpu.memory_space<vmem>> -> memref<1x128x32xf32, #tpu.memory_space<vmem>>
      %dma_wait3A_157 = tpu.memref_squeeze %dma_wait3A_156 : memref<1x128x32xf32, #tpu.memory_space<vmem>> -> memref<128x32xf32, #tpu.memory_space<vmem>>
      %dma_wait3A_158 = arith.constant 0 : i32
      %dma_wait3A_159 = tpu.memref_slice %arg10[%dma_wait3A_152, %dma_wait3A_158] : memref<4x128xi32, #tpu.memory_space<vmem>> -> memref<1x128xi32, #tpu.memory_space<vmem>>
      %dma_wait3A_160 = tpu.memref_squeeze %dma_wait3A_159 : memref<1x128xi32, #tpu.memory_space<vmem>> -> memref<128xi32, #tpu.memory_space<vmem>>
      %dma_wait3A_161 = arith.constant 0 : i32
      %dma_wait3A_162 = arith.constant 0 : i32
      %dma_wait3A_163 = tpu.memref_slice %arg2[%dma_wait3A_161, %dma_wait3A_162] : memref<50000x32xf32, #tpu.memory_space<hbm>> -> memref<50000x32xf32, #tpu.memory_space<hbm>>
      tpu.wait_indirect_dma semaphore(%arg16 : memref<!tpu.dma_semaphore, #tpu.memory_space<semaphore_mem>>) src(%dma_wait3A_163 : memref<50000x32xf32, #tpu.memory_space<hbm>>) dst(%dma_wait3A_157 : memref<128x32xf32, #tpu.memory_space<vmem>>)
      %dma_start3A_164 = arith.constant 3 : i32
      %dma_start3A_165 = arith.constant 3 : i32
      %dma_start3A_166 = arith.constant 0 : i32
      %dma_start3A_167 = arith.constant 0 : i32
      %dma_start3A_168 = tpu.memref_slice %arg12[%dma_start3A_164, %dma_start3A_166, %dma_start3A_167] : memref<4x128x32xf32, #tpu.memory_space<vmem>> -> memref<1x128x32xf32, #tpu.memory_space<vmem>>
      %dma_start3A_169 = tpu.memref_squeeze %dma_start3A_168 : memref<1x128x32xf32, #tpu.memory_space<vmem>> -> memref<128x32xf32, #tpu.memory_space<vmem>>
      %dma_start3A_170 = arith.constant 0 : i32
      %dma_start3A_171 = tpu.memref_slice %arg11[%dma_start3A_165, %dma_start3A_170] : memref<4x128xi32, #tpu.memory_space<vmem>> -> memref<1x128xi32, #tpu.memory_space<vmem>>
      %dma_start3A_172 = tpu.memref_squeeze %dma_start3A_171 : memref<1x128xi32, #tpu.memory_space<vmem>> -> memref<128xi32, #tpu.memory_space<vmem>>
      %dma_start3A_173 = arith.constant 0 : i32
      %dma_start3A_174 = arith.constant 0 : i32
      %dma_start3A_175 = tpu.memref_slice %arg18[%dma_start3A_173, %dma_start3A_174] : memref<51200x32xf32, #tpu.memory_space<vmem_shared>> -> memref<51200x32xf32, #tpu.memory_space<vmem_shared>>
      tpu.enqueue_indirect_dma source(%dma_start3A_169 : memref<128x32xf32, #tpu.memory_space<vmem>>) target(%dma_start3A_175 : memref<51200x32xf32, #tpu.memory_space<vmem_shared>>) offsets(%dma_start3A_172 : memref<128xi32, #tpu.memory_space<vmem>>) semaphore(%arg17 : memref<!tpu.dma_semaphore, #tpu.memory_space<semaphore_mem>>) {add = true}
      %run_scoped3A_176 = arith.constant 3 : i32
      "tpu.region"() ({
        %run_scoped3A_226 = tpu.sem_alloc : memref<!tpu.dma_semaphore, #tpu.memory_space<semaphore_mem>>
        %dma_start3A_227 = arith.constant 0 : i32
        %dma_start3A_228 = tpu.memref_slice %arg11[%run_scoped3A_176, %dma_start3A_227] : memref<4x128xi32, #tpu.memory_space<vmem>> -> memref<1x128xi32, #tpu.memory_space<vmem>>
        %dma_start3A_229 = tpu.memref_squeeze %dma_start3A_228 : memref<1x128xi32, #tpu.memory_space<vmem>> -> memref<128xi32, #tpu.memory_space<vmem>>
        %dma_start3A_230 = arith.constant 0 : i32
        %dma_start3A_231 = tpu.memref_slice %arg21[%dma_start3A_230] : memref<51200xf32, #tpu.memory_space<vmem_shared>> -> memref<51200xf32, #tpu.memory_space<vmem_shared>>
        tpu.enqueue_indirect_dma source(%arg19 : memref<128xf32, #tpu.memory_space<vmem>>) target(%dma_start3A_231 : memref<51200xf32, #tpu.memory_space<vmem_shared>>) offsets(%dma_start3A_229 : memref<128xi32, #tpu.memory_space<vmem>>) semaphore(%run_scoped3A_226 : memref<!tpu.dma_semaphore, #tpu.memory_space<semaphore_mem>>) {add = true}
        %dma_wait3A_232 = arith.constant 0 : i32
        %dma_wait3A_233 = tpu.memref_slice %arg11[%run_scoped3A_176, %dma_wait3A_232] : memref<4x128xi32, #tpu.memory_space<vmem>> -> memref<1x128xi32, #tpu.memory_space<vmem>>
        %dma_wait3A_234 = tpu.memref_squeeze %dma_wait3A_233 : memref<1x128xi32, #tpu.memory_space<vmem>> -> memref<128xi32, #tpu.memory_space<vmem>>
        %dma_wait3A_235 = arith.constant 0 : i32
        %dma_wait3A_236 = tpu.memref_slice %arg21[%dma_wait3A_235] : memref<51200xf32, #tpu.memory_space<vmem_shared>> -> memref<51200xf32, #tpu.memory_space<vmem_shared>>
        tpu.wait_indirect_dma semaphore(%run_scoped3A_226 : memref<!tpu.dma_semaphore, #tpu.memory_space<semaphore_mem>>) src(%arg19 : memref<128xf32, #tpu.memory_space<vmem>>) dst(%dma_wait3A_236 : memref<51200xf32, #tpu.memory_space<vmem_shared>>)
        tpu.yield
      }) : () -> ()
      %dma_wait3A_177 = arith.constant 0 : i32
      %dma_wait3A_178 = arith.constant 0 : i32
      %dma_wait3A_179 = arith.constant 0 : i32
      %dma_wait3A_180 = arith.constant 0 : i32
      %dma_wait3A_181 = tpu.memref_slice %arg12[%dma_wait3A_177, %dma_wait3A_179, %dma_wait3A_180] : memref<4x128x32xf32, #tpu.memory_space<vmem>> -> memref<1x128x32xf32, #tpu.memory_space<vmem>>
      %dma_wait3A_182 = tpu.memref_squeeze %dma_wait3A_181 : memref<1x128x32xf32, #tpu.memory_space<vmem>> -> memref<128x32xf32, #tpu.memory_space<vmem>>
      %dma_wait3A_183 = arith.constant 0 : i32
      %dma_wait3A_184 = tpu.memref_slice %arg11[%dma_wait3A_178, %dma_wait3A_183] : memref<4x128xi32, #tpu.memory_space<vmem>> -> memref<1x128xi32, #tpu.memory_space<vmem>>
      %dma_wait3A_185 = tpu.memref_squeeze %dma_wait3A_184 : memref<1x128xi32, #tpu.memory_space<vmem>> -> memref<128xi32, #tpu.memory_space<vmem>>
      %dma_wait3A_186 = arith.constant 0 : i32
      %dma_wait3A_187 = arith.constant 0 : i32
      %dma_wait3A_188 = tpu.memref_slice %arg18[%dma_wait3A_186, %dma_wait3A_187] : memref<51200x32xf32, #tpu.memory_space<vmem_shared>> -> memref<51200x32xf32, #tpu.memory_space<vmem_shared>>
      tpu.wait_indirect_dma semaphore(%arg17 : memref<!tpu.dma_semaphore, #tpu.memory_space<semaphore_mem>>) src(%dma_wait3A_182 : memref<128x32xf32, #tpu.memory_space<vmem>>) dst(%dma_wait3A_188 : memref<51200x32xf32, #tpu.memory_space<vmem_shared>>)
      %dma_wait3A_189 = arith.constant 1 : i32
      %dma_wait3A_190 = arith.constant 1 : i32
      %dma_wait3A_191 = arith.constant 0 : i32
      %dma_wait3A_192 = arith.constant 0 : i32
      %dma_wait3A_193 = tpu.memref_slice %arg12[%dma_wait3A_189, %dma_wait3A_191, %dma_wait3A_192] : memref<4x128x32xf32, #tpu.memory_space<vmem>> -> memref<1x128x32xf32, #tpu.memory_space<vmem>>
      %dma_wait3A_194 = tpu.memref_squeeze %dma_wait3A_193 : memref<1x128x32xf32, #tpu.memory_space<vmem>> -> memref<128x32xf32, #tpu.memory_space<vmem>>
      %dma_wait3A_195 = arith.constant 0 : i32
      %dma_wait3A_196 = tpu.memref_slice %arg11[%dma_wait3A_190, %dma_wait3A_195] : memref<4x128xi32, #tpu.memory_space<vmem>> -> memref<1x128xi32, #tpu.memory_space<vmem>>
      %dma_wait3A_197 = tpu.memref_squeeze %dma_wait3A_196 : memref<1x128xi32, #tpu.memory_space<vmem>> -> memref<128xi32, #tpu.memory_space<vmem>>
      %dma_wait3A_198 = arith.constant 0 : i32
      %dma_wait3A_199 = arith.constant 0 : i32
      %dma_wait3A_200 = tpu.memref_slice %arg18[%dma_wait3A_198, %dma_wait3A_199] : memref<51200x32xf32, #tpu.memory_space<vmem_shared>> -> memref<51200x32xf32, #tpu.memory_space<vmem_shared>>
      tpu.wait_indirect_dma semaphore(%arg17 : memref<!tpu.dma_semaphore, #tpu.memory_space<semaphore_mem>>) src(%dma_wait3A_194 : memref<128x32xf32, #tpu.memory_space<vmem>>) dst(%dma_wait3A_200 : memref<51200x32xf32, #tpu.memory_space<vmem_shared>>)
      %dma_wait3A_201 = arith.constant 2 : i32
      %dma_wait3A_202 = arith.constant 2 : i32
      %dma_wait3A_203 = arith.constant 0 : i32
      %dma_wait3A_204 = arith.constant 0 : i32
      %dma_wait3A_205 = tpu.memref_slice %arg12[%dma_wait3A_201, %dma_wait3A_203, %dma_wait3A_204] : memref<4x128x32xf32, #tpu.memory_space<vmem>> -> memref<1x128x32xf32, #tpu.memory_space<vmem>>
      %dma_wait3A_206 = tpu.memref_squeeze %dma_wait3A_205 : memref<1x128x32xf32, #tpu.memory_space<vmem>> -> memref<128x32xf32, #tpu.memory_space<vmem>>
      %dma_wait3A_207 = arith.constant 0 : i32
      %dma_wait3A_208 = tpu.memref_slice %arg11[%dma_wait3A_202, %dma_wait3A_207] : memref<4x128xi32, #tpu.memory_space<vmem>> -> memref<1x128xi32, #tpu.memory_space<vmem>>
      %dma_wait3A_209 = tpu.memref_squeeze %dma_wait3A_208 : memref<1x128xi32, #tpu.memory_space<vmem>> -> memref<128xi32, #tpu.memory_space<vmem>>
      %dma_wait3A_210 = arith.constant 0 : i32
      %dma_wait3A_211 = arith.constant 0 : i32
      %dma_wait3A_212 = tpu.memref_slice %arg18[%dma_wait3A_210, %dma_wait3A_211] : memref<51200x32xf32, #tpu.memory_space<vmem_shared>> -> memref<51200x32xf32, #tpu.memory_space<vmem_shared>>
      tpu.wait_indirect_dma semaphore(%arg17 : memref<!tpu.dma_semaphore, #tpu.memory_space<semaphore_mem>>) src(%dma_wait3A_206 : memref<128x32xf32, #tpu.memory_space<vmem>>) dst(%dma_wait3A_212 : memref<51200x32xf32, #tpu.memory_space<vmem_shared>>)
      %dma_wait3A_213 = arith.constant 3 : i32
      %dma_wait3A_214 = arith.constant 3 : i32
      %dma_wait3A_215 = arith.constant 0 : i32
      %dma_wait3A_216 = arith.constant 0 : i32
      %dma_wait3A_217 = tpu.memref_slice %arg12[%dma_wait3A_213, %dma_wait3A_215, %dma_wait3A_216] : memref<4x128x32xf32, #tpu.memory_space<vmem>> -> memref<1x128x32xf32, #tpu.memory_space<vmem>>
      %dma_wait3A_218 = tpu.memref_squeeze %dma_wait3A_217 : memref<1x128x32xf32, #tpu.memory_space<vmem>> -> memref<128x32xf32, #tpu.memory_space<vmem>>
      %dma_wait3A_219 = arith.constant 0 : i32
      %dma_wait3A_220 = tpu.memref_slice %arg11[%dma_wait3A_214, %dma_wait3A_219] : memref<4x128xi32, #tpu.memory_space<vmem>> -> memref<1x128xi32, #tpu.memory_space<vmem>>
      %dma_wait3A_221 = tpu.memref_squeeze %dma_wait3A_220 : memref<1x128xi32, #tpu.memory_space<vmem>> -> memref<128xi32, #tpu.memory_space<vmem>>
      %dma_wait3A_222 = arith.constant 0 : i32
      %dma_wait3A_223 = arith.constant 0 : i32
      %dma_wait3A_224 = tpu.memref_slice %arg18[%dma_wait3A_222, %dma_wait3A_223] : memref<51200x32xf32, #tpu.memory_space<vmem_shared>> -> memref<51200x32xf32, #tpu.memory_space<vmem_shared>>
      tpu.wait_indirect_dma semaphore(%arg17 : memref<!tpu.dma_semaphore, #tpu.memory_space<semaphore_mem>>) src(%dma_wait3A_218 : memref<128x32xf32, #tpu.memory_space<vmem>>) dst(%dma_wait3A_224 : memref<51200x32xf32, #tpu.memory_space<vmem_shared>>)
      %scan3A_225 = arith.constant 0 : i32
      scf.yield %scan3A_225 : i32
    }
    %scan3A_15 = arith.constant 49 : i32
    %barrier3A_16 = arith.constant 0 : index
    tpu.barrier barrier_id(%barrier3A_16)
    %scan3A_17 = arith.constant 0 : i32
    %scan3A_18 = arith.constant 0 : i32
    %scan3A_19 = arith.constant 25 : i32
    %scan3A_20 = arith.addi %scan3A_18, %scan3A_19 : i32
    %scan3A_21 = arith.constant 1 : i32
    %scan3A_22 = scf.for %scan3A_24 = %scan3A_18 to %scan3A_20 step %scan3A_21 iter_args(%scan3A_25 = %scan3A_17) -> (i32)  : i32 {
      %mul3A_26 = arith.constant 128 : i32
      %mul3A_27 = arith.muli %scan3A_24, %mul3A_26 : i32
      %add3A_28 = arith.addi %mul3A_2, %mul3A_27 : i32
      %run_scoped3A_29 = arith.constant 0 : i32
      "tpu.region"() ({
        %run_scoped3A_32 = tpu.sem_alloc : memref<!tpu.dma_semaphore, #tpu.memory_space<semaphore_mem>>
        %dma_start3A = arith.constant 0 : i32
        %dma_start3A_33 = arith.constant 0 : i32
        %dma_start3A_34 = tpu.memref_slice %arg12[%run_scoped3A_29, %dma_start3A, %dma_start3A_33] : memref<4x128x32xf32, #tpu.memory_space<vmem>> -> memref<1x128x32xf32, #tpu.memory_space<vmem>>
        %dma_start3A_35 = tpu.memref_squeeze %dma_start3A_34 : memref<1x128x32xf32, #tpu.memory_space<vmem>> -> memref<128x32xf32, #tpu.memory_space<vmem>>
        %dma_start3A_36 = arith.constant 0 : i32
        %dma_start3A_37 = tpu.memref_slice %arg18[%add3A_28, %dma_start3A_36] : memref<51200x32xf32, #tpu.memory_space<vmem_shared>> -> memref<128x32xf32, #tpu.memory_space<vmem_shared>>
        %dma_start3A_38 = arith.constant 0 : i32
        %dma_start3A_39 = arith.constant 0 : i32
        %dma_start3A_40 = tpu.memref_slice %arg12[%run_scoped3A_29, %dma_start3A_38, %dma_start3A_39] : memref<4x128x32xf32, #tpu.memory_space<vmem>> -> memref<1x128x32xf32, #tpu.memory_space<vmem>>
        %dma_start3A_41 = tpu.memref_squeeze %dma_start3A_40 : memref<1x128x32xf32, #tpu.memory_space<vmem>> -> memref<128x32xf32, #tpu.memory_space<vmem>>
        %dma_start3A_42 = arith.constant 0 : i32
        %dma_start3A_43 = tpu.memref_slice %arg18[%add3A_28, %dma_start3A_42] : memref<51200x32xf32, #tpu.memory_space<vmem_shared>> -> memref<128x32xf32, #tpu.memory_space<vmem_shared>>
        tpu.enqueue_dma source(%dma_start3A_43 : memref<128x32xf32, #tpu.memory_space<vmem_shared>>) target(%dma_start3A_41 : memref<128x32xf32, #tpu.memory_space<vmem>>) target_semaphore(%run_scoped3A_32 : memref<!tpu.dma_semaphore, #tpu.memory_space<semaphore_mem>>)
        %dma_wait3A = arith.constant 0 : i32
        %dma_wait3A_44 = arith.constant 0 : i32
        %dma_wait3A_45 = tpu.memref_slice %arg12[%run_scoped3A_29, %dma_wait3A, %dma_wait3A_44] : memref<4x128x32xf32, #tpu.memory_space<vmem>> -> memref<1x128x32xf32, #tpu.memory_space<vmem>>
        %dma_wait3A_46 = tpu.memref_squeeze %dma_wait3A_45 : memref<1x128x32xf32, #tpu.memory_space<vmem>> -> memref<128x32xf32, #tpu.memory_space<vmem>>
        %dma_wait3A_47 = arith.constant 0 : i32
        %dma_wait3A_48 = tpu.memref_slice %arg18[%add3A_28, %dma_wait3A_47] : memref<51200x32xf32, #tpu.memory_space<vmem_shared>> -> memref<128x32xf32, #tpu.memory_space<vmem_shared>>
        %dma_wait3A_49 = arith.constant 0 : i32
        %dma_wait3A_50 = arith.constant 0 : i32
        %dma_wait3A_51 = tpu.memref_slice %arg12[%run_scoped3A_29, %dma_wait3A_49, %dma_wait3A_50] : memref<4x128x32xf32, #tpu.memory_space<vmem>> -> memref<1x128x32xf32, #tpu.memory_space<vmem>>
        %dma_wait3A_52 = tpu.memref_squeeze %dma_wait3A_51 : memref<1x128x32xf32, #tpu.memory_space<vmem>> -> memref<128x32xf32, #tpu.memory_space<vmem>>
        %dma_wait3A_53 = arith.constant 0 : i32
        %dma_wait3A_54 = tpu.memref_slice %arg18[%add3A_28, %dma_wait3A_53] : memref<51200x32xf32, #tpu.memory_space<vmem_shared>> -> memref<128x32xf32, #tpu.memory_space<vmem_shared>>
        tpu.wait_dma2 semaphore(%run_scoped3A_32 : memref<!tpu.dma_semaphore, #tpu.memory_space<semaphore_mem>>) src(%dma_wait3A_54 : memref<128x32xf32, #tpu.memory_space<vmem_shared>>) dst(%dma_wait3A_52 : memref<128x32xf32, #tpu.memory_space<vmem>>)
        tpu.yield
      }) : () -> ()
      %run_scoped3A_30 = arith.constant 0 : i32
      "tpu.region"() ({
        %run_scoped3A_32 = tpu.sem_alloc : memref<!tpu.dma_semaphore, #tpu.memory_space<semaphore_mem>>
        %dma_start3A = arith.constant 0 : i32
        %dma_start3A_33 = arith.constant 0 : i32
        %dma_start3A_34 = tpu.memref_slice %arg12[%run_scoped3A_30, %dma_start3A, %dma_start3A_33] : memref<4x128x32xf32, #tpu.memory_space<vmem>> -> memref<1x128x32xf32, #tpu.memory_space<vmem>>
        %dma_start3A_35 = tpu.memref_squeeze %dma_start3A_34 : memref<1x128x32xf32, #tpu.memory_space<vmem>> -> memref<128x32xf32, #tpu.memory_space<vmem>>
        %dma_start3A_36 = arith.constant 0 : i32
        %dma_start3A_37 = tpu.memref_slice %arg8[%arg0, %add3A_28, %dma_start3A_36] : memref<2x51200x32xf32, #tpu.memory_space<hbm>> -> memref<1x128x32xf32, #tpu.memory_space<hbm>>
        %dma_start3A_38 = tpu.memref_squeeze %dma_start3A_37 : memref<1x128x32xf32, #tpu.memory_space<hbm>> -> memref<128x32xf32, #tpu.memory_space<hbm>>
        %dma_start3A_39 = arith.constant 0 : i32
        %dma_start3A_40 = tpu.memref_slice %arg8[%arg0, %add3A_28, %dma_start3A_39] : memref<2x51200x32xf32, #tpu.memory_space<hbm>> -> memref<1x128x32xf32, #tpu.memory_space<hbm>>
        %dma_start3A_41 = tpu.memref_squeeze %dma_start3A_40 : memref<1x128x32xf32, #tpu.memory_space<hbm>> -> memref<128x32xf32, #tpu.memory_space<hbm>>
        %dma_start3A_42 = arith.constant 0 : i32
        %dma_start3A_43 = arith.constant 0 : i32
        %dma_start3A_44 = tpu.memref_slice %arg12[%run_scoped3A_30, %dma_start3A_42, %dma_start3A_43] : memref<4x128x32xf32, #tpu.memory_space<vmem>> -> memref<1x128x32xf32, #tpu.memory_space<vmem>>
        %dma_start3A_45 = tpu.memref_squeeze %dma_start3A_44 : memref<1x128x32xf32, #tpu.memory_space<vmem>> -> memref<128x32xf32, #tpu.memory_space<vmem>>
        tpu.enqueue_dma source(%dma_start3A_45 : memref<128x32xf32, #tpu.memory_space<vmem>>) target(%dma_start3A_41 : memref<128x32xf32, #tpu.memory_space<hbm>>) target_semaphore(%run_scoped3A_32 : memref<!tpu.dma_semaphore, #tpu.memory_space<semaphore_mem>>)
        %dma_wait3A = arith.constant 0 : i32
        %dma_wait3A_46 = arith.constant 0 : i32
        %dma_wait3A_47 = tpu.memref_slice %arg12[%run_scoped3A_30, %dma_wait3A, %dma_wait3A_46] : memref<4x128x32xf32, #tpu.memory_space<vmem>> -> memref<1x128x32xf32, #tpu.memory_space<vmem>>
        %dma_wait3A_48 = tpu.memref_squeeze %dma_wait3A_47 : memref<1x128x32xf32, #tpu.memory_space<vmem>> -> memref<128x32xf32, #tpu.memory_space<vmem>>
        %dma_wait3A_49 = arith.constant 0 : i32
        %dma_wait3A_50 = tpu.memref_slice %arg8[%arg0, %add3A_28, %dma_wait3A_49] : memref<2x51200x32xf32, #tpu.memory_space<hbm>> -> memref<1x128x32xf32, #tpu.memory_space<hbm>>
        %dma_wait3A_51 = tpu.memref_squeeze %dma_wait3A_50 : memref<1x128x32xf32, #tpu.memory_space<hbm>> -> memref<128x32xf32, #tpu.memory_space<hbm>>
        %dma_wait3A_52 = arith.constant 0 : i32
        %dma_wait3A_53 = tpu.memref_slice %arg8[%arg0, %add3A_28, %dma_wait3A_52] : memref<2x51200x32xf32, #tpu.memory_space<hbm>> -> memref<1x128x32xf32, #tpu.memory_space<hbm>>
        %dma_wait3A_54 = tpu.memref_squeeze %dma_wait3A_53 : memref<1x128x32xf32, #tpu.memory_space<hbm>> -> memref<128x32xf32, #tpu.memory_space<hbm>>
        %dma_wait3A_55 = arith.constant 0 : i32
        %dma_wait3A_56 = arith.constant 0 : i32
        %dma_wait3A_57 = tpu.memref_slice %arg12[%run_scoped3A_30, %dma_wait3A_55, %dma_wait3A_56] : memref<4x128x32xf32, #tpu.memory_space<vmem>> -> memref<1x128x32xf32, #tpu.memory_space<vmem>>
        %dma_wait3A_58 = tpu.memref_squeeze %dma_wait3A_57 : memref<1x128x32xf32, #tpu.memory_space<vmem>> -> memref<128x32xf32, #tpu.memory_space<vmem>>
        tpu.wait_dma2 semaphore(%run_scoped3A_32 : memref<!tpu.dma_semaphore, #tpu.memory_space<semaphore_mem>>) src(%dma_wait3A_58 : memref<128x32xf32, #tpu.memory_space<vmem>>) dst(%dma_wait3A_54 : memref<128x32xf32, #tpu.memory_space<hbm>>)
        tpu.yield
      }) : () -> ()
      "tpu.region"() ({
        %run_scoped3A_32 = tpu.sem_alloc : memref<!tpu.dma_semaphore, #tpu.memory_space<semaphore_mem>>
        %dma_start3A = tpu.memref_slice %arg21[%add3A_28] : memref<51200xf32, #tpu.memory_space<vmem_shared>> -> memref<128xf32, #tpu.memory_space<vmem_shared>>
        %dma_start3A_33 = tpu.memref_slice %arg21[%add3A_28] : memref<51200xf32, #tpu.memory_space<vmem_shared>> -> memref<128xf32, #tpu.memory_space<vmem_shared>>
        tpu.enqueue_dma source(%dma_start3A_33 : memref<128xf32, #tpu.memory_space<vmem_shared>>) target(%arg20 : memref<128xf32, #tpu.memory_space<vmem>>) target_semaphore(%run_scoped3A_32 : memref<!tpu.dma_semaphore, #tpu.memory_space<semaphore_mem>>)
        %dma_wait3A = tpu.memref_slice %arg21[%add3A_28] : memref<51200xf32, #tpu.memory_space<vmem_shared>> -> memref<128xf32, #tpu.memory_space<vmem_shared>>
        %dma_wait3A_34 = tpu.memref_slice %arg21[%add3A_28] : memref<51200xf32, #tpu.memory_space<vmem_shared>> -> memref<128xf32, #tpu.memory_space<vmem_shared>>
        tpu.wait_dma2 semaphore(%run_scoped3A_32 : memref<!tpu.dma_semaphore, #tpu.memory_space<semaphore_mem>>) src(%dma_wait3A_34 : memref<128xf32, #tpu.memory_space<vmem_shared>>) dst(%arg20 : memref<128xf32, #tpu.memory_space<vmem>>)
        tpu.yield
      }) : () -> ()
      "tpu.region"() ({
        %run_scoped3A_32 = tpu.sem_alloc : memref<!tpu.dma_semaphore, #tpu.memory_space<semaphore_mem>>
        %dma_start3A = tpu.memref_slice %arg9[%arg0, %add3A_28] : memref<2x51200xf32, #tpu.memory_space<hbm>> -> memref<1x128xf32, #tpu.memory_space<hbm>>
        %dma_start3A_33 = tpu.memref_squeeze %dma_start3A : memref<1x128xf32, #tpu.memory_space<hbm>> -> memref<128xf32, #tpu.memory_space<hbm>>
        %dma_start3A_34 = tpu.memref_slice %arg9[%arg0, %add3A_28] : memref<2x51200xf32, #tpu.memory_space<hbm>> -> memref<1x128xf32, #tpu.memory_space<hbm>>
        %dma_start3A_35 = tpu.memref_squeeze %dma_start3A_34 : memref<1x128xf32, #tpu.memory_space<hbm>> -> memref<128xf32, #tpu.memory_space<hbm>>
        tpu.enqueue_dma source(%arg20 : memref<128xf32, #tpu.memory_space<vmem>>) target(%dma_start3A_35 : memref<128xf32, #tpu.memory_space<hbm>>) target_semaphore(%run_scoped3A_32 : memref<!tpu.dma_semaphore, #tpu.memory_space<semaphore_mem>>)
        %dma_wait3A = tpu.memref_slice %arg9[%arg0, %add3A_28] : memref<2x51200xf32, #tpu.memory_space<hbm>> -> memref<1x128xf32, #tpu.memory_space<hbm>>
        %dma_wait3A_36 = tpu.memref_squeeze %dma_wait3A : memref<1x128xf32, #tpu.memory_space<hbm>> -> memref<128xf32, #tpu.memory_space<hbm>>
        %dma_wait3A_37 = tpu.memref_slice %arg9[%arg0, %add3A_28] : memref<2x51200xf32, #tpu.memory_space<hbm>> -> memref<1x128xf32, #tpu.memory_space<hbm>>
        %dma_wait3A_38 = tpu.memref_squeeze %dma_wait3A_37 : memref<1x128xf32, #tpu.memory_space<hbm>> -> memref<128xf32, #tpu.memory_space<hbm>>
        tpu.wait_dma2 semaphore(%run_scoped3A_32 : memref<!tpu.dma_semaphore, #tpu.memory_space<semaphore_mem>>) src(%arg20 : memref<128xf32, #tpu.memory_space<vmem>>) dst(%dma_wait3A_38 : memref<128xf32, #tpu.memory_space<hbm>>)
        tpu.yield
      }) : () -> ()
      %scan3A_31 = arith.constant 0 : i32
      scf.yield %scan3A_31 : i32
    }
    %scan3A_23 = arith.constant 25 : i32
    return
  }
}

module attributes {stable_mosaic.version = 14 : i64} {
  func.func @_mm1_body(%arg0: i32, %arg1: memref<2000x64xf32, #tpu.memory_space<vmem>>, %arg2: memref<64x64xf32, #tpu.memory_space<vmem>>, %arg3: memref<1x64xf32, #tpu.memory_space<vmem>>, %arg4: memref<2000x32xf32, #tpu.memory_space<vmem>>, %arg5: memref<2000x32xf32, #tpu.memory_space<vmem>>) attributes {dimension_semantics = [#tpu.dimension_semantics<arbitrary>], iteration_bounds = array<i64: 25>, scalar_prefetch = 0 : i64, scratch_operands = 0 : i64, tpu.core_type = #tpu.core_type<tc>, window_params = [{transform_indices = @transform_0, window_bounds = array<i64: 2000, 64>}, {pipeline_mode = #tpu.pipeline_mode<synchronous>, transform_indices = @transform_1, window_bounds = array<i64: 64, 64>}, {pipeline_mode = #tpu.pipeline_mode<synchronous>, transform_indices = @transform_2, window_bounds = array<i64: 1, 64>}, {transform_indices = @transform_3, window_bounds = array<i64: 2000, 32>}, {transform_indices = @transform_4, window_bounds = array<i64: 2000, 32>}]} {
    %get3A = arith.constant 0 : index
    %get3A_0 = arith.constant 0 : index
    %get3A_1 = vector.load %arg1[%get3A, %get3A_0] : memref<2000x64xf32, #tpu.memory_space<vmem>>, vector<2000x64xf32>
    %get3A_2 = arith.constant 0 : index
    %get3A_3 = arith.constant 0 : index
    %get3A_4 = vector.load %arg2[%get3A_2, %get3A_3] : memref<64x64xf32, #tpu.memory_space<vmem>>, vector<64x64xf32>
    %dot_general3A = arith.constant dense<0.000000e+00> : vector<2000x64xf32>
    %dot_general3A_5 = tpu.matmul %get3A_1, %get3A_4, %dot_general3A {dimension_numbers = #tpu.dot_dimension_numbers<[1], [0], [0], [1], [0, 0, 1, 1], [], []>, transpose_lhs_hint = false} : vector<2000x64xf32>, vector<64x64xf32>, vector<2000x64xf32> -> vector<2000x64xf32>
    %get3A_6 = arith.constant 0 : index
    %get3A_7 = arith.constant 0 : index
    %get3A_8 = vector.load %arg3[%get3A_6, %get3A_7] : memref<1x64xf32, #tpu.memory_space<vmem>>, vector<1x64xf32>
    %add3A = vector.broadcast %get3A_8 : vector<1x64xf32> to vector<2000x64xf32>
    %add3A_9 = arith.addf %dot_general3A_5, %add3A : vector<2000x64xf32>
    %slice3A = vector.extract_strided_slice %add3A_9 {offsets = [0, 0], sizes = [2000, 32], strides = [1, 1]} : vector<2000x64xf32> to vector<2000x32xf32>
    %swap3A = arith.constant 0 : index
    %swap3A_10 = arith.constant 0 : index
    %swap3A_11 = vector.load %arg4[%swap3A, %swap3A_10] : memref<2000x32xf32, #tpu.memory_space<vmem>>, vector<2000x32xf32>
    tpu.vector_store %arg4[%swap3A, %swap3A_10], %slice3A {strides = array<i32>} : memref<2000x32xf32, #tpu.memory_space<vmem>>, vector<2000x32xf32>,
    %slice3A_12 = vector.extract_strided_slice %add3A_9 {offsets = [0, 32], sizes = [2000, 32], strides = [1, 1]} : vector<2000x64xf32> to vector<2000x32xf32>
    %swap3A_13 = arith.constant 0 : index
    %swap3A_14 = arith.constant 0 : index
    %swap3A_15 = vector.load %arg5[%swap3A_13, %swap3A_14] : memref<2000x32xf32, #tpu.memory_space<vmem>>, vector<2000x32xf32>
    tpu.vector_store %arg5[%swap3A_13, %swap3A_14], %slice3A_12 {strides = array<i32>} : memref<2000x32xf32, #tpu.memory_space<vmem>>, vector<2000x32xf32>,
    return
  }
  func.func @transform_0(%arg0: i32) -> (i32, i32) {
    %c0_i32 = arith.constant 0 : i32
    %c0_i32_0 = arith.constant 0 : i32
    return %arg0, %c0_i32 : i32, i32
  }
  func.func @transform_1(%arg0: i32) -> (i32, i32) {
    %c0_i32 = arith.constant 0 : i32
    %c0_i32_0 = arith.constant 0 : i32
    %c0_i32_1 = arith.constant 0 : i32
    return %c0_i32, %c0_i32_0 : i32, i32
  }
  func.func @transform_2(%arg0: i32) -> (i32, i32) {
    %c0_i32 = arith.constant 0 : i32
    %c0_i32_0 = arith.constant 0 : i32
    %c0_i32_1 = arith.constant 0 : i32
    return %c0_i32, %c0_i32_0 : i32, i32
  }
  func.func @transform_3(%arg0: i32) -> (i32, i32) {
    %c0_i32 = arith.constant 0 : i32
    %c0_i32_0 = arith.constant 0 : i32
    return %arg0, %c0_i32 : i32, i32
  }
  func.func @transform_4(%arg0: i32) -> (i32, i32) {
    %c0_i32 = arith.constant 0 : i32
    %c0_i32_0 = arith.constant 0 : i32
    return %arg0, %c0_i32 : i32, i32
  }
}

module attributes {stable_mosaic.version = 14 : i64} {
  func.func @_mid_body(%arg0: i32, %arg1: memref<2000x32xf32, #tpu.memory_space<vmem>>, %arg2: memref<2x2000x32xf32, #tpu.memory_space<vmem>>, %arg3: memref<2x2000x1xf32, #tpu.memory_space<vmem>>, %arg4: memref<32x32xf32, #tpu.memory_space<vmem>>, %arg5: memref<1x32xf32, #tpu.memory_space<vmem>>, %arg6: memref<2000x16xf32, #tpu.memory_space<vmem>>, %arg7: memref<2000x16xf32, #tpu.memory_space<vmem>>, %arg8: memref<2000x16xf32, #tpu.memory_space<vmem>>) attributes {dimension_semantics = [#tpu.dimension_semantics<arbitrary>], iteration_bounds = array<i64: 25>, scalar_prefetch = 0 : i64, scratch_operands = 0 : i64, tpu.core_type = #tpu.core_type<tc>, window_params = [{transform_indices = @transform_0, window_bounds = array<i64: 2000, 32>}, {transform_indices = @transform_1, window_bounds = array<i64: 2, 2000, 32>}, {transform_indices = @transform_2, window_bounds = array<i64: 2, 2000, 1>}, {pipeline_mode = #tpu.pipeline_mode<synchronous>, transform_indices = @transform_3, window_bounds = array<i64: 32, 32>}, {pipeline_mode = #tpu.pipeline_mode<synchronous>, transform_indices = @transform_4, window_bounds = array<i64: 1, 32>}, {transform_indices = @transform_5, window_bounds = array<i64: 2000, 16>}, {transform_indices = @transform_6, window_bounds = array<i64: 2000, 16>}, {transform_indices = @transform_7, window_bounds = array<i64: 2000, 16>}]} {
    %get3A = arith.constant 0 : index
    %get3A_0 = arith.constant 0 : index
    %get3A_1 = arith.constant 0 : index
    %get3A_2 = vector.load %arg2[%get3A, %get3A_0, %get3A_1] : memref<2x2000x32xf32, #tpu.memory_space<vmem>>, vector<2x2000x32xf32>
    %get3A_3 = arith.constant 0 : index
    %get3A_4 = arith.constant 0 : index
    %get3A_5 = arith.constant 0 : index
    %get3A_6 = vector.load %arg3[%get3A_3, %get3A_4, %get3A_5] : memref<2x2000x1xf32, #tpu.memory_space<vmem>>, vector<2x2000x1xf32>
    %slice3A = vector.extract_strided_slice %get3A_6 {offsets = [0, 0, 0], sizes = [1, 2000, 1], strides = [1, 1, 1]} : vector<2x2000x1xf32> to vector<1x2000x1xf32>
    %squeeze3A = vector.shape_cast %slice3A : vector<1x2000x1xf32> to vector<2000x1xf32>
    %slice3A_7 = vector.extract_strided_slice %get3A_6 {offsets = [1, 0, 0], sizes = [1, 2000, 1], strides = [1, 1, 1]} : vector<2x2000x1xf32> to vector<1x2000x1xf32>
    %squeeze3A_8 = vector.shape_cast %slice3A_7 : vector<1x2000x1xf32> to vector<2000x1xf32>
    %add3A = arith.addf %squeeze3A, %squeeze3A_8 : vector<2000x1xf32>
    %max3A = arith.constant 1.000000e+00 : f32
    %max3A_9 = vector.broadcast %max3A : f32 to vector<2000x1xf32>
    %max3A_10 = arith.maximumf %add3A, %max3A_9 : vector<2000x1xf32>
    %div3A = arith.constant 1.000000e+00 : f32
    %div3A_11 = vector.broadcast %div3A : f32 to vector<2000x1xf32>
    %div3A_12 = arith.divf %div3A_11, %max3A_10 : vector<2000x1xf32>
    %get3A_13 = arith.constant 0 : index
    %get3A_14 = arith.constant 0 : index
    %get3A_15 = vector.load %arg1[%get3A_13, %get3A_14] : memref<2000x32xf32, #tpu.memory_space<vmem>>, vector<2000x32xf32>
    %slice3A_16 = vector.extract_strided_slice %get3A_2 {offsets = [0, 0, 0], sizes = [1, 2000, 32], strides = [1, 1, 1]} : vector<2x2000x32xf32> to vector<1x2000x32xf32>
    %squeeze3A_17 = vector.shape_cast %slice3A_16 : vector<1x2000x32xf32> to vector<2000x32xf32>
    %slice3A_18 = vector.extract_strided_slice %get3A_2 {offsets = [1, 0, 0], sizes = [1, 2000, 32], strides = [1, 1, 1]} : vector<2x2000x32xf32> to vector<1x2000x32xf32>
    %squeeze3A_19 = vector.shape_cast %slice3A_18 : vector<1x2000x32xf32> to vector<2000x32xf32>
    %add3A_20 = arith.addf %squeeze3A_17, %squeeze3A_19 : vector<2000x32xf32>
    %mul3A = vector.broadcast %div3A_12 : vector<2000x1xf32> to vector<2000x32xf32>
    %mul3A_21 = arith.mulf %add3A_20, %mul3A : vector<2000x32xf32>
    %add3A_22 = arith.addf %get3A_15, %mul3A_21 : vector<2000x32xf32>
    %get3A_23 = arith.constant 0 : index
    %get3A_24 = arith.constant 0 : index
    %get3A_25 = vector.load %arg4[%get3A_23, %get3A_24] : memref<32x32xf32, #tpu.memory_space<vmem>>, vector<32x32xf32>
    %dot_general3A = arith.constant dense<0.000000e+00> : vector<2000x32xf32>
    %dot_general3A_26 = tpu.matmul %add3A_22, %get3A_25, %dot_general3A {dimension_numbers = #tpu.dot_dimension_numbers<[1], [0], [0], [1], [0, 0, 1, 1], [], []>, transpose_lhs_hint = false} : vector<2000x32xf32>, vector<32x32xf32>, vector<2000x32xf32> -> vector<2000x32xf32>
    %get3A_27 = arith.constant 0 : index
    %get3A_28 = arith.constant 0 : index
    %get3A_29 = vector.load %arg5[%get3A_27, %get3A_28] : memref<1x32xf32, #tpu.memory_space<vmem>>, vector<1x32xf32>
    %add3A_30 = vector.broadcast %get3A_29 : vector<1x32xf32> to vector<2000x32xf32>
    %add3A_31 = arith.addf %dot_general3A_26, %add3A_30 : vector<2000x32xf32>
    %slice3A_32 = vector.extract_strided_slice %add3A_31 {offsets = [0, 0], sizes = [2000, 16], strides = [1, 1]} : vector<2000x32xf32> to vector<2000x16xf32>
    %swap3A = arith.constant 0 : index
    %swap3A_33 = arith.constant 0 : index
    %swap3A_34 = vector.load %arg6[%swap3A, %swap3A_33] : memref<2000x16xf32, #tpu.memory_space<vmem>>, vector<2000x16xf32>
    tpu.vector_store %arg6[%swap3A, %swap3A_33], %slice3A_32 {strides = array<i32>} : memref<2000x16xf32, #tpu.memory_space<vmem>>, vector<2000x16xf32>,
    %slice3A_35 = vector.extract_strided_slice %add3A_31 {offsets = [0, 16], sizes = [2000, 16], strides = [1, 1]} : vector<2000x32xf32> to vector<2000x16xf32>
    %swap3A_36 = arith.constant 0 : index
    %swap3A_37 = arith.constant 0 : index
    %swap3A_38 = vector.load %arg7[%swap3A_36, %swap3A_37] : memref<2000x16xf32, #tpu.memory_space<vmem>>, vector<2000x16xf32>
    tpu.vector_store %arg7[%swap3A_36, %swap3A_37], %slice3A_35 {strides = array<i32>} : memref<2000x16xf32, #tpu.memory_space<vmem>>, vector<2000x16xf32>,
    %broadcast_in_dim3A = vector.shape_cast %div3A_12 : vector<2000x1xf32> to vector<2000x1xf32>
    %broadcast_in_dim3A_39 = vector.broadcast %broadcast_in_dim3A : vector<2000x1xf32> to vector<2000x16xf32>
    %swap3A_40 = arith.constant 0 : index
    %swap3A_41 = arith.constant 0 : index
    %swap3A_42 = vector.load %arg8[%swap3A_40, %swap3A_41] : memref<2000x16xf32, #tpu.memory_space<vmem>>, vector<2000x16xf32>
    tpu.vector_store %arg8[%swap3A_40, %swap3A_41], %broadcast_in_dim3A_39 {strides = array<i32>} : memref<2000x16xf32, #tpu.memory_space<vmem>>, vector<2000x16xf32>,
    return
  }
  func.func @transform_0(%arg0: i32) -> (i32, i32) {
    %c0_i32 = arith.constant 0 : i32
    %c0_i32_0 = arith.constant 0 : i32
    return %arg0, %c0_i32 : i32, i32
  }
  func.func @transform_1(%arg0: i32) -> (i32, i32, i32) {
    %c0_i32 = arith.constant 0 : i32
    %c0_i32_0 = arith.constant 0 : i32
    %c0_i32_1 = arith.constant 0 : i32
    return %c0_i32, %arg0, %c0_i32_0 : i32, i32, i32
  }
  func.func @transform_2(%arg0: i32) -> (i32, i32, i32) {
    %c0_i32 = arith.constant 0 : i32
    %c0_i32_0 = arith.constant 0 : i32
    %c0_i32_1 = arith.constant 0 : i32
    return %c0_i32, %arg0, %c0_i32_0 : i32, i32, i32
  }
  func.func @transform_3(%arg0: i32) -> (i32, i32) {
    %c0_i32 = arith.constant 0 : i32
    %c0_i32_0 = arith.constant 0 : i32
    %c0_i32_1 = arith.constant 0 : i32
    return %c0_i32, %c0_i32_0 : i32, i32
  }
  func.func @transform_4(%arg0: i32) -> (i32, i32) {
    %c0_i32 = arith.constant 0 : i32
    %c0_i32_0 = arith.constant 0 : i32
    %c0_i32_1 = arith.constant 0 : i32
    return %c0_i32, %c0_i32_0 : i32, i32
  }
  func.func @transform_5(%arg0: i32) -> (i32, i32) {
    %c0_i32 = arith.constant 0 : i32
    %c0_i32_0 = arith.constant 0 : i32
    return %arg0, %c0_i32 : i32, i32
  }
  func.func @transform_6(%arg0: i32) -> (i32, i32) {
    %c0_i32 = arith.constant 0 : i32
    %c0_i32_0 = arith.constant 0 : i32
    return %arg0, %c0_i32 : i32, i32
  }
  func.func @transform_7(%arg0: i32) -> (i32, i32) {
    %c0_i32 = arith.constant 0 : i32
    %c0_i32_0 = arith.constant 0 : i32
    return %arg0, %c0_i32 : i32, i32
  }
}

module attributes {stable_mosaic.version = 14 : i64} {
  func.func @_out_body(%arg0: i32, %arg1: memref<2000x16xf32, #tpu.memory_space<vmem>>, %arg2: memref<2x2000x16xf32, #tpu.memory_space<vmem>>, %arg3: memref<2000x16xf32, #tpu.memory_space<vmem>>, %arg4: memref<2000x16xf32, #tpu.memory_space<vmem>>) attributes {dimension_semantics = [#tpu.dimension_semantics<arbitrary>], iteration_bounds = array<i64: 25>, scalar_prefetch = 0 : i64, scratch_operands = 0 : i64, tpu.core_type = #tpu.core_type<tc>, window_params = [{transform_indices = @transform_0, window_bounds = array<i64: 2000, 16>}, {transform_indices = @transform_1, window_bounds = array<i64: 2, 2000, 16>}, {transform_indices = @transform_2, window_bounds = array<i64: 2000, 16>}, {transform_indices = @transform_3, window_bounds = array<i64: 2000, 16>}]} {
    %get3A = arith.constant 0 : index
    %get3A_0 = arith.constant 0 : index
    %get3A_1 = arith.constant 0 : index
    %get3A_2 = vector.load %arg2[%get3A, %get3A_0, %get3A_1] : memref<2x2000x16xf32, #tpu.memory_space<vmem>>, vector<2x2000x16xf32>
    %get3A_3 = arith.constant 0 : index
    %get3A_4 = arith.constant 0 : index
    %get3A_5 = vector.load %arg1[%get3A_3, %get3A_4] : memref<2000x16xf32, #tpu.memory_space<vmem>>, vector<2000x16xf32>
    %slice3A = vector.extract_strided_slice %get3A_2 {offsets = [0, 0, 0], sizes = [1, 2000, 16], strides = [1, 1, 1]} : vector<2x2000x16xf32> to vector<1x2000x16xf32>
    %squeeze3A = vector.shape_cast %slice3A : vector<1x2000x16xf32> to vector<2000x16xf32>
    %slice3A_6 = vector.extract_strided_slice %get3A_2 {offsets = [1, 0, 0], sizes = [1, 2000, 16], strides = [1, 1, 1]} : vector<2x2000x16xf32> to vector<1x2000x16xf32>
    %squeeze3A_7 = vector.shape_cast %slice3A_6 : vector<1x2000x16xf32> to vector<2000x16xf32>
    %add3A = arith.addf %squeeze3A, %squeeze3A_7 : vector<2000x16xf32>
    %get3A_8 = arith.constant 0 : index
    %get3A_9 = arith.constant 0 : index
    %get3A_10 = vector.load %arg3[%get3A_8, %get3A_9] : memref<2000x16xf32, #tpu.memory_space<vmem>>, vector<2000x16xf32>
    %mul3A = arith.mulf %add3A, %get3A_10 : vector<2000x16xf32>
    %add3A_11 = arith.addf %get3A_5, %mul3A : vector<2000x16xf32>
    %swap3A = arith.constant 0 : index
    %swap3A_12 = arith.constant 0 : index
    %swap3A_13 = vector.load %arg4[%swap3A, %swap3A_12] : memref<2000x16xf32, #tpu.memory_space<vmem>>, vector<2000x16xf32>
    tpu.vector_store %arg4[%swap3A, %swap3A_12], %add3A_11 {strides = array<i32>} : memref<2000x16xf32, #tpu.memory_space<vmem>>, vector<2000x16xf32>,
    return
  }
  func.func @transform_0(%arg0: i32) -> (i32, i32) {
    %c0_i32 = arith.constant 0 : i32
    %c0_i32_0 = arith.constant 0 : i32
    return %arg0, %c0_i32 : i32, i32
  }
  func.func @transform_1(%arg0: i32) -> (i32, i32, i32) {
    %c0_i32 = arith.constant 0 : i32
    %c0_i32_0 = arith.constant 0 : i32
    %c0_i32_1 = arith.constant 0 : i32
    return %c0_i32, %arg0, %c0_i32_0 : i32, i32, i32
  }
  func.func @transform_2(%arg0: i32) -> (i32, i32) {
    %c0_i32 = arith.constant 0 : i32
    %c0_i32_0 = arith.constant 0 : i32
    return %arg0, %c0_i32 : i32, i32
  }
  func.func @transform_3(%arg0: i32) -> (i32, i32) {
    %c0_i32 = arith.constant 0 : i32
    %c0_i32_0 = arith.constant 0 : i32
    return %arg0, %c0_i32 : i32, i32
  }
}

</mosaic_0001>

<sc_bundles>
// kernel: kernel.10.cloned.1.call-start
scs
__scs_entry_jumppad:
0x0: {  	(pc) =	sbr.rel $0x88, $3  }
0x1: {  	(tag) =	ssettag $0x0;
	lr =	simm.s32 $0x1  }
0x2: {  	[smem:$0x3F99] =	sst lr;
	_ =	strace $0xD0000000  }
0x3: {  	_ = 	snop  }
0x4: {  	_ = 	snop  }
0x5: {  	_ = 	snop  }
0x6: {  	_ = 	snop  }
0x7: {  	_ = 	snop  }
__scs_overlays_trampoline_lowered:
0x8: {  	[smem:$0x3FA8] =	sst s0  }
0x9: {  	[smem:$0x3FA9] =	sst s1  }
0xa: {  	[smem:$0x3FAA] =	sst s2  }
0xb: {  	[smem:$0x3FAB] =	sst s3  }
0xc: {  	[smem:$0x3FAC] =	sst s4  }
0xd: {  	[smem:$0x3FAD] =	sst s5  }
0xe: {  	[smem:$0x3FAE] =	sst s6  }
0xf: {  	[smem:$0x3FAF] =	sst s7  }
0x10: {  	[smem:$0x3FB0] =	sst s8  }
0x11: {  	[smem:$0x3FB1] =	sst s9;
	s0 =	simm.s32 @!p0 $0x0  }
0x12: {  	s1 =	sld [smem:$0x3F97];
	s0 =	simm.s32 @p0 $0x1  }
0x13: {  	[smem:$0x3FB2] =	sst s0;
	s0 =	simm.s32 @!p1 $0x0  }
0x14: {  	s2 =	sld [smem:$0x3F96];
	s0 =	simm.s32 @p1 $0x1  }
0x15: {  	[smem:$0x3FB3] =	sst s0;
	s0 =	simm.s32 @!p2 $0x0  }
0x16: {  	s3 =	sld [smem:$0x3FDB];
	s0 =	simm.s32 @p2 $0x1  }
0x17: {  	s4 =	simm.s32 $0x1BF5;
	[smem:$0x3FB5] =	sst s0  }
0x18: {  	s0 =	sld [smem:$0x3F98];
	_ =	swait.ge [sflag:s4], $0x0  }
0x19: {  	s7 =	sld [smem:$0x3F99]  }
0x1a: {  	s8 =	sadd.s32 $0xFFFFE003, lr  }
0x1b: {  	s9 =	sadd.s32 $0xFFFFFEF7, lr;
	s5 =	simm.s32 $0xFFFFFFFF;
	p2 =	slt.u32 s8, $0xFFFFF086  }
0x1c: {  	p1 =	slt.u32 s9, $0xF7A;
	s5 =	simm.s32 @!p2 $0x0  }
0x1d: {  	s5 =	simm.s32 @p1 $0x1;
	p0 =	seq.s32 s7, s2  }
0x1e: {  	s7 =	smul.u32 @!p0 $0xF7A, s2;
	p2 =	seq.s32 @!p0 s5, $0x0  }
0x1f: {  	s9 =	smul.u32 $0xF7A, s1;
	s8 =	simm.s32 @!p0 $0x1BF5;
	p2 =	por !p2, p0  }
0x20: {  	[sflag:s8] =	ssyncset.s32 @!p0 $0xFFFFF086;
	s6 =	sadd.s32 @!p0 s3, s7;
	s7 =	simm.s32 @!p0 $0x108  }
0x21: {  	s3 =	sadd.s32 s3, s9;
	s6 =	sadd.s32 @!p0 $0x88, s6;
	s7 =	simm.s32 @p2 $0x1082  }
0x22: {  	[simem:s7], [sflag:s8] =	dma.local @!p0 [hbm:s6], $0xF7A  }
0x23: {  	s9 =	sor.u32 $0xD0000000, s2;
	s6 =	simm.s32 $0x108;
	_ =	swait.ge @!p0 [sflag:s8], $0x0  }
0x24: {  	s3 =	sadd.s32 $0x88, s3;
	s6 =	simm.s32 @!p1 $0x1082;
	[sflag:s4] =	ssyncset.s32 $0xFFFFF086  }
0x25: {  	[simem:s6], [sflag:s4] =	dma.local [hbm:s3], $0xF7A  }
0x26: {  	[smem:$0x3F99] =	sst s1;
	(tag) =	ssettag s2;
	_ =	strace s9  }
0x27: {  	s1 =	sld [smem:$0x3FA9]  }
0x28: {  	s2 =	sld [smem:$0x3FAA]  }
0x29: {  	s4 =	sld [smem:$0x3FAC]  }
0x2a: {  	p0 =	seq.s32 s5, $0x0;
	s5 =	sld [smem:$0x3FAD]  }
0x2b: {  	s6 =	sld [smem:$0x3FAE]  }
0x2c: {  	s7 =	sld [smem:$0x3FAF]  }
0x2d: {  	s3 =	simm.s32 $0x108;
	s8 =	sld [smem:$0x3FB0]  }
0x2e: {  	s3 =	simm.s32 @!p0 $0x1082;
	s9 =	sld [smem:$0x3FB1]  }
0x2f: {  	lr =	sadd.s32 s0, s3;
	s0 =	sld [smem:$0x3FA8]  }
0x30: {  	s3 =	sld [smem:$0x3FAB]  }
0x31: {  	[smem:$0x3FB4] =	sst s10  }
0x32: {  	s10 =	sld [smem:$0x3FB2];
	_ =	sdelay $0x3  }
0x33: {  	p0 =	seq.s32 s10, $0x1;
	s10 =	sld [smem:$0x3FB4];
	_ =	sdelay $0x3  }
0x34: {  	[smem:$0x3FB4] =	sst s10  }
0x35: {  	s10 =	sld [smem:$0x3FB3];
	_ =	sdelay $0x3  }
0x36: {  	p1 =	seq.s32 s10, $0x1;
	s10 =	sld [smem:$0x3FB4];
	_ =	sdelay $0x3  }
0x37: {  	[smem:$0x3FB4] =	sst s10  }
0x38: {  	s10 =	sld [smem:$0x3FB5]  }
0x39: {  	_ = 	snop;
	(pc) =	sbr.ind lr, $3  }
0x3a: {  	_ = 	snop  }
0x3b: {  	_ = 	snop  }
0x3c: {  	p2 =	seq.s32 s10, $0x1;
	s10 =	sld [smem:$0x3FB4]  }
0x3d: {  	_ =	shalt  }
0x3e: {  	_ =	shalt  }
0x3f: {  	_ =	shalt  }
0x40: {  	_ =	shalt  }
0x41: {  	_ =	shalt  }
0x42: {  	_ =	shalt  }
0x43: {  	_ =	shalt  }
0x44: {  	_ =	shalt  }
0x45: {  	_ =	shalt  }
0x46: {  	_ =	shalt  }
0x47: {  	_ =	shalt  }
0x48: {  	_ =	shalt  }
0x49: {  	_ =	shalt  }
0x4a: {  	_ =	shalt  }
0x4b: {  	_ =	shalt  }
0x4c: {  	_ =	shalt  }
0x4d: {  	_ =	shalt  }
0x4e: {  	_ =	shalt  }
0x4f: {  	_ =	shalt  }
0x50: {  	_ =	shalt  }
0x51: {  	_ =	shalt  }
0x52: {  	_ =	shalt  }
0x53: {  	_ =	shalt  }
0x54: {  	_ =	shalt  }
0x55: {  	_ =	shalt  }
0x56: {  	_ =	shalt  }
0x57: {  	_ =	shalt  }
0x58: {  	_ =	shalt  }
0x59: {  	_ =	shalt  }
0x5a: {  	_ =	shalt  }
0x5b: {  	_ =	shalt  }
0x5c: {  	_ =	shalt  }
0x5d: {  	_ =	shalt  }
0x5e: {  	_ =	shalt  }
0x5f: {  	_ =	shalt  }
0x60: {  	_ =	shalt  }
0x61: {  	_ =	shalt  }
0x62: {  	_ =	shalt  }
0x63: {  	_ =	shalt  }
0x64: {  	_ =	shalt  }
0x65: {  	_ =	shalt  }
0x66: {  	_ =	shalt  }
0x67: {  	_ =	shalt  }
0x68: {  	_ =	shalt  }
0x69: {  	_ =	shalt  }
0x6a: {  	_ =	shalt  }
0x6b: {  	_ =	shalt  }
0x6c: {  	_ =	shalt  }
0x6d: {  	_ =	shalt  }
0x6e: {  	_ =	shalt  }
0x6f: {  	_ =	shalt  }
0x70: {  	_ =	shalt  }
0x71: {  	_ =	shalt  }
0x72: {  	_ =	shalt  }
0x73: {  	_ =	shalt  }
0x74: {  	_ =	shalt  }
0x75: {  	_ =	shalt  }
0x76: {  	_ =	shalt  }
0x77: {  	_ =	shalt  }
0x78: {  	_ =	shalt  }
0x79: {  	_ =	shalt  }
0x7a: {  	_ =	shalt  }
0x7b: {  	_ =	shalt  }
0x7c: {  	_ =	shalt  }
0x7d: {  	_ =	shalt  }
0x7e: {  	_ =	shalt  }
0x7f: {  	_ =	shalt  }
0x80: {  	_ =	shalt  }
0x81: {  	_ =	shalt  }
0x82: {  	_ =	shalt  }
0x83: {  	_ =	shalt  }
0x84: {  	_ =	shalt  }
0x85: {  	_ =	shalt  }
0x86: {  	_ =	shalt  }
0x87: {  	_ =	shalt  }
.Lfunc_end0:
.L_simem_size_0:
called_computation.1_lowered:
.L_overlay_start_0:
0x88: {  	s2 =	sld [smem:$0x3FD9]  }
0x89: {  	s3 =	sld [smem:$0x3FFE];
	_ =	sdelay $0x1  }
0x8a: {  	s1 =	srdreg.scid  }
0x8b: {  	s0 =	sand.u32 $0x1, s1  }
0x8c: {  	s17 =	sshll.u32 s0, $0xA;
	s2 =	sadd.s32 s3, s2  }
0x8d: {  	s2 =	sadd.s32 s2, s17  }
0x8e: {  	[smem:$0x3FC0] =	sst s2  }
0x8f: {  	_ = 	snop  }
0x90: {  	s2 =	sld [smem:$0x3FD0];
	(tm) =	ssettm $0x1  }
0x91: {  	s18 =	sld [smem:$0x3FFB];
	_ =	sdelay $0x3  }
0x92: {  	_ =	strace s18  }
0x93: {  	s3 =	sld [smem:$0x3FFC];
	_ =	sdelay $0x3  }
0x94: {  	_ =	strace s3  }
0x95: {  	s3 =	sld [smem:$0x3FFD];
	_ =	sdelay $0x3  }
0x96: {  	_ =	strace s3  }
0x97: {  	_ =	strace $0x8FFFFFFF  }
0x98: {  	s19 =	sld [smem:$0x3FDB];
	_ =	sdelay $0x1  }
0x99: {  	s4 =	simm.s32 $_scs_section_size  }
0x9a: {  	s5 =	simm.s32 $_size__tile_overlayer_lowered;
	s6 =	simm.s32 $_tile_overlayer_lowered  }
0x9b: {  	s22 =	simm.s32 $0x1BFF;
	s21 =	sshll.u32 s6, $0x1;
	s3 =	sadd.s32 s4, s19  }
0x9c: {  	s7 =	simm.s32 $0x0;
	s20 =	sshll.u32 s5, $0x1;
	s5 =	sadd.s32 s21, s3  }
0x9d: {  	[timem:s7], [sflag:s22] =	dma.local [hbm:s5], s20  }
0x9e: {  	_ =	swait.ge [sflag:s22], s20  }
0x9f: {  	s4 =	ssub.s32 $0x0, s20;
	[sflag:s22] =	ssyncset.done $0x0  }
0xa0: {  	[sflag:s22] =	ssyncadd.s32 s4;
	_ =	sdelay $0x1  }
0xa1: {  	s23 =	simm.s32 $0x1B8B  }
0xa2: {  	_ =	swait.ge [sflag:s23], $0x1  }
0xa3: {  	[sflag:s23] =	ssyncset.done $0x0  }
0xa4: {  	s25 =	simm.s32 $0x1B8E;
	s24 =	sld [smem:$0x3FFE];
	[sflag:s23] =	ssyncadd.s32 $0xFFFFFFFF  }
0xa5: {  	s26 =	simm.s32 $execute0_lowered;
	[smem:$0x3FD2] =	sst s25  }
0xa6: {  	s5 =	sshll.u32 s26, $0x1;
	_ =	strace $0x80000049;
	[dreg:$0x1] =	wrdreg $0xFFFFFFFF  }
0xa7: {  	s28 =	simm.s32 $_size_execute0_lowered;
	s3 =	sadd.s32 s3, s5;
	[dreg:$0x0] =	wrdreg $0x0  }
0xa8: {  	s5 =	sshll.u32 s28, $0x1;
	[dreg:$0x2] =	wrdreg s3  }
0xa9: {  	[dreg:$0x3] =	wrdreg s5  }
0xaa: {  	[dreg:$0x4] =	wrdreg $0xC0  }
0xab: {  	_ =	task [dreg:s7], $0x5FFFF  }
0xac: {  	[dreg:$0x1] =	wrdreg $0xFFFFFFFF  }
0xad: {  	[dreg:$0x0] =	wrdreg $0x60  }
0xae: {  	[dreg:$0x2] =	wrdreg s2  }
0xaf: {  	[dreg:$0x3] =	wrdreg s24  }
0xb0: {  	[dreg:$0x4] =	wrdreg $0x3F000  }
0xb1: {  	[dreg:$0x5] =	wrdreg $0x9  }
0xb2: {  	_ =	task.clear_ibuf [dreg:s7], $0x6FFFF;
	_ =	strace $0x90000049  }
0xb3: {  	s29 =	simm.s32 $0x9;
	_ =	strace $0x8000004B  }
0xb4: {  	_ =	swait.ge [sflag:s29], $0x1  }
0xb5: {  	[sflag:s29] =	ssyncadd.s32 $0xFFFFFFFF  }
0xb6: {  	_ =	strace $0x9000004B  }
0xb7: {  	_ =	sfence  }
0xb8: {  	s30 =	sld [smem:$0x0];
	_ =	sdelay $0x2  }
0xb9: {  	s31 =	sshll.u32 s1, $0xD;
	s1 =	sshrl.u32 s1, $0x2  }
0xba: {  	s3 =	sand.u32 $0x4000, s31;
	s1 =	sadd.s32 s1, s30  }
0xbb: {  	s0 =	sor.u32 s3, s0;
	s1 =	sshll.u32 s1, $0x11  }
0xbc: {  	s0 =	sor.u32 s1, s0  }
0xbd: {  	s0 =	sadd.s32 $0x8F2B, s0  }
0xbe: {  	[sflag:s0] =	ssyncadd.remote.s32 $0x1  }
0xbf: {  	_ =	sfence.sel $0xFFFF  }
0xc0: {  	[dreg:$0x0] =	wrdreg $0xFFFFFFFF;
	(pc) =	sbr.abs _section_cstart, $3  }
0xc1: {  	[dreg:$0x1] =	wrdreg $0xFFFFFFFF  }
0xc2: {  	_ =	task.clear_ibuf [dreg:s7], $0x2FFFF;
	_ =	strace $0x9FFFFFFF  }
0xc3: {  	(tm) =	ssettm $0x7FFFFFFF  }
tec
execute0_lowered:
.L_overlay_start_1:
0x0: {  	(tag) =	ssettag $0x1  }
0x1: {  	s0 =	rddreg [dreg:$0x0]  }
0x2: {  	s1 =	rddreg [dreg:$0x1];
	s2 =	srdreg.scid  }
0x3: {  	s3 =	rddreg [dreg:$0x2];
	s9 =	stileid.u32  }
0x4: {  	s4 =	simm.s32 $0x0;
	s10 =	simm.s32 $0x9;
	s11 =	simm.s32 $0x380  }
0x5: {  	s12 =	simm.s32 $0x80;
	s22 =	simm.s32 $0x100;
	s13 =	simm.s32 $0xF00  }
0x6: {  	s23 =	simm.s32 $0x180;
	s14 =	simm.s32 $0x1700;
	s24 =	simm.s32 $0x200  }
0x7: {  	s15 =	simm.s32 $0x1F00;
	s25 =	simm.s32 $0x280;
	s16 =	simm.s32 $0x2700  }
0x8: {  	s26 =	simm.s32 $0x300;
	s17 =	simm.s32 $0x2F00;
	s28 =	simm.s32 $0x580  }
0x9: {  	s29 =	simm.s32 $0x6;
	[smem:$0x7FF] =	sst s4;
	s8 =	sadd.s32 $0x1600, s1  }
0xa: {  	s6 =	smul.u32 $0xC800, s9;
	_ =	strace $0x8000004A;
	[dreg:$0xb] =	wrdreg s8  }
0xb: {  	s31 =	simm.s32 $0x7;
	s18 =	smul.u32 $0xC40, s9;
	[dreg:$0x6] =	wrdreg s22  }
0xc: {  	s2 =	sand.u32 $0x1, s2;
	s9 =	smul.u32 $0x32000, s9;
	[dreg:$0x7] =	wrdreg s23  }
0xd: {  	s30 =	simm.s32 $0x680;
	s5 =	smul.u32 $0xC400, s2;
	[dreg:$0x8] =	wrdreg s24  }
0xe: {  	s7 =	smul.u32 $0xC8000, s2;
	s2 =	ssub.s32 $0x2, s2;
	[dreg:$0x9] =	wrdreg s25  }
0xf: {  	[dreg:$0xa] =	wrdreg s26;
	s23 =	simm.s32 $0x400;
	s22 =	simm.s32 $0x3  }
0x10: {  	s24 =	simm.s32 $0x4;
	s25 =	simm.s32 $0x500;
	s26 =	simm.s32 $0x5  }
0x11: {  	s19 =	sshrl.u32 s2, $0x1;
	s21 =	sshrl.u32 s9, $0x2;
	s9 =	simm.s32 $0x700  }
0x12: {  	s5 =	sadd.s32 s5, s1;
	s6 =	sadd.s32 s6, s7;
	s2 =	ssub.s32 s2, s19  }
0x13: {  	s19 =	simm.s32 $0x1;
	s7 =	simm.s32 $0x0;
	s6 =	sshrl.u32 s6, $0x3  }
0x14: {  	s5 =	sadd.s32 s18, s5;
	s2 =	smax.u32 s2, $0x1;
	s18 =	simm.s32 $0x3700  }
0x15: {  	s1 =	sadd.s32 s6, s1;
	s20 =	sadd.s32 $0x32400, s5;
	[dreg:$0xc] =	wrdreg s2  }
0x16: {  	s5 =	sadd.s32 $0x4AC00, s5;
	s6 =	sadd.s32 s21, s3;
	[dreg:$0x4] =	wrdreg s20  }
0x17: {  	s21 =	simm.s32 $0x480;
	s2 =	simm.s32 $0x8;
	[dreg:$0x5] =	wrdreg s5  }
0x18: {  	s8 =	sadd.s32 $0x63800, s1;
	s20 =	simm.s32 $0x2;
	s1 =	simm.s32 $0x600  }
.LBB2_1:
0x19: {  	[dreg:$0xd] =	wrdreg s7  }
0x1a: {  	s5 =	rddreg [dreg:$0xb]  }
0x1b: {  	[tilespmem:s9], [sflag:$0x9] =	stream.linear.gather [hbm4b:s5+s4], $0x800, $0x38;
	[tilespmem:$0x10700] =	vst v63  }
0x1c: {  	_ =	swait.ge [sflag:s10], $0x800  }
0x1d: {  	[sflag:s10] =	ssyncset.done $0x0  }
0x1e: {  	s7 =	sadd.s32 $0x0, s6;
	[sflag:s10] =	ssyncadd.s32 $0xFFFFF800  }
0x1f: {  	[spmem:s7] =	stream.linear.scatter [tilespmem:s9], [sflag:$0x9], $0x800, $0x38;
	[tilespmem:$0x10700] =	vst v63  }
0x20: {  	s5 =	simm.s32 $0x2000;
	_ =	swait.ge [sflag:s10], $0x800  }
.LBB2_2:
0x21: {  	s7 =	sshra.s32 s5, $0x2;
	[sflag:s10] =	ssyncset.done $0x0;
	p0 =	sne.s32 s5, $0x30000  }
.Ltmp0:
0x22: {  	s7 =	sadd.s32 s7, s6;
	[sflag:s10] =	ssyncadd.s32 $0xFFFFF800;
	(pc) =	sbr.rel @p0 .LBB2_2-.Ltmp0, $3  }
0x23: {  	[spmem:s7] =	stream.linear.scatter [tilespmem:s9], [sflag:$0x9], $0x800, $0x38;
	[tilespmem:$0x10700] =	vst v63  }
0x24: {  	s5 =	sadd.s32 $0x2000, s5;
	_ =	sdelay $0x1  }
0x25: {  	_ =	swait.ge [sflag:s10], $0x800  }
0x26: {  	[sflag:s10] =	ssyncset.done $0x0  }
0x27: {  	[sflag:s10] =	ssyncadd.s32 $0xFFFFF800  }
0x28: {  	[bflag:$0x0] =	sbarrier.arrive $0xFFFF  }
0x29: {  	s5 =	rddreg [dreg:$0x5]  }
0x2a: {  	s5 =	sadd.s32 $0x0, s5  }
0x2b: {  	[tilespmem:s4], [sflag:$0x9] =	stream.linear.gather [hbm4b:s5+s4], $0x380, $0x38;
	[tilespmem:$0x10700] =	vst v63  }
0x2c: {  	_ =	swait.ge [sflag:s10], $0x380  }
0x2d: {  	s7 =	rddreg [dreg:$0x4];
	[sflag:s10] =	ssyncset.done $0x0  }
0x2e: {  	[sflag:s10] =	ssyncadd.s32 $0xFFFFFC80;
	s5 =	sadd.s32 $0x0, s7  }
0x2f: {  	[tilespmem:s11], [sflag:$0x9] =	stream.linear.gather [hbm4b:s5+s4], $0x380, $0x38;
	[tilespmem:$0x10700] =	vst v63  }
0x30: {  	_ =	swait.ge [sflag:s10], $0x380  }
0x31: {  	[sflag:s10] =	ssyncset.done $0x0  }
0x32: {  	[sflag:s10] =	ssyncadd.s32 $0xFFFFFC80  }
0x33: {  	[tilespmem:s9], [sflag:$0x1] =	stream.indirect.gather [hbm4b:s0+s12], $0x10, s4, s12, $0xb8;
	[tilespmem:$0x10700] =	vst v63  }
0x34: {  	_ = 	snop  }
0x35: {  	[tilespmem:s13], [sflag:$0x2] =	stream.indirect.gather [hbm4b:s0+s12], $0x10, s12, s12, $0xb8;
	[tilespmem:$0x10700] =	vst v63  }
0x36: {  	s5 =	rddreg [dreg:$0x6]  }
0x37: {  	[tilespmem:s14], [sflag:$0x3] =	stream.indirect.gather [hbm4b:s0+s12], $0x10, s5, s12, $0xb8;
	[tilespmem:$0x10700] =	vst v63  }
0x38: {  	s7 =	rddreg [dreg:$0x7]  }
0x39: {  	[tilespmem:s15], [sflag:$0x4] =	stream.indirect.gather [hbm4b:s0+s12], $0x10, s7, s12, $0xb8;
	[tilespmem:$0x10700] =	vst v63  }
0x3a: {  	s5 =	rddreg [dreg:$0x8]  }
0x3b: {  	[tilespmem:s16], [sflag:$0x5] =	stream.indirect.gather [hbm4b:s0+s12], $0x10, s5, s12, $0xb8;
	[tilespmem:$0x10700] =	vst v63  }
0x3c: {  	s7 =	rddreg [dreg:$0x9]  }
0x3d: {  	[tilespmem:s17], [sflag:$0x6] =	stream.indirect.gather [hbm4b:s0+s12], $0x10, s7, s12, $0xb8;
	[tilespmem:$0x10700] =	vst v63  }
0x3e: {  	s5 =	rddreg [dreg:$0xa]  }
0x3f: {  	[tilespmem:s18], [sflag:$0x7] =	stream.indirect.gather [hbm4b:s0+s12], $0x10, s5, s12, $0xb8;
	[tilespmem:$0x10700] =	vst v63  }
0x40: {  	_ =	swait.ge [sflag:s19], $0x800  }
0x41: {  	[sflag:s19] =	ssyncset.done $0x0  }
0x42: {  	[sflag:s19] =	ssyncadd.s32 $0xFFFFF800  }
0x43: {  	[spmem:s3] =	stream.indirect.scatter.add.f32 [tilespmem:s9], [sflag:$0x8], $0x10, s11, s12, $0xb8;
	[tilespmem:$0x10700] =	vst v63  }
0x44: {  	_ =	swait.ge [sflag:s20], $0x800  }
0x45: {  	[sflag:s20] =	ssyncset.done $0x0  }
0x46: {  	[sflag:s20] =	ssyncadd.s32 $0xFFFFF800  }
0x47: {  	[spmem:s3] =	stream.indirect.scatter.add.f32 [tilespmem:s13], [sflag:$0x8], $0x10, s23, s12, $0xb8;
	[tilespmem:$0x10700] =	vst v63  }
0x48: {  	_ =	swait.ge [sflag:s22], $0x800  }
0x49: {  	[sflag:s22] =	ssyncset.done $0x0  }
0x4a: {  	[sflag:s22] =	ssyncadd.s32 $0xFFFFF800  }
0x4b: {  	[spmem:s3] =	stream.indirect.scatter.add.f32 [tilespmem:s14], [sflag:$0x8], $0x10, s21, s12, $0xb8;
	[tilespmem:$0x10700] =	vst v63  }
0x4c: {  	_ =	swait.ge [sflag:s24], $0x800  }
0x4d: {  	[sflag:s24] =	ssyncset.done $0x0  }
0x4e: {  	[sflag:s24] =	ssyncadd.s32 $0xFFFFF800  }
0x4f: {  	[spmem:s3] =	stream.indirect.scatter.add.f32 [tilespmem:s15], [sflag:$0x8], $0x10, s25, s12, $0xb8;
	[tilespmem:$0x10700] =	vst v63  }
0x50: {  	_ =	swait.ge [sflag:s26], $0x800  }
0x51: {  	[sflag:s26] =	ssyncset.done $0x0  }
0x52: {  	[sflag:s26] =	ssyncadd.s32 $0xFFFFF800  }
0x53: {  	[spmem:s3] =	stream.indirect.scatter.add.f32 [tilespmem:s16], [sflag:$0x8], $0x10, s28, s12, $0xb8;
	[tilespmem:$0x10700] =	vst v63  }
0x54: {  	_ =	swait.ge [sflag:s29], $0x800  }
0x55: {  	[sflag:s29] =	ssyncset.done $0x0  }
0x56: {  	[sflag:s29] =	ssyncadd.s32 $0xFFFFF800  }
0x57: {  	[spmem:s3] =	stream.indirect.scatter.add.f32 [tilespmem:s17], [sflag:$0x8], $0x10, s1, s12, $0xb8;
	[tilespmem:$0x10700] =	vst v63  }
0x58: {  	_ =	swait.ge [sflag:s31], $0x800  }
0x59: {  	[sflag:s31] =	ssyncset.done $0x0  }
0x5a: {  	[sflag:s31] =	ssyncadd.s32 $0xFFFFF800  }
0x5b: {  	[spmem:s3] =	stream.indirect.scatter.add.f32 [tilespmem:s18], [sflag:$0x8], $0x10, s30, s12, $0xb8;
	[tilespmem:$0x10700] =	vst v63  }
0x5c: {  	_ =	swait.ge [sflag:s2], $0x800  }
0x5d: {  	[sflag:s2] =	ssyncset.done $0x0  }
0x5e: {  	[sflag:s2] =	ssyncadd.s32 $0xFFFFF800  }
0x5f: {  	_ =	swait.ge [sflag:s2], $0x800  }
0x60: {  	[sflag:s2] =	ssyncset.done $0x0  }
0x61: {  	[sflag:s2] =	ssyncadd.s32 $0xFFFFF800  }
0x62: {  	_ =	swait.ge [sflag:s2], $0x800  }
0x63: {  	[sflag:s2] =	ssyncset.done $0x0  }
0x64: {  	[sflag:s2] =	ssyncadd.s32 $0xFFFFF800  }
0x65: {  	_ =	swait.ge [sflag:s2], $0x800  }
0x66: {  	[sflag:s2] =	ssyncset.done $0x0  }
0x67: {  	[sflag:s2] =	ssyncadd.s32 $0xFFFFF800  }
0x68: {  	_ =	swait.ge [sflag:s2], $0x800  }
0x69: {  	[sflag:s2] =	ssyncset.done $0x0  }
0x6a: {  	[sflag:s2] =	ssyncadd.s32 $0xFFFFF800  }
0x6b: {  	_ =	swait.ge [sflag:s2], $0x800  }
0x6c: {  	s7 =	simm.s32 $0x70;
	[sflag:s2] =	ssyncset.done $0x0  }
0x6d: {  	s5 =	simm.s32 $0xE0;
	s25 =	simm.s32 $0x480;
	[sflag:s2] =	ssyncadd.s32 $0xFFFFF800  }
0x6e: {  	s28 =	simm.s32 $0x500;
	s1 =	simm.s32 $0x600;
	_ =	swait.ge [sflag:s2], $0x800  }
0x6f: {  	s30 =	simm.s32 $0x580;
	s21 =	rddreg [dreg:$0x5];
	[sflag:s2] =	ssyncset.done $0x0  }
.LBB2_4:
0x70: {  	[sflag:s2] =	ssyncadd.s32 $0xFFFFF800;
	s21 =	sadd.s32 s7, s21  }
0x71: {  	[tilespmem:s4], [sflag:$0x9] =	stream.linear.gather [hbm4b:s21+s4], $0x380, $0x38;
	[tilespmem:$0x10700] =	vst v63  }
0x72: {  	_ =	swait.ge [sflag:s10], $0x380  }
0x73: {  	s21 =	rddreg [dreg:$0x4];
	[sflag:s10] =	ssyncset.done $0x0  }
0x74: {  	[sflag:s10] =	ssyncadd.s32 $0xFFFFFC80;
	s21 =	sadd.s32 s7, s21  }
0x75: {  	[tilespmem:s11], [sflag:$0x9] =	stream.linear.gather [hbm4b:s21+s4], $0x380, $0x38;
	[tilespmem:$0x10700] =	vst v63  }
0x76: {  	_ =	swait.ge [sflag:s10], $0x380  }
0x77: {  	[sflag:s10] =	ssyncset.done $0x0  }
0x78: {  	[sflag:s10] =	ssyncadd.s32 $0xFFFFFC80  }
0x79: {  	[tilespmem:s9], [sflag:$0x1] =	stream.indirect.gather [hbm4b:s0+s12], $0x10, s4, s12, $0xb8;
	[tilespmem:$0x10700] =	vst v63  }
0x7a: {  	_ = 	snop  }
0x7b: {  	[tilespmem:s13], [sflag:$0x2] =	stream.indirect.gather [hbm4b:s0+s12], $0x10, s12, s12, $0xb8;
	[tilespmem:$0x10700] =	vst v63  }
0x7c: {  	s23 =	smov.u32 s5;
	s21 =	rddreg [dreg:$0x6]  }
0x7d: {  	[tilespmem:s14], [sflag:$0x3] =	stream.indirect.gather [hbm4b:s0+s12], $0x10, s21, s12, $0xb8;
	[tilespmem:$0x10700] =	vst v63  }
0x7e: {  	s7 =	smov.u32 s23;
	s23 =	rddreg [dreg:$0x7]  }
0x7f: {  	[tilespmem:s15], [sflag:$0x4] =	stream.indirect.gather [hbm4b:s0+s12], $0x10, s23, s12, $0xb8;
	[tilespmem:$0x10700] =	vst v63  }
0x80: {  	s21 =	rddreg [dreg:$0x8]  }
0x81: {  	[tilespmem:s16], [sflag:$0x5] =	stream.indirect.gather [hbm4b:s0+s12], $0x10, s21, s12, $0xb8;
	[tilespmem:$0x10700] =	vst v63  }
0x82: {  	s23 =	rddreg [dreg:$0x9]  }
0x83: {  	[tilespmem:s17], [sflag:$0x6] =	stream.indirect.gather [hbm4b:s0+s12], $0x10, s23, s12, $0xb8;
	[tilespmem:$0x10700] =	vst v63  }
0x84: {  	s21 =	rddreg [dreg:$0xa]  }
0x85: {  	[tilespmem:s18], [sflag:$0x7] =	stream.indirect.gather [hbm4b:s0+s12], $0x10, s21, s12, $0xb8;
	[tilespmem:$0x10700] =	vst v63  }
0x86: {  	_ =	swait.ge [sflag:s19], $0x800  }
0x87: {  	[sflag:s19] =	ssyncset.done $0x0  }
0x88: {  	[sflag:s19] =	ssyncadd.s32 $0xFFFFF800  }
0x89: {  	[spmem:s3] =	stream.indirect.scatter.add.f32 [tilespmem:s9], [sflag:$0x8], $0x10, s11, s12, $0xb8;
	[tilespmem:$0x10700] =	vst v63  }
0x8a: {  	_ =	swait.ge [sflag:s20], $0x800  }
0x8b: {  	[sflag:s20] =	ssyncset.done $0x0  }
0x8c: {  	s23 =	simm.s32 $0x400;
	[sflag:s20] =	ssyncadd.s32 $0xFFFFF800  }
0x8d: {  	[spmem:s3] =	stream.indirect.scatter.add.f32 [tilespmem:s13], [sflag:$0x8], $0x10, s23, s12, $0xb8;
	[tilespmem:$0x10700] =	vst v63  }
0x8e: {  	_ =	swait.ge [sflag:s22], $0x800  }
0x8f: {  	[sflag:s22] =	ssyncset.done $0x0  }
0x90: {  	[sflag:s22] =	ssyncadd.s32 $0xFFFFF800  }
0x91: {  	[spmem:s3] =	stream.indirect.scatter.add.f32 [tilespmem:s14], [sflag:$0x8], $0x10, s25, s12, $0xb8;
	[tilespmem:$0x10700] =	vst v63  }
0x92: {  	_ =	swait.ge [sflag:s24], $0x800  }
0x93: {  	[sflag:s24] =	ssyncset.done $0x0  }
0x94: {  	[sflag:s24] =	ssyncadd.s32 $0xFFFFF800  }
0x95: {  	[spmem:s3] =	stream.indirect.scatter.add.f32 [tilespmem:s15], [sflag:$0x8], $0x10, s28, s12, $0xb8;
	[tilespmem:$0x10700] =	vst v63  }
0x96: {  	_ =	swait.ge [sflag:s26], $0x800  }
0x97: {  	[sflag:s26] =	ssyncset.done $0x0  }
0x98: {  	[sflag:s26] =	ssyncadd.s32 $0xFFFFF800  }
0x99: {  	[spmem:s3] =	stream.indirect.scatter.add.f32 [tilespmem:s16], [sflag:$0x8], $0x10, s30, s12, $0xb8;
	[tilespmem:$0x10700] =	vst v63  }
0x9a: {  	_ =	swait.ge [sflag:s29], $0x800  }
0x9b: {  	[sflag:s29] =	ssyncset.done $0x0  }
0x9c: {  	[sflag:s29] =	ssyncadd.s32 $0xFFFFF800  }
0x9d: {  	[spmem:s3] =	stream.indirect.scatter.add.f32 [tilespmem:s17], [sflag:$0x8], $0x10, s1, s12, $0xb8;
	[tilespmem:$0x10700] =	vst v63  }
0x9e: {  	_ =	swait.ge [sflag:s31], $0x800  }
0x9f: {  	[sflag:s31] =	ssyncset.done $0x0  }
0xa0: {  	s21 =	simm.s32 $0x680;
	[sflag:s31] =	ssyncadd.s32 $0xFFFFF800  }
0xa1: {  	[spmem:s3] =	stream.indirect.scatter.add.f32 [tilespmem:s18], [sflag:$0x8], $0x10, s21, s12, $0xb8;
	[tilespmem:$0x10700] =	vst v63  }
0xa2: {  	_ =	swait.ge [sflag:s2], $0x800  }
0xa3: {  	[sflag:s2] =	ssyncset.done $0x0  }
0xa4: {  	[sflag:s2] =	ssyncadd.s32 $0xFFFFF800  }
0xa5: {  	_ =	swait.ge [sflag:s2], $0x800  }
0xa6: {  	[sflag:s2] =	ssyncset.done $0x0  }
0xa7: {  	[sflag:s2] =	ssyncadd.s32 $0xFFFFF800  }
0xa8: {  	_ =	swait.ge [sflag:s2], $0x800  }
0xa9: {  	[sflag:s2] =	ssyncset.done $0x0  }
0xaa: {  	[sflag:s2] =	ssyncadd.s32 $0xFFFFF800  }
0xab: {  	_ =	swait.ge [sflag:s2], $0x800  }
0xac: {  	[sflag:s2] =	ssyncset.done $0x0  }
0xad: {  	[sflag:s2] =	ssyncadd.s32 $0xFFFFF800  }
0xae: {  	_ =	swait.ge [sflag:s2], $0x800  }
0xaf: {  	[sflag:s2] =	ssyncset.done $0x0  }
0xb0: {  	p0 =	sne.s32 s5, $0xBD0;
	[sflag:s2] =	ssyncadd.s32 $0xFFFFF800  }
.Ltmp1:
0xb1: {  	_ =	swait.ge [sflag:s2], $0x800;
	(pc) =	sbr.rel @p0 .LBB2_4-.Ltmp1, $4  }
0xb2: {  	[sflag:s2] =	ssyncset.done $0x0  }
0xb3: {  	[sflag:s2] =	ssyncadd.s32 $0xFFFFF800  }
0xb4: {  	_ =	swait.ge [sflag:s2], $0x800  }
0xb5: {  	s5 =	sadd.s32 $0x70, s5;
	s21 =	rddreg [dreg:$0x5];
	[sflag:s2] =	ssyncset.done $0x0  }
0xb6: {  	[sflag:s2] =	ssyncadd.s32 $0xFFFFF800;
	s5 =	sadd.s32 s7, s21  }
0xb7: {  	[tilespmem:s4], [sflag:$0x9] =	stream.linear.gather [hbm4b:s5+s4], $0x380, $0x38;
	[tilespmem:$0x10700] =	vst v63  }
0xb8: {  	_ =	swait.ge [sflag:s10], $0x380  }
0xb9: {  	s21 =	rddreg [dreg:$0x4];
	[sflag:s10] =	ssyncset.done $0x0  }
0xba: {  	[sflag:s10] =	ssyncadd.s32 $0xFFFFFC80;
	s5 =	sadd.s32 s7, s21  }
0xbb: {  	[tilespmem:s11], [sflag:$0x9] =	stream.linear.gather [hbm4b:s5+s4], $0x380, $0x38;
	[tilespmem:$0x10700] =	vst v63  }
0xbc: {  	_ =	swait.ge [sflag:s10], $0x380  }
0xbd: {  	[sflag:s10] =	ssyncset.done $0x0  }
0xbe: {  	[sflag:s10] =	ssyncadd.s32 $0xFFFFFC80  }
0xbf: {  	[tilespmem:s9], [sflag:$0x1] =	stream.indirect.gather [hbm4b:s0+s12], $0x10, s4, s12, $0xb8;
	[tilespmem:$0x10700] =	vst v63  }
0xc0: {  	_ = 	snop  }
0xc1: {  	[tilespmem:s13], [sflag:$0x2] =	stream.indirect.gather [hbm4b:s0+s12], $0x10, s12, s12, $0xb8;
	[tilespmem:$0x10700] =	vst v63  }
0xc2: {  	s21 =	rddreg [dreg:$0x6]  }
0xc3: {  	[tilespmem:s14], [sflag:$0x3] =	stream.indirect.gather [hbm4b:s0+s12], $0x10, s21, s12, $0xb8;
	[tilespmem:$0x10700] =	vst v63  }
0xc4: {  	s7 =	rddreg [dreg:$0x7]  }
0xc5: {  	[tilespmem:s15], [sflag:$0x4] =	stream.indirect.gather [hbm4b:s0+s12], $0x10, s7, s12, $0xb8;
	[tilespmem:$0x10700] =	vst v63  }
0xc6: {  	s21 =	rddreg [dreg:$0x8]  }
0xc7: {  	[tilespmem:s16], [sflag:$0x5] =	stream.indirect.gather [hbm4b:s0+s12], $0x10, s21, s12, $0xb8;
	[tilespmem:$0x10700] =	vst v63  }
0xc8: {  	s7 =	rddreg [dreg:$0x9]  }
0xc9: {  	[tilespmem:s17], [sflag:$0x6] =	stream.indirect.gather [hbm4b:s0+s12], $0x10, s7, s12, $0xb8;
	[tilespmem:$0x10700] =	vst v63  }
0xca: {  	s21 =	rddreg [dreg:$0xa]  }
0xcb: {  	[tilespmem:s18], [sflag:$0x7] =	stream.indirect.gather [hbm4b:s0+s12], $0x10, s21, s12, $0xb8;
	[tilespmem:$0x10700] =	vst v63  }
0xcc: {  	_ =	swait.ge [sflag:s19], $0x800  }
0xcd: {  	[sflag:s19] =	ssyncset.done $0x0  }
0xce: {  	[sflag:s19] =	ssyncadd.s32 $0xFFFFF800  }
0xcf: {  	[spmem:s3] =	stream.indirect.scatter.add.f32 [tilespmem:s9], [sflag:$0x8], $0x10, s11, s12, $0xb8;
	[tilespmem:$0x10700] =	vst v63  }
0xd0: {  	_ =	swait.ge [sflag:s20], $0x800  }
0xd1: {  	[sflag:s20] =	ssyncset.done $0x0  }
0xd2: {  	[sflag:s20] =	ssyncadd.s32 $0xFFFFF800  }
0xd3: {  	[spmem:s3] =	stream.indirect.scatter.add.f32 [tilespmem:s13], [sflag:$0x8], $0x10, s23, s12, $0xb8;
	[tilespmem:$0x10700] =	vst v63  }
0xd4: {  	_ =	swait.ge [sflag:s22], $0x800  }
0xd5: {  	[sflag:s22] =	ssyncset.done $0x0  }
0xd6: {  	[sflag:s22] =	ssyncadd.s32 $0xFFFFF800  }
0xd7: {  	[spmem:s3] =	stream.indirect.scatter.add.f32 [tilespmem:s14], [sflag:$0x8], $0x10, s25, s12, $0xb8;
	[tilespmem:$0x10700] =	vst v63  }
0xd8: {  	_ =	swait.ge [sflag:s24], $0x800  }
0xd9: {  	[sflag:s24] =	ssyncset.done $0x0  }
0xda: {  	[sflag:s24] =	ssyncadd.s32 $0xFFFFF800  }
0xdb: {  	[spmem:s3] =	stream.indirect.scatter.add.f32 [tilespmem:s15], [sflag:$0x8], $0x10, s28, s12, $0xb8;
	[tilespmem:$0x10700] =	vst v63  }
0xdc: {  	_ =	swait.ge [sflag:s26], $0x800  }
0xdd: {  	[sflag:s26] =	ssyncset.done $0x0  }
0xde: {  	[sflag:s26] =	ssyncadd.s32 $0xFFFFF800  }
0xdf: {  	[spmem:s3] =	stream.indirect.scatter.add.f32 [tilespmem:s16], [sflag:$0x8], $0x10, s30, s12, $0xb8;
	[tilespmem:$0x10700] =	vst v63  }
0xe0: {  	_ =	swait.ge [sflag:s29], $0x800  }
0xe1: {  	[sflag:s29] =	ssyncset.done $0x0  }
0xe2: {  	[sflag:s29] =	ssyncadd.s32 $0xFFFFF800  }
0xe3: {  	[spmem:s3] =	stream.indirect.scatter.add.f32 [tilespmem:s17], [sflag:$0x8], $0x10, s1, s12, $0xb8;
	[tilespmem:$0x10700] =	vst v63  }
0xe4: {  	_ =	swait.ge [sflag:s31], $0x800  }
0xe5: {  	[sflag:s31] =	ssyncset.done $0x0  }
0xe6: {  	s21 =	simm.s32 $0x680;
	[sflag:s31] =	ssyncadd.s32 $0xFFFFF800  }
0xe7: {  	[spmem:s3] =	stream.indirect.scatter.add.f32 [tilespmem:s18], [sflag:$0x8], $0x10, s21, s12, $0xb8;
	[tilespmem:$0x10700] =	vst v63  }
0xe8: {  	_ =	swait.ge [sflag:s2], $0x800  }
0xe9: {  	[sflag:s2] =	ssyncset.done $0x0  }
0xea: {  	[sflag:s2] =	ssyncadd.s32 $0xFFFFF800  }
0xeb: {  	_ =	swait.ge [sflag:s2], $0x800  }
0xec: {  	[sflag:s2] =	ssyncset.done $0x0  }
0xed: {  	[sflag:s2] =	ssyncadd.s32 $0xFFFFF800  }
0xee: {  	_ =	swait.ge [sflag:s2], $0x800  }
0xef: {  	[sflag:s2] =	ssyncset.done $0x0  }
0xf0: {  	[sflag:s2] =	ssyncadd.s32 $0xFFFFF800  }
0xf1: {  	_ =	swait.ge [sflag:s2], $0x800  }
0xf2: {  	[sflag:s2] =	ssyncset.done $0x0  }
0xf3: {  	[sflag:s2] =	ssyncadd.s32 $0xFFFFF800  }
0xf4: {  	_ =	swait.ge [sflag:s2], $0x800  }
0xf5: {  	[sflag:s2] =	ssyncset.done $0x0  }
0xf6: {  	[sflag:s2] =	ssyncadd.s32 $0xFFFFF800  }
0xf7: {  	_ =	swait.ge [sflag:s2], $0x800  }
0xf8: {  	[sflag:s2] =	ssyncset.done $0x0  }
0xf9: {  	[sflag:s2] =	ssyncadd.s32 $0xFFFFF800  }
0xfa: {  	_ =	swait.ge [sflag:s2], $0x800  }
0xfb: {  	[sflag:s2] =	ssyncset.done $0x0  }
0xfc: {  	[sflag:s2] =	ssyncadd.s32 $0xFFFFF800  }
0xfd: {  	[bflag:$0x0] =	sbarrier.arrive $0xFFFF  }
0xfe: {  	[tilespmem:s9], [sflag:$0x9] =	stream.linear.gather [spmem:s6], $0x800, $0x38;
	[tilespmem:$0x10700] =	vst v63  }
0xff: {  	_ =	swait.ge [sflag:s10], $0x800  }
0x100: {  	s5 =	simm.s32 $0x100;
	[sflag:s10] =	ssyncset.done $0x0  }
0x101: {  	s7 =	smov.u32 s6;
	s25 =	sadd.s32 $0x0, s8;
	[sflag:s10] =	ssyncadd.s32 $0xFFFFF800  }
0x102: {  	[hbm4b:s25+s4] =	stream.linear.scatter [tilespmem:s9], [sflag:$0x9], $0x800, $0x38;
	[tilespmem:$0x10700] =	vst v63  }
0x103: {  	s28 =	simm.s32 $0x580;
	s30 =	simm.s32 $0x680;
	_ =	swait.ge [sflag:s10], $0x800  }
0x104: {  	s1 =	simm.s32 $0x600;
	s25 =	simm.s32 $0x500;
	[sflag:s10] =	ssyncset.done $0x0  }
.LBB2_6:
0x105: {  	p0 =	sne.s32 s5, $0x1800;
	[sflag:s10] =	ssyncadd.s32 $0xFFFFF800;
	s7 =	sadd.s32 $0x800, s7  }
0x106: {  	[tilespmem:s9], [sflag:$0x9] =	stream.linear.gather [spmem:s7], $0x800, $0x38;
	[tilespmem:$0x10700] =	vst v63  }
0x107: {  	s21 =	smov.u32 s5;
	s5 =	sadd.s32 $0x100, s5;
	_ =	swait.ge [sflag:s10], $0x800  }
.Ltmp2:
0x108: {  	[sflag:s10] =	ssyncset.done $0x0;
	(pc) =	sbr.rel @p0 .LBB2_6-.Ltmp2, $4  }
0x109: {  	s21 =	sadd.s32 s21, s8;
	[sflag:s10] =	ssyncadd.s32 $0xFFFFF800  }
0x10a: {  	[hbm4b:s21+s4] =	stream.linear.scatter [tilespmem:s9], [sflag:$0x9], $0x800, $0x38;
	[tilespmem:$0x10700] =	vst v63  }
0x10b: {  	_ =	swait.ge [sflag:s10], $0x800  }
0x10c: {  	[sflag:s10] =	ssyncset.done $0x0  }
0x10d: {  	s7 =	rddreg [dreg:$0xd]  }
0x10e: {  	s5 =	rddreg [dreg:$0xc];
	s7 =	sadd.s32 $0x1, s7  }
0x10f: {  	p0 =	sne.s32 s7, s5  }
.Ltmp3:
0x110: {  	_ = 	snop;
	(pc) =	sbr.rel @p0 .LBB2_1-.Ltmp3, $2  }
0x111: {  	_ =	sdelay $0x2  }
0x112: {  	[sflag:s10] =	ssyncadd.s32 $0xFFFFF800;
	s21 =	simm.s32 $0x480  }
0x113: {  	_ =	sfence.sel $0x180000  }
0x114: {  	[bflag:$0x0] =	sbarrier.arrive $0xFFFF  }
0x115: {  	_ =	strace $0x9000004A  }
0x116: {  	s0 =	stileid.u32;
	[bflag:$0x2] =	sbarrier.arrive $0xFFFF  }
0x117: {  	p0 =	sne.s32 s0, $0x0;
	s0 =	rddreg [dreg:$0x3]  }
0x118: {  	s0 =	sadd.s32 @!p0 $0x100000, s0  }
0x119: {  	[sflag:s0] =	ssyncadd.tile.s32 @!p0 $0x1;
	_ =	shalt  }
.Lfunc_end2:
_tile_overlayer_lowered:
.L_overlay_start_2:
0x11a: {  	(tag) =	ssettag $0x2  }
0x11b: {  	s0 =	rddreg [dreg:$0x0];
	s2 =	stileid.u32  }
0x11c: {  	s1 =	rddreg [dreg:$0x1];
	p0 =	sne.s32 s2, $0x0  }
0x11d: {  	s3 =	rddreg [dreg:$0x2];
	[bflag:$0x3] =	sbarrier.arrive $0xFFFF;
	s2 =	simm.s32 @!p0 $0x1C09  }
0x11e: {  	[timem:s3], [sflag:s2] =	dma.local @!p0 [hbm:s0], s1  }
0x11f: {  	s0 =	simm.s32 @!p0 $0x9  }
0x120: {  	_ =	swait.ge @!p0 [sflag:s0], s1  }
0x121: {  	s1 =	ssub.s32 @!p0 $0x0, s1;
	[sflag:s0] =	ssyncset.done @!p0 $0x0  }
0x122: {  	[sflag:s0] =	ssyncadd.s32 @!p0 s1  }
0x123: {  	[bflag:$0x3] =	sbarrier.arrive $0xFFFF  }
0x124: {  	_ =	shalt  }

// kernel: kernel.7.cloned.1.call-start
scs
__scs_entry_jumppad:
0x0: {  	(pc) =	sbr.rel $0x88, $3  }
0x1: {  	(tag) =	ssettag $0x0;
	lr =	simm.s32 $0x1  }
0x2: {  	[smem:$0x3F99] =	sst lr;
	_ =	strace $0xD0000000  }
0x3: {  	_ = 	snop  }
0x4: {  	_ = 	snop  }
0x5: {  	_ = 	snop  }
0x6: {  	_ = 	snop  }
0x7: {  	_ = 	snop  }
__scs_overlays_trampoline_lowered:
0x8: {  	[smem:$0x3FA8] =	sst s0  }
0x9: {  	[smem:$0x3FA9] =	sst s1  }
0xa: {  	[smem:$0x3FAA] =	sst s2  }
0xb: {  	[smem:$0x3FAB] =	sst s3  }
0xc: {  	[smem:$0x3FAC] =	sst s4  }
0xd: {  	[smem:$0x3FAD] =	sst s5  }
0xe: {  	[smem:$0x3FAE] =	sst s6  }
0xf: {  	[smem:$0x3FAF] =	sst s7  }
0x10: {  	[smem:$0x3FB0] =	sst s8  }
0x11: {  	[smem:$0x3FB1] =	sst s9;
	s0 =	simm.s32 @!p0 $0x0  }
0x12: {  	s1 =	sld [smem:$0x3F97];
	s0 =	simm.s32 @p0 $0x1  }
0x13: {  	[smem:$0x3FB2] =	sst s0;
	s0 =	simm.s32 @!p1 $0x0  }
0x14: {  	s2 =	sld [smem:$0x3F96];
	s0 =	simm.s32 @p1 $0x1  }
0x15: {  	[smem:$0x3FB3] =	sst s0;
	s0 =	simm.s32 @!p2 $0x0  }
0x16: {  	s3 =	sld [smem:$0x3FDB];
	s0 =	simm.s32 @p2 $0x1  }
0x17: {  	s4 =	simm.s32 $0x1BF5;
	[smem:$0x3FB5] =	sst s0  }
0x18: {  	s0 =	sld [smem:$0x3F98];
	_ =	swait.ge [sflag:s4], $0x0  }
0x19: {  	s7 =	sld [smem:$0x3F99]  }
0x1a: {  	s8 =	sadd.s32 $0xFFFFE003, lr  }
0x1b: {  	s9 =	sadd.s32 $0xFFFFFEF7, lr;
	s5 =	simm.s32 $0xFFFFFFFF;
	p2 =	slt.u32 s8, $0xFFFFF086  }
0x1c: {  	p1 =	slt.u32 s9, $0xF7A;
	s5 =	simm.s32 @!p2 $0x0  }
0x1d: {  	s5 =	simm.s32 @p1 $0x1;
	p0 =	seq.s32 s7, s2  }
0x1e: {  	s7 =	smul.u32 @!p0 $0xF7A, s2;
	p2 =	seq.s32 @!p0 s5, $0x0  }
0x1f: {  	s9 =	smul.u32 $0xF7A, s1;
	s8 =	simm.s32 @!p0 $0x1BF5;
	p2 =	por !p2, p0  }
0x20: {  	[sflag:s8] =	ssyncset.s32 @!p0 $0xFFFFF086;
	s6 =	sadd.s32 @!p0 s3, s7;
	s7 =	simm.s32 @!p0 $0x108  }
0x21: {  	s3 =	sadd.s32 s3, s9;
	s6 =	sadd.s32 @!p0 $0x88, s6;
	s7 =	simm.s32 @p2 $0x1082  }
0x22: {  	[simem:s7], [sflag:s8] =	dma.local @!p0 [hbm:s6], $0xF7A  }
0x23: {  	s9 =	sor.u32 $0xD0000000, s2;
	s6 =	simm.s32 $0x108;
	_ =	swait.ge @!p0 [sflag:s8], $0x0  }
0x24: {  	s3 =	sadd.s32 $0x88, s3;
	s6 =	simm.s32 @!p1 $0x1082;
	[sflag:s4] =	ssyncset.s32 $0xFFFFF086  }
0x25: {  	[simem:s6], [sflag:s4] =	dma.local [hbm:s3], $0xF7A  }
0x26: {  	[smem:$0x3F99] =	sst s1;
	(tag) =	ssettag s2;
	_ =	strace s9  }
0x27: {  	s1 =	sld [smem:$0x3FA9]  }
0x28: {  	s2 =	sld [smem:$0x3FAA]  }
0x29: {  	s4 =	sld [smem:$0x3FAC]  }
0x2a: {  	p0 =	seq.s32 s5, $0x0;
	s5 =	sld [smem:$0x3FAD]  }
0x2b: {  	s6 =	sld [smem:$0x3FAE]  }
0x2c: {  	s7 =	sld [smem:$0x3FAF]  }
0x2d: {  	s3 =	simm.s32 $0x108;
	s8 =	sld [smem:$0x3FB0]  }
0x2e: {  	s3 =	simm.s32 @!p0 $0x1082;
	s9 =	sld [smem:$0x3FB1]  }
0x2f: {  	lr =	sadd.s32 s0, s3;
	s0 =	sld [smem:$0x3FA8]  }
0x30: {  	s3 =	sld [smem:$0x3FAB]  }
0x31: {  	[smem:$0x3FB4] =	sst s10  }
0x32: {  	s10 =	sld [smem:$0x3FB2];
	_ =	sdelay $0x3  }
0x33: {  	p0 =	seq.s32 s10, $0x1;
	s10 =	sld [smem:$0x3FB4];
	_ =	sdelay $0x3  }
0x34: {  	[smem:$0x3FB4] =	sst s10  }
0x35: {  	s10 =	sld [smem:$0x3FB3];
	_ =	sdelay $0x3  }
0x36: {  	p1 =	seq.s32 s10, $0x1;
	s10 =	sld [smem:$0x3FB4];
	_ =	sdelay $0x3  }
0x37: {  	[smem:$0x3FB4] =	sst s10  }
0x38: {  	s10 =	sld [smem:$0x3FB5]  }
0x39: {  	_ = 	snop;
	(pc) =	sbr.ind lr, $3  }
0x3a: {  	_ = 	snop  }
0x3b: {  	_ = 	snop  }
0x3c: {  	p2 =	seq.s32 s10, $0x1;
	s10 =	sld [smem:$0x3FB4]  }
0x3d: {  	_ =	shalt  }
0x3e: {  	_ =	shalt  }
0x3f: {  	_ =	shalt  }
0x40: {  	_ =	shalt  }
0x41: {  	_ =	shalt  }
0x42: {  	_ =	shalt  }
0x43: {  	_ =	shalt  }
0x44: {  	_ =	shalt  }
0x45: {  	_ =	shalt  }
0x46: {  	_ =	shalt  }
0x47: {  	_ =	shalt  }
0x48: {  	_ =	shalt  }
0x49: {  	_ =	shalt  }
0x4a: {  	_ =	shalt  }
0x4b: {  	_ =	shalt  }
0x4c: {  	_ =	shalt  }
0x4d: {  	_ =	shalt  }
0x4e: {  	_ =	shalt  }
0x4f: {  	_ =	shalt  }
0x50: {  	_ =	shalt  }
0x51: {  	_ =	shalt  }
0x52: {  	_ =	shalt  }
0x53: {  	_ =	shalt  }
0x54: {  	_ =	shalt  }
0x55: {  	_ =	shalt  }
0x56: {  	_ =	shalt  }
0x57: {  	_ =	shalt  }
0x58: {  	_ =	shalt  }
0x59: {  	_ =	shalt  }
0x5a: {  	_ =	shalt  }
0x5b: {  	_ =	shalt  }
0x5c: {  	_ =	shalt  }
0x5d: {  	_ =	shalt  }
0x5e: {  	_ =	shalt  }
0x5f: {  	_ =	shalt  }
0x60: {  	_ =	shalt  }
0x61: {  	_ =	shalt  }
0x62: {  	_ =	shalt  }
0x63: {  	_ =	shalt  }
0x64: {  	_ =	shalt  }
0x65: {  	_ =	shalt  }
0x66: {  	_ =	shalt  }
0x67: {  	_ =	shalt  }
0x68: {  	_ =	shalt  }
0x69: {  	_ =	shalt  }
0x6a: {  	_ =	shalt  }
0x6b: {  	_ =	shalt  }
0x6c: {  	_ =	shalt  }
0x6d: {  	_ =	shalt  }
0x6e: {  	_ =	shalt  }
0x6f: {  	_ =	shalt  }
0x70: {  	_ =	shalt  }
0x71: {  	_ =	shalt  }
0x72: {  	_ =	shalt  }
0x73: {  	_ =	shalt  }
0x74: {  	_ =	shalt  }
0x75: {  	_ =	shalt  }
0x76: {  	_ =	shalt  }
0x77: {  	_ =	shalt  }
0x78: {  	_ =	shalt  }
0x79: {  	_ =	shalt  }
0x7a: {  	_ =	shalt  }
0x7b: {  	_ =	shalt  }
0x7c: {  	_ =	shalt  }
0x7d: {  	_ =	shalt  }
0x7e: {  	_ =	shalt  }
0x7f: {  	_ =	shalt  }
0x80: {  	_ =	shalt  }
0x81: {  	_ =	shalt  }
0x82: {  	_ =	shalt  }
0x83: {  	_ =	shalt  }
0x84: {  	_ =	shalt  }
0x85: {  	_ =	shalt  }
0x86: {  	_ =	shalt  }
0x87: {  	_ =	shalt  }
.Lfunc_end0:
.L_simem_size_0:
called_computation_lowered:
.L_overlay_start_0:
0x88: {  	s2 =	sld [smem:$0x3FD9]  }
0x89: {  	s3 =	sld [smem:$0x3FFE];
	_ =	sdelay $0x1  }
0x8a: {  	s1 =	srdreg.scid  }
0x8b: {  	s0 =	sand.u32 $0x1, s1  }
0x8c: {  	s17 =	sshll.u32 s0, $0xA;
	s2 =	sadd.s32 s3, s2  }
0x8d: {  	s2 =	sadd.s32 s2, s17  }
0x8e: {  	[smem:$0x3FC0] =	sst s2  }
0x8f: {  	_ = 	snop  }
0x90: {  	s2 =	sld [smem:$0x3FD0];
	(tm) =	ssettm $0x1  }
0x91: {  	s18 =	sld [smem:$0x3FFB];
	_ =	sdelay $0x3  }
0x92: {  	_ =	strace s18  }
0x93: {  	s3 =	sld [smem:$0x3FFC];
	_ =	sdelay $0x3  }
0x94: {  	_ =	strace s3  }
0x95: {  	s3 =	sld [smem:$0x3FFD];
	_ =	sdelay $0x3  }
0x96: {  	_ =	strace s3  }
0x97: {  	_ =	strace $0x8FFFFFFF  }
0x98: {  	s19 =	sld [smem:$0x3FDB];
	_ =	sdelay $0x1  }
0x99: {  	s4 =	simm.s32 $_scs_section_size  }
0x9a: {  	s5 =	simm.s32 $_size__tile_overlayer_lowered;
	s6 =	simm.s32 $_tile_overlayer_lowered  }
0x9b: {  	s22 =	simm.s32 $0x1BFF;
	s21 =	sshll.u32 s6, $0x1;
	s3 =	sadd.s32 s4, s19  }
0x9c: {  	s7 =	simm.s32 $0x0;
	s20 =	sshll.u32 s5, $0x1;
	s5 =	sadd.s32 s21, s3  }
0x9d: {  	[timem:s7], [sflag:s22] =	dma.local [hbm:s5], s20  }
0x9e: {  	_ =	swait.ge [sflag:s22], s20  }
0x9f: {  	s4 =	ssub.s32 $0x0, s20;
	[sflag:s22] =	ssyncset.done $0x0  }
0xa0: {  	[sflag:s22] =	ssyncadd.s32 s4;
	_ =	sdelay $0x1  }
0xa1: {  	s23 =	simm.s32 $0x1B8B  }
0xa2: {  	_ =	swait.ge [sflag:s23], $0x1  }
0xa3: {  	[sflag:s23] =	ssyncset.done $0x0  }
0xa4: {  	s25 =	simm.s32 $0x1B8E;
	s24 =	sld [smem:$0x3FFE];
	[sflag:s23] =	ssyncadd.s32 $0xFFFFFFFF  }
0xa5: {  	s26 =	simm.s32 $execute0_lowered;
	[smem:$0x3FD2] =	sst s25  }
0xa6: {  	s5 =	sshll.u32 s26, $0x1;
	_ =	strace $0x80000046;
	[dreg:$0x1] =	wrdreg $0xFFFFFFFF  }
0xa7: {  	s28 =	simm.s32 $_size_execute0_lowered;
	s3 =	sadd.s32 s3, s5;
	[dreg:$0x0] =	wrdreg $0x0  }
0xa8: {  	s5 =	sshll.u32 s28, $0x1;
	[dreg:$0x2] =	wrdreg s3  }
0xa9: {  	[dreg:$0x3] =	wrdreg s5  }
0xaa: {  	[dreg:$0x4] =	wrdreg $0xC0  }
0xab: {  	_ =	task [dreg:s7], $0x5FFFF  }
0xac: {  	[dreg:$0x1] =	wrdreg $0xFFFFFFFF  }
0xad: {  	[dreg:$0x0] =	wrdreg $0x60  }
0xae: {  	[dreg:$0x2] =	wrdreg s24  }
0xaf: {  	[dreg:$0x3] =	wrdreg s2  }
0xb0: {  	[dreg:$0x4] =	wrdreg $0x44000  }
0xb1: {  	[dreg:$0x5] =	wrdreg $0x1D5000  }
0xb2: {  	[dreg:$0x6] =	wrdreg $0x9  }
0xb3: {  	_ =	task.clear_ibuf [dreg:s7], $0x7FFFF;
	_ =	strace $0x90000046  }
0xb4: {  	s29 =	simm.s32 $0x9;
	_ =	strace $0x80000048  }
0xb5: {  	_ =	swait.ge [sflag:s29], $0x1  }
0xb6: {  	[sflag:s29] =	ssyncadd.s32 $0xFFFFFFFF  }
0xb7: {  	_ =	strace $0x90000048  }
0xb8: {  	_ =	sfence  }
0xb9: {  	s30 =	sld [smem:$0x0];
	_ =	sdelay $0x2  }
0xba: {  	s31 =	sshll.u32 s1, $0xD;
	s1 =	sshrl.u32 s1, $0x2  }
0xbb: {  	s3 =	sand.u32 $0x4000, s31;
	s1 =	sadd.s32 s1, s30  }
0xbc: {  	s0 =	sor.u32 s3, s0;
	s1 =	sshll.u32 s1, $0x11  }
0xbd: {  	s0 =	sor.u32 s1, s0  }
0xbe: {  	s0 =	sadd.s32 $0x8F2B, s0  }
0xbf: {  	[sflag:s0] =	ssyncadd.remote.s32 $0x1  }
0xc0: {  	_ =	sfence.sel $0xFFFF  }
0xc1: {  	[dreg:$0x0] =	wrdreg $0xFFFFFFFF;
	(pc) =	sbr.abs _section_cstart, $3  }
0xc2: {  	[dreg:$0x1] =	wrdreg $0xFFFFFFFF  }
0xc3: {  	_ =	task.clear_ibuf [dreg:s7], $0x2FFFF;
	_ =	strace $0x9FFFFFFF  }
0xc4: {  	(tm) =	ssettm $0x7FFFFFFF  }
0xc5: {  	_ =	shalt  }
tec
execute0_lowered:
.L_overlay_start_1:
0x0: {  	(tag) =	ssettag $0x1  }
0x1: {  	s0 =	rddreg [dreg:$0x0]  }
0x2: {  	s1 =	rddreg [dreg:$0x1]  }
0x3: {  	s2 =	rddreg [dreg:$0x2]  }
0x4: {  	s4 =	srdreg.scid;
	s3 =	rddreg [dreg:$0x3]  }
0x5: {  	s13 =	stileid.u32;
	s16 =	simm.s32 $0x400;
	s17 =	simm.s32 $0x6  }
0x6: {  	s28 =	simm.s32 $0x1;
	s29 =	simm.s32 $0x2;
	s7 =	smul.u32 $0x6200, s13  }
0x7: {  	s30 =	simm.s32 $0x280;
	s31 =	simm.s32 $0x3;
	s9 =	smul.u32 $0x19000, s13  }
0x8: {  	s6 =	sand.u32 $0x1, s4;
	s4 =	simm.s32 $0x0;
	s18 =	smul.u32 $0xC80, s13  }
0x9: {  	s10 =	sadd.s32 $0x63800, s0;
	s11 =	sadd.s32 $0x63400, s0;
	s12 =	smul.u32 $0x3200, s13  }
0xa: {  	s21 =	smul.u32 $0x64000, s13;
	s22 =	sadd.s32 $0x63600, s0;
	[smem:$0x7FF] =	sst s4  }
0xb: {  	s5 =	smul.u32 $0x62000, s6;
	_ =	strace $0x80000047;
	[dreg:$0x5] =	wrdreg s10  }
0xc: {  	s8 =	smul.u32 $0x190000, s6;
	s19 =	ssub.s32 $0x2, s6;
	[dreg:$0x6] =	wrdreg s11  }
0xd: {  	s6 =	smul.u32 $0xC800, s6;
	s20 =	sshrl.u32 s19, $0x1;
	[dreg:$0x7] =	wrdreg s22  }
0xe: {  	s24 =	sshrl.u32 s12, $0x2;
	s25 =	sshrl.u32 s21, $0x2;
	s21 =	simm.s32 $0x80  }
0xf: {  	s22 =	simm.s32 $0x1400;
	s7 =	sadd.s32 s7, s5;
	s5 =	sadd.s32 $0x1600, s0  }
0x10: {  	s8 =	sadd.s32 s9, s8;
	s9 =	ssub.s32 s19, s20;
	s6 =	sadd.s32 s18, s6  }
0x11: {  	s10 =	sadd.s32 s24, s3;
	s26 =	sadd.s32 s25, s2;
	s18 =	simm.s32 $0x1D400  }
0x12: {  	s19 =	simm.s32 $0x1D480;
	s20 =	simm.s32 $0x200;
	s24 =	simm.s32 $0x2400  }
0x13: {  	s25 =	simm.s32 $0x180;
	s7 =	sshrl.u32 s7, $0x3;
	s8 =	sshrl.u32 s8, $0x3  }
0x14: {  	s23 =	smax.u32 s9, $0x1;
	[dreg:$0x9] =	wrdreg s26;
	s6 =	sshrl.u32 s6, $0x3  }
0x15: {  	s26 =	simm.s32 $0x3400;
	s9 =	simm.s32 $0x0;
	s7 =	sadd.s32 s7, s0  }
0x16: {  	s0 =	sadd.s32 s8, s0;
	[dreg:$0x8] =	wrdreg s23;
	s1 =	sadd.s32 s6, s1  }
0x17: {  	s23 =	simm.s32 $0x100;
	s6 =	simm.s32 $0x380;
	s12 =	sadd.s32 $0x32400, s7  }
0x18: {  	s13 =	sadd.s32 $0x4AC00, s7;
	[dreg:$0xa] =	wrdreg s1;
	s15 =	sadd.s32 $0x63A00, s0  }
0x19: {  	s0 =	simm.s32 $0x300;
	s1 =	simm.s32 $0x4;
	s7 =	simm.s32 $0x5  }
.LBB2_1:
0x1a: {  	[dreg:$0xb] =	wrdreg s9  }
0x1b: {  	s8 =	rddreg [dreg:$0x5]  }
0x1c: {  	[tilespmem:s16], [sflag:$0x6] =	stream.linear.gather [hbm4b:s8+s4], $0x1000, $0x38;
	[tilespmem:$0x1E180] =	vst v63  }
0x1d: {  	_ =	swait.ge [sflag:s17], $0x1000  }
0x1e: {  	[sflag:s17] =	ssyncset.done $0x0  }
0x1f: {  	s9 =	rddreg [dreg:$0x6];
	[sflag:s17] =	ssyncadd.s32 $0xFFFFF000  }
0x20: {  	[tilespmem:s18], [sflag:$0x6] =	stream.linear.gather [hbm4b:s9+s4], $0x80, $0x38;
	[tilespmem:$0x1E180] =	vst v63  }
0x21: {  	_ =	swait.ge [sflag:s17], $0x80  }
0x22: {  	[sflag:s17] =	ssyncset.done $0x0  }
0x23: {  	s11 =	rddreg [dreg:$0x7];
	[sflag:s17] =	ssyncadd.s32 $0xFFFFFF80  }
0x24: {  	[tilespmem:s19], [sflag:$0x6] =	stream.linear.gather [hbm4b:s11+s4], $0x80, $0x38;
	[tilespmem:$0x1E180] =	vst v63  }
0x25: {  	_ =	swait.ge [sflag:s17], $0x80  }
0x26: {  	[sflag:s17] =	ssyncset.done $0x0  }
0x27: {  	s11 =	rddreg [dreg:$0x9];
	[sflag:s17] =	ssyncadd.s32 $0xFFFFFF80  }
0x28: {  	[spmem:s11] =	stream.linear.scatter [tilespmem:s16], [sflag:$0x6], $0x1000, $0x38;
	[tilespmem:$0x1E180] =	vst v63  }
0x29: {  	_ =	swait.ge [sflag:s17], $0x1000  }
0x2a: {  	[sflag:s17] =	ssyncset.done $0x0  }
0x2b: {  	s14 =	sadd.s32 $0x0, s10;
	[sflag:s17] =	ssyncadd.s32 $0xFFFFF000  }
0x2c: {  	[spmem:s14] =	stream.linear.scatter [tilespmem:s19], [sflag:$0x6], $0x80, $0x38;
	[tilespmem:$0x1E180] =	vst v63  }
0x2d: {  	_ =	swait.ge [sflag:s17], $0x80  }
0x2e: {  	s9 =	simm.s32 $0x200;
	[sflag:s17] =	ssyncset.done $0x0  }
.LBB2_2:
0x2f: {  	p0 =	sne.s32 s9, $0x3000;
	[sflag:s17] =	ssyncadd.s32 $0xFFFFFF80;
	s11 =	sadd.s32 $0x1000, s11  }
0x30: {  	[spmem:s11] =	stream.linear.scatter [tilespmem:s16], [sflag:$0x6], $0x1000, $0x38;
	[tilespmem:$0x1E180] =	vst v63  }
0x31: {  	s14 =	smov.u32 s9;
	s9 =	sadd.s32 $0x200, s9;
	_ =	swait.ge [sflag:s17], $0x1000  }
.Ltmp0:
0x32: {  	s14 =	sshra.s32 s14, $0x2;
	[sflag:s17] =	ssyncset.done $0x0;
	(pc) =	sbr.rel @p0 .LBB2_2-.Ltmp0, $4  }
0x33: {  	s14 =	sadd.s32 s14, s10;
	[sflag:s17] =	ssyncadd.s32 $0xFFFFF000  }
0x34: {  	[spmem:s14] =	stream.linear.scatter [tilespmem:s19], [sflag:$0x6], $0x80, $0x38;
	[tilespmem:$0x1E180] =	vst v63  }
0x35: {  	_ =	swait.ge [sflag:s17], $0x80  }
0x36: {  	[sflag:s17] =	ssyncset.done $0x0  }
0x37: {  	[sflag:s17] =	ssyncadd.s32 $0xFFFFFF80  }
0x38: {  	s9 =	sadd.s32 $0x0, s13;
	[bflag:$0x0] =	sbarrier.arrive $0xFFFF  }
0x39: {  	[tilespmem:s4], [sflag:$0x6] =	stream.linear.gather [hbm4b:s9+s4], $0x200, $0x38;
	[tilespmem:$0x1E180] =	vst v63  }
0x3a: {  	_ =	swait.ge [sflag:s17], $0x200  }
0x3b: {  	[sflag:s17] =	ssyncset.done $0x0  }
0x3c: {  	s14 =	sadd.s32 $0x0, s12;
	[sflag:s17] =	ssyncadd.s32 $0xFFFFFE00  }
0x3d: {  	[tilespmem:s20], [sflag:$0x6] =	stream.linear.gather [hbm4b:s14+s4], $0x200, $0x38;
	[tilespmem:$0x1E180] =	vst v63  }
0x3e: {  	_ =	swait.ge [sflag:s17], $0x200  }
0x3f: {  	[sflag:s17] =	ssyncset.done $0x0  }
0x40: {  	[sflag:s17] =	ssyncadd.s32 $0xFFFFFE00  }
0x41: {  	[tilespmem:s16], [sflag:$0x1] =	stream.indirect.gather [hbm4b:s5+s21], $0x20, s4, s21, $0xb8;
	[tilespmem:$0x1E180] =	vst v63  }
0x42: {  	_ = 	snop  }
0x43: {  	[tilespmem:s22], [sflag:$0x2] =	stream.indirect.gather [hbm4b:s5+s21], $0x20, s21, s21, $0xb8;
	[tilespmem:$0x1E180] =	vst v63  }
0x44: {  	_ = 	snop  }
0x45: {  	[tilespmem:s24], [sflag:$0x3] =	stream.indirect.gather [hbm4b:s5+s21], $0x20, s23, s21, $0xb8;
	[tilespmem:$0x1E180] =	vst v63  }
0x46: {  	_ = 	snop  }
0x47: {  	[tilespmem:s26], [sflag:$0x4] =	stream.indirect.gather [hbm4b:s5+s21], $0x20, s25, s21, $0xb8;
	[tilespmem:$0x1E180] =	vst v63  }
0x48: {  	_ =	swait.ge [sflag:s28], $0x1000  }
0x49: {  	[sflag:s28] =	ssyncset.done $0x0  }
0x4a: {  	[sflag:s28] =	ssyncadd.s32 $0xFFFFF000  }
0x4b: {  	[spmem:s2] =	stream.indirect.scatter.add.f32 [tilespmem:s16], [sflag:$0x5], $0x20, s20, s21, $0xb8;
	[tilespmem:$0x1E180] =	vst v63  }
0x4c: {  	_ = 	snop  }
0x4d: {  	[spmem:s3] =	stream.indirect.scatter.add.f32 [tilespmem:s18], [sflag:$0x6], $0x1, s20, s21, $0xb8;
	[tilespmem:$0x1E180] =	vst v63  }
0x4e: {  	_ =	swait.ge [sflag:s17], $0x80  }
0x4f: {  	[sflag:s17] =	ssyncset.done $0x0  }
0x50: {  	[sflag:s17] =	ssyncadd.s32 $0xFFFFFF80  }
0x51: {  	_ =	swait.ge [sflag:s29], $0x1000  }
0x52: {  	[sflag:s29] =	ssyncset.done $0x0  }
0x53: {  	[sflag:s29] =	ssyncadd.s32 $0xFFFFF000  }
0x54: {  	[spmem:s2] =	stream.indirect.scatter.add.f32 [tilespmem:s22], [sflag:$0x5], $0x20, s30, s21, $0xb8;
	[tilespmem:$0x1E180] =	vst v63  }
0x55: {  	_ = 	snop  }
0x56: {  	[spmem:s3] =	stream.indirect.scatter.add.f32 [tilespmem:s18], [sflag:$0x6], $0x1, s30, s21, $0xb8;
	[tilespmem:$0x1E180] =	vst v63  }
0x57: {  	_ =	swait.ge [sflag:s17], $0x80  }
0x58: {  	[sflag:s17] =	ssyncset.done $0x0  }
0x59: {  	[sflag:s17] =	ssyncadd.s32 $0xFFFFFF80  }
0x5a: {  	_ =	swait.ge [sflag:s31], $0x1000  }
0x5b: {  	[sflag:s31] =	ssyncset.done $0x0  }
0x5c: {  	[sflag:s31] =	ssyncadd.s32 $0xFFFFF000  }
0x5d: {  	[spmem:s2] =	stream.indirect.scatter.add.f32 [tilespmem:s24], [sflag:$0x5], $0x20, s0, s21, $0xb8;
	[tilespmem:$0x1E180] =	vst v63  }
0x5e: {  	_ = 	snop  }
0x5f: {  	[spmem:s3] =	stream.indirect.scatter.add.f32 [tilespmem:s18], [sflag:$0x6], $0x1, s0, s21, $0xb8;
	[tilespmem:$0x1E180] =	vst v63  }
0x60: {  	_ =	swait.ge [sflag:s17], $0x80  }
0x61: {  	[sflag:s17] =	ssyncset.done $0x0  }
0x62: {  	[sflag:s17] =	ssyncadd.s32 $0xFFFFFF80  }
0x63: {  	_ =	swait.ge [sflag:s1], $0x1000  }
0x64: {  	[sflag:s1] =	ssyncset.done $0x0  }
0x65: {  	[sflag:s1] =	ssyncadd.s32 $0xFFFFF000  }
0x66: {  	[spmem:s2] =	stream.indirect.scatter.add.f32 [tilespmem:s26], [sflag:$0x5], $0x20, s6, s21, $0xb8;
	[tilespmem:$0x1E180] =	vst v63  }
0x67: {  	_ = 	snop  }
0x68: {  	[spmem:s3] =	stream.indirect.scatter.add.f32 [tilespmem:s18], [sflag:$0x6], $0x1, s6, s21, $0xb8;
	[tilespmem:$0x1E180] =	vst v63  }
0x69: {  	_ =	swait.ge [sflag:s17], $0x80  }
0x6a: {  	[sflag:s17] =	ssyncset.done $0x0  }
0x6b: {  	[sflag:s17] =	ssyncadd.s32 $0xFFFFFF80  }
0x6c: {  	_ =	swait.ge [sflag:s7], $0x1000  }
0x6d: {  	[sflag:s7] =	ssyncset.done $0x0  }
0x6e: {  	[sflag:s7] =	ssyncadd.s32 $0xFFFFF000  }
0x6f: {  	_ =	swait.ge [sflag:s7], $0x1000  }
0x70: {  	[sflag:s7] =	ssyncset.done $0x0  }
0x71: {  	[sflag:s7] =	ssyncadd.s32 $0xFFFFF000  }
0x72: {  	_ =	swait.ge [sflag:s7], $0x1000  }
0x73: {  	[sflag:s7] =	ssyncset.done $0x0  }
0x74: {  	[sflag:s7] =	ssyncadd.s32 $0xFFFFF000  }
0x75: {  	_ =	swait.ge [sflag:s7], $0x1000  }
0x76: {  	s11 =	simm.s32 $0x80;
	s9 =	simm.s32 $0x40;
	[sflag:s7] =	ssyncset.done $0x0  }
.LBB2_4:
0x77: {  	s8 =	sadd.s32 s9, s13  }
0x78: {  	[sflag:s7] =	ssyncadd.s32 $0xFFFFF000;
	s23 =	smov.u32 s11;
	s14 =	sadd.s32 $0x40, s11  }
0x79: {  	[tilespmem:s4], [sflag:$0x6] =	stream.linear.gather [hbm4b:s8+s4], $0x200, $0x38;
	[tilespmem:$0x1E180] =	vst v63  }
0x7a: {  	p0 =	sne.s32 s11, $0xC00;
	_ =	swait.ge [sflag:s17], $0x200  }
0x7b: {  	s8 =	sadd.s32 s9, s12;
	[sflag:s17] =	ssyncset.done $0x0  }
0x7c: {  	s9 =	smov.u32 s23;
	s23 =	simm.s32 $0x100;
	[sflag:s17] =	ssyncadd.s32 $0xFFFFFE00  }
0x7d: {  	[tilespmem:s20], [sflag:$0x6] =	stream.linear.gather [hbm4b:s8+s4], $0x200, $0x38;
	[tilespmem:$0x1E180] =	vst v63  }
0x7e: {  	_ =	swait.ge [sflag:s17], $0x200  }
0x7f: {  	[sflag:s17] =	ssyncset.done $0x0  }
0x80: {  	[sflag:s17] =	ssyncadd.s32 $0xFFFFFE00  }
0x81: {  	[tilespmem:s16], [sflag:$0x1] =	stream.indirect.gather [hbm4b:s5+s21], $0x20, s4, s21, $0xb8;
	[tilespmem:$0x1E180] =	vst v63  }
0x82: {  	_ = 	snop  }
0x83: {  	[tilespmem:s22], [sflag:$0x2] =	stream.indirect.gather [hbm4b:s5+s21], $0x20, s21, s21, $0xb8;
	[tilespmem:$0x1E180] =	vst v63  }
0x84: {  	_ = 	snop  }
0x85: {  	[tilespmem:s24], [sflag:$0x3] =	stream.indirect.gather [hbm4b:s5+s21], $0x20, s23, s21, $0xb8;
	[tilespmem:$0x1E180] =	vst v63  }
0x86: {  	_ = 	snop  }
0x87: {  	[tilespmem:s26], [sflag:$0x4] =	stream.indirect.gather [hbm4b:s5+s21], $0x20, s25, s21, $0xb8;
	[tilespmem:$0x1E180] =	vst v63  }
0x88: {  	_ =	swait.ge [sflag:s28], $0x1000  }
0x89: {  	[sflag:s28] =	ssyncset.done $0x0  }
0x8a: {  	[sflag:s28] =	ssyncadd.s32 $0xFFFFF000  }
0x8b: {  	[spmem:s2] =	stream.indirect.scatter.add.f32 [tilespmem:s16], [sflag:$0x5], $0x20, s20, s21, $0xb8;
	[tilespmem:$0x1E180] =	vst v63  }
0x8c: {  	_ = 	snop  }
0x8d: {  	[spmem:s3] =	stream.indirect.scatter.add.f32 [tilespmem:s18], [sflag:$0x6], $0x1, s20, s21, $0xb8;
	[tilespmem:$0x1E180] =	vst v63  }
0x8e: {  	_ =	swait.ge [sflag:s17], $0x80  }
0x8f: {  	[sflag:s17] =	ssyncset.done $0x0  }
0x90: {  	[sflag:s17] =	ssyncadd.s32 $0xFFFFFF80  }
0x91: {  	_ =	swait.ge [sflag:s29], $0x1000  }
0x92: {  	[sflag:s29] =	ssyncset.done $0x0  }
0x93: {  	[sflag:s29] =	ssyncadd.s32 $0xFFFFF000  }
0x94: {  	[spmem:s2] =	stream.indirect.scatter.add.f32 [tilespmem:s22], [sflag:$0x5], $0x20, s30, s21, $0xb8;
	[tilespmem:$0x1E180] =	vst v63  }
0x95: {  	_ = 	snop  }
0x96: {  	[spmem:s3] =	stream.indirect.scatter.add.f32 [tilespmem:s18], [sflag:$0x6], $0x1, s30, s21, $0xb8;
	[tilespmem:$0x1E180] =	vst v63  }
0x97: {  	_ =	swait.ge [sflag:s17], $0x80  }
0x98: {  	[sflag:s17] =	ssyncset.done $0x0  }
0x99: {  	[sflag:s17] =	ssyncadd.s32 $0xFFFFFF80  }
0x9a: {  	_ =	swait.ge [sflag:s31], $0x1000  }
0x9b: {  	[sflag:s31] =	ssyncset.done $0x0  }
0x9c: {  	[sflag:s31] =	ssyncadd.s32 $0xFFFFF000  }
0x9d: {  	[spmem:s2] =	stream.indirect.scatter.add.f32 [tilespmem:s24], [sflag:$0x5], $0x20, s0, s21, $0xb8;
	[tilespmem:$0x1E180] =	vst v63  }
0x9e: {  	_ = 	snop  }
0x9f: {  	[spmem:s3] =	stream.indirect.scatter.add.f32 [tilespmem:s18], [sflag:$0x6], $0x1, s0, s21, $0xb8;
	[tilespmem:$0x1E180] =	vst v63  }
0xa0: {  	_ =	swait.ge [sflag:s17], $0x80  }
0xa1: {  	[sflag:s17] =	ssyncset.done $0x0  }
0xa2: {  	[sflag:s17] =	ssyncadd.s32 $0xFFFFFF80  }
0xa3: {  	_ =	swait.ge [sflag:s1], $0x1000  }
0xa4: {  	[sflag:s1] =	ssyncset.done $0x0  }
0xa5: {  	[sflag:s1] =	ssyncadd.s32 $0xFFFFF000  }
0xa6: {  	[spmem:s2] =	stream.indirect.scatter.add.f32 [tilespmem:s26], [sflag:$0x5], $0x20, s6, s21, $0xb8;
	[tilespmem:$0x1E180] =	vst v63  }
0xa7: {  	_ = 	snop  }
0xa8: {  	[spmem:s3] =	stream.indirect.scatter.add.f32 [tilespmem:s18], [sflag:$0x6], $0x1, s6, s21, $0xb8;
	[tilespmem:$0x1E180] =	vst v63  }
0xa9: {  	_ =	swait.ge [sflag:s17], $0x80  }
0xaa: {  	[sflag:s17] =	ssyncset.done $0x0  }
0xab: {  	[sflag:s17] =	ssyncadd.s32 $0xFFFFFF80  }
0xac: {  	_ =	swait.ge [sflag:s7], $0x1000  }
0xad: {  	[sflag:s7] =	ssyncset.done $0x0  }
0xae: {  	[sflag:s7] =	ssyncadd.s32 $0xFFFFF000  }
0xaf: {  	_ =	swait.ge [sflag:s7], $0x1000  }
0xb0: {  	[sflag:s7] =	ssyncset.done $0x0  }
0xb1: {  	[sflag:s7] =	ssyncadd.s32 $0xFFFFF000  }
.Ltmp1:
0xb2: {  	_ =	swait.ge [sflag:s7], $0x1000;
	(pc) =	sbr.rel @p0 .LBB2_4-.Ltmp1, $4  }
0xb3: {  	[sflag:s7] =	ssyncset.done $0x0  }
0xb4: {  	[sflag:s7] =	ssyncadd.s32 $0xFFFFF000  }
0xb5: {  	_ =	swait.ge [sflag:s7], $0x1000  }
0xb6: {  	s11 =	smov.u32 s14;
	[sflag:s7] =	ssyncset.done $0x0  }
0xb7: {  	s8 =	sadd.s32 s9, s13;
	[sflag:s7] =	ssyncadd.s32 $0xFFFFF000  }
0xb8: {  	[tilespmem:s4], [sflag:$0x6] =	stream.linear.gather [hbm4b:s8+s4], $0x200, $0x38;
	[tilespmem:$0x1E180] =	vst v63  }
0xb9: {  	_ =	swait.ge [sflag:s17], $0x200  }
0xba: {  	[sflag:s17] =	ssyncset.done $0x0  }
0xbb: {  	s11 =	sadd.s32 s9, s12;
	[sflag:s17] =	ssyncadd.s32 $0xFFFFFE00  }
0xbc: {  	[tilespmem:s20], [sflag:$0x6] =	stream.linear.gather [hbm4b:s11+s4], $0x200, $0x38;
	[tilespmem:$0x1E180] =	vst v63  }
0xbd: {  	_ =	swait.ge [sflag:s17], $0x200  }
0xbe: {  	[sflag:s17] =	ssyncset.done $0x0  }
0xbf: {  	[sflag:s17] =	ssyncadd.s32 $0xFFFFFE00  }
0xc0: {  	[tilespmem:s16], [sflag:$0x1] =	stream.indirect.gather [hbm4b:s5+s21], $0x20, s4, s21, $0xb8;
	[tilespmem:$0x1E180] =	vst v63  }
0xc1: {  	_ = 	snop  }
0xc2: {  	[tilespmem:s22], [sflag:$0x2] =	stream.indirect.gather [hbm4b:s5+s21], $0x20, s21, s21, $0xb8;
	[tilespmem:$0x1E180] =	vst v63  }
0xc3: {  	_ = 	snop  }
0xc4: {  	[tilespmem:s24], [sflag:$0x3] =	stream.indirect.gather [hbm4b:s5+s21], $0x20, s23, s21, $0xb8;
	[tilespmem:$0x1E180] =	vst v63  }
0xc5: {  	_ = 	snop  }
0xc6: {  	[tilespmem:s26], [sflag:$0x4] =	stream.indirect.gather [hbm4b:s5+s21], $0x20, s25, s21, $0xb8;
	[tilespmem:$0x1E180] =	vst v63  }
0xc7: {  	_ =	swait.ge [sflag:s28], $0x1000  }
0xc8: {  	[sflag:s28] =	ssyncset.done $0x0  }
0xc9: {  	[sflag:s28] =	ssyncadd.s32 $0xFFFFF000  }
0xca: {  	[spmem:s2] =	stream.indirect.scatter.add.f32 [tilespmem:s16], [sflag:$0x5], $0x20, s20, s21, $0xb8;
	[tilespmem:$0x1E180] =	vst v63  }
0xcb: {  	_ = 	snop  }
0xcc: {  	[spmem:s3] =	stream.indirect.scatter.add.f32 [tilespmem:s18], [sflag:$0x6], $0x1, s20, s21, $0xb8;
	[tilespmem:$0x1E180] =	vst v63  }
0xcd: {  	_ =	swait.ge [sflag:s17], $0x80  }
0xce: {  	[sflag:s17] =	ssyncset.done $0x0  }
0xcf: {  	[sflag:s17] =	ssyncadd.s32 $0xFFFFFF80  }
0xd0: {  	_ =	swait.ge [sflag:s29], $0x1000  }
0xd1: {  	[sflag:s29] =	ssyncset.done $0x0  }
0xd2: {  	[sflag:s29] =	ssyncadd.s32 $0xFFFFF000  }
0xd3: {  	[spmem:s2] =	stream.indirect.scatter.add.f32 [tilespmem:s22], [sflag:$0x5], $0x20, s30, s21, $0xb8;
	[tilespmem:$0x1E180] =	vst v63  }
0xd4: {  	_ = 	snop  }
0xd5: {  	[spmem:s3] =	stream.indirect.scatter.add.f32 [tilespmem:s18], [sflag:$0x6], $0x1, s30, s21, $0xb8;
	[tilespmem:$0x1E180] =	vst v63  }
0xd6: {  	_ =	swait.ge [sflag:s17], $0x80  }
0xd7: {  	[sflag:s17] =	ssyncset.done $0x0  }
0xd8: {  	[sflag:s17] =	ssyncadd.s32 $0xFFFFFF80  }
0xd9: {  	_ =	swait.ge [sflag:s31], $0x1000  }
0xda: {  	[sflag:s31] =	ssyncset.done $0x0  }
0xdb: {  	[sflag:s31] =	ssyncadd.s32 $0xFFFFF000  }
0xdc: {  	[spmem:s2] =	stream.indirect.scatter.add.f32 [tilespmem:s24], [sflag:$0x5], $0x20, s0, s21, $0xb8;
	[tilespmem:$0x1E180] =	vst v63  }
0xdd: {  	_ = 	snop  }
0xde: {  	[spmem:s3] =	stream.indirect.scatter.add.f32 [tilespmem:s18], [sflag:$0x6], $0x1, s0, s21, $0xb8;
	[tilespmem:$0x1E180] =	vst v63  }
0xdf: {  	_ =	swait.ge [sflag:s17], $0x80  }
0xe0: {  	[sflag:s17] =	ssyncset.done $0x0  }
0xe1: {  	[sflag:s17] =	ssyncadd.s32 $0xFFFFFF80  }
0xe2: {  	_ =	swait.ge [sflag:s1], $0x1000  }
0xe3: {  	[sflag:s1] =	ssyncset.done $0x0  }
0xe4: {  	[sflag:s1] =	ssyncadd.s32 $0xFFFFF000  }
0xe5: {  	[spmem:s2] =	stream.indirect.scatter.add.f32 [tilespmem:s26], [sflag:$0x5], $0x20, s6, s21, $0xb8;
	[tilespmem:$0x1E180] =	vst v63  }
0xe6: {  	_ = 	snop  }
0xe7: {  	[spmem:s3] =	stream.indirect.scatter.add.f32 [tilespmem:s18], [sflag:$0x6], $0x1, s6, s21, $0xb8;
	[tilespmem:$0x1E180] =	vst v63  }
0xe8: {  	_ =	swait.ge [sflag:s17], $0x80  }
0xe9: {  	[sflag:s17] =	ssyncset.done $0x0  }
0xea: {  	[sflag:s17] =	ssyncadd.s32 $0xFFFFFF80  }
0xeb: {  	_ =	swait.ge [sflag:s7], $0x1000  }
0xec: {  	[sflag:s7] =	ssyncset.done $0x0  }
0xed: {  	[sflag:s7] =	ssyncadd.s32 $0xFFFFF000  }
0xee: {  	_ =	swait.ge [sflag:s7], $0x1000  }
0xef: {  	[sflag:s7] =	ssyncset.done $0x0  }
0xf0: {  	[sflag:s7] =	ssyncadd.s32 $0xFFFFF000  }
0xf1: {  	_ =	swait.ge [sflag:s7], $0x1000  }
0xf2: {  	[sflag:s7] =	ssyncset.done $0x0  }
0xf3: {  	[sflag:s7] =	ssyncadd.s32 $0xFFFFF000  }
0xf4: {  	_ =	swait.ge [sflag:s7], $0x1000  }
0xf5: {  	[sflag:s7] =	ssyncset.done $0x0  }
0xf6: {  	[sflag:s7] =	ssyncadd.s32 $0xFFFFF000  }
0xf7: {  	[bflag:$0x0] =	sbarrier.arrive $0xFFFF  }
0xf8: {  	s11 =	rddreg [dreg:$0x9]  }
0xf9: {  	[tilespmem:s16], [sflag:$0x6] =	stream.linear.gather [spmem:s11], $0x1000, $0x38;
	[tilespmem:$0x1E180] =	vst v63  }
0xfa: {  	_ =	swait.ge [sflag:s17], $0x1000  }
0xfb: {  	[sflag:s17] =	ssyncset.done $0x0  }
0xfc: {  	s14 =	sadd.s32 $0x0, s15;
	[sflag:s17] =	ssyncadd.s32 $0xFFFFF000  }
0xfd: {  	[hbm4b:s14+s4] =	stream.linear.scatter [tilespmem:s16], [sflag:$0x6], $0x1000, $0x38;
	[tilespmem:$0x1E180] =	vst v63  }
0xfe: {  	_ =	swait.ge [sflag:s17], $0x1000  }
0xff: {  	[sflag:s17] =	ssyncset.done $0x0  }
0x100: {  	s23 =	sadd.s32 $0x0, s10;
	[sflag:s17] =	ssyncadd.s32 $0xFFFFF000  }
0x101: {  	[tilespmem:s19], [sflag:$0x6] =	stream.linear.gather [spmem:s23], $0x80, $0x38;
	[tilespmem:$0x1E180] =	vst v63  }
0x102: {  	_ =	swait.ge [sflag:s17], $0x80  }
0x103: {  	[sflag:s17] =	ssyncset.done $0x0  }
0x104: {  	s14 =	rddreg [dreg:$0xa];
	[sflag:s17] =	ssyncadd.s32 $0xFFFFFF80  }
0x105: {  	[hbm4b:s14+s4] =	stream.linear.scatter [tilespmem:s19], [sflag:$0x6], $0x80, $0x38;
	[tilespmem:$0x1E180] =	vst v63  }
0x106: {  	_ =	swait.ge [sflag:s17], $0x80  }
0x107: {  	s9 =	simm.s32 $0x200;
	[sflag:s17] =	ssyncset.done $0x0  }
.LBB2_6:
0x108: {  	[sflag:s17] =	ssyncadd.s32 $0xFFFFFF80  }
0x109: {  	s14 =	sadd.s32 $0x10, s14;
	s11 =	sadd.s32 $0x1000, s11;
	s8 =	smov.u32 s9  }
0x10a: {  	[tilespmem:s16], [sflag:$0x6] =	stream.linear.gather [spmem:s11], $0x1000, $0x38;
	[tilespmem:$0x1E180] =	vst v63  }
0x10b: {  	p0 =	sne.s32 s9, $0x3000;
	s9 =	sadd.s32 $0x200, s9;
	_ =	swait.ge [sflag:s17], $0x1000  }
0x10c: {  	[sflag:s17] =	ssyncset.done $0x0  }
0x10d: {  	s23 =	sadd.s32 s8, s15;
	[sflag:s17] =	ssyncadd.s32 $0xFFFFF000  }
0x10e: {  	[hbm4b:s23+s4] =	stream.linear.scatter [tilespmem:s16], [sflag:$0x6], $0x1000, $0x38;
	[tilespmem:$0x1E180] =	vst v63  }
0x10f: {  	_ =	swait.ge [sflag:s17], $0x1000  }
0x110: {  	s8 =	sshra.s32 s8, $0x2;
	[sflag:s17] =	ssyncset.done $0x0  }
0x111: {  	s8 =	sadd.s32 s8, s10;
	[sflag:s17] =	ssyncadd.s32 $0xFFFFF000  }
0x112: {  	[tilespmem:s19], [sflag:$0x6] =	stream.linear.gather [spmem:s8], $0x80, $0x38;
	[tilespmem:$0x1E180] =	vst v63  }
0x113: {  	_ =	swait.ge [sflag:s17], $0x80  }
.Ltmp2:
0x114: {  	[sflag:s17] =	ssyncset.done $0x0;
	(pc) =	sbr.rel @p0 .LBB2_6-.Ltmp2, $4  }
0x115: {  	[sflag:s17] =	ssyncadd.s32 $0xFFFFFF80  }
0x116: {  	[hbm4b:s14+s4] =	stream.linear.scatter [tilespmem:s19], [sflag:$0x6], $0x80, $0x38;
	[tilespmem:$0x1E180] =	vst v63  }
0x117: {  	_ =	swait.ge [sflag:s17], $0x80  }
0x118: {  	[sflag:s17] =	ssyncset.done $0x0  }
0x119: {  	s9 =	rddreg [dreg:$0xb]  }
0x11a: {  	s8 =	rddreg [dreg:$0x8];
	s9 =	sadd.s32 $0x1, s9  }
0x11b: {  	p0 =	sne.s32 s9, s8  }
.Ltmp3:
0x11c: {  	_ = 	snop;
	(pc) =	sbr.rel @p0 .LBB2_1-.Ltmp3, $2  }
0x11d: {  	_ =	sdelay $0x2  }
0x11e: {  	[sflag:s17] =	ssyncadd.s32 $0xFFFFFF80;
	s23 =	simm.s32 $0x100  }
0x11f: {  	_ =	sfence.sel $0x180000  }
0x120: {  	[bflag:$0x0] =	sbarrier.arrive $0xFFFF  }
0x121: {  	_ =	strace $0x90000047  }
0x122: {  	s0 =	stileid.u32;
	[bflag:$0x2] =	sbarrier.arrive $0xFFFF  }
0x123: {  	p0 =	sne.s32 s0, $0x0;
	s0 =	rddreg [dreg:$0x4]  }
0x124: {  	s0 =	sadd.s32 @!p0 $0x100000, s0  }
0x125: {  	[sflag:s0] =	ssyncadd.tile.s32 @!p0 $0x1;
	_ =	shalt  }
.Lfunc_end2:
_tile_overlayer_lowered:
.L_overlay_start_2:
0x126: {  	(tag) =	ssettag $0x2  }
0x127: {  	s0 =	rddreg [dreg:$0x0];
	s2 =	stileid.u32  }
0x128: {  	s1 =	rddreg [dreg:$0x1];
	p0 =	sne.s32 s2, $0x0  }
0x129: {  	s3 =	rddreg [dreg:$0x2];
	[bflag:$0x3] =	sbarrier.arrive $0xFFFF;
	s2 =	simm.s32 @!p0 $0x1C06  }
0x12a: {  	[timem:s3], [sflag:s2] =	dma.local @!p0 [hbm:s0], s1  }
0x12b: {  	s0 =	simm.s32 @!p0 $0x6  }
0x12c: {  	_ =	swait.ge @!p0 [sflag:s0], s1  }
0x12d: {  	s1 =	ssub.s32 @!p0 $0x0, s1;
	[sflag:s0] =	ssyncset.done @!p0 $0x0  }
0x12e: {  	[sflag:s0] =	ssyncadd.s32 @!p0 s1  }
0x12f: {  	[bflag:$0x3] =	sbarrier.arrive $0xFFFF  }
0x130: {  	_ =	shalt  }

</sc_bundles>
